<compile_context>
chip_gen: v7x
topology: tpu7x:2x2x1
jax: 0.10.2.dev20260603
libtpu: 0.0.44.dev20260713+nightly
codegen_flags: <defaults>
</compile_context>

<pallas_src>
import functools

import jax
import jax.numpy as jnp
from jax import lax
from jax.experimental import pallas as pl
from jax.experimental.pallas import tpu as pltpu
from jax.experimental.pallas import tpu_sc as plsc

NC = 2
NS = 16
NW = NC * NS
CHUNK = 128
ZROWS = 128
DW = 8
NBUF = 4


def _cdiv(a, b):
    return (a + b - 1) // b


def _sc_mesh():
    return plsc.VectorSubcoreMesh(core_axis_name="c", subcore_axis_name="s",
                                  num_cores=NC, num_subcores=NS)


_SC_PARAMS = pltpu.CompilerParams(use_tc_tiling_on_sc=False)


def _deg_kernel(acc_rows, nch):
    rows_per_tile = acc_rows // NS
    nz = rows_per_tile // ZROWS

    @functools.partial(
        pl.kernel,
        out_type=jax.ShapeDtypeStruct((NC, acc_rows, 128), jnp.float32),
        mesh=_sc_mesh(),
        scratch_types=[
            pltpu.VMEM((nch, CHUNK), jnp.int32),
            pltpu.VMEM((CHUNK, DW), jnp.float32),
            pltpu.VMEM_SHARED((acc_rows, DW), jnp.float32),
            pltpu.SemaphoreType.DMA,
        ],
        compiler_params=_SC_PARAMS,
    )
    def k(ep, ones8, zer8, out, dst_v, ones_v, acc, dsem):
        cid = lax.axis_index("c")
        sid = lax.axis_index("s")
        wid = sid * NC + cid
        for b in range(nz):
            pltpu.sync_copy(
                zer8, acc.at[pl.ds(sid * rows_per_tile + b * ZROWS, ZROWS)])
        pltpu.sync_copy(ones8, ones_v)
        pltpu.sync_copy(ep.at[1, wid], dst_v)
        plsc.subcore_barrier()

        def body(j, carry):
            pltpu.async_copy(ones_v, acc.at[dst_v.at[j]], dsem, add=True)
            return carry

        lax.fori_loop(0, nch, body, 0)

        def drain(j, carry):
            pltpu.make_async_copy(ones_v, acc.at[dst_v.at[j]], dsem).wait()
            return carry

        lax.fori_loop(0, nch, drain, 0)
        plsc.subcore_barrier()
        for b in range(nz):
            off = sid * rows_per_tile + b * ZROWS
            pltpu.sync_copy(acc.at[pl.ds(off, ZROWS)],
                            out.at[cid, pl.ds(off, ZROWS), pl.ds(0, DW)])

    return k


def _agg_kernel(acc_rows, nch, d):
    rows_per_tile = acc_rows // NS
    nz = rows_per_tile // ZROWS
    n16 = d // 16

    @functools.partial(
        pl.kernel,
        out_type=jax.ShapeDtypeStruct((NC, acc_rows, 128), jnp.float32),
        mesh=_sc_mesh(),
        scratch_types=[
            pltpu.VMEM((nch, CHUNK), jnp.int32),
            pltpu.VMEM((nch, CHUNK), jnp.int32),
            pltpu.VMEM((NBUF, CHUNK, d), jnp.float32),
            pltpu.VMEM((ZROWS, d), jnp.float32),
            pltpu.VMEM((ZROWS, d), jnp.float32),
            pltpu.VMEM_SHARED((acc_rows, d), jnp.float32),
            pltpu.VMEM_SHARED((acc_rows, d), jnp.float32),
        ] + [pltpu.SemaphoreType.DMA] * (2 * NBUF),
        compiler_params=_SC_PARAMS,
    )
    def k(table, ep, out, src_v, dst_v, rows_v, buf, zero_v, acc, table_sh,
          *sems):
        gsem = sems[:NBUF]
        ssem = sems[NBUF:]
        cid = lax.axis_index("c")
        sid = lax.axis_index("s")
        wid = sid * NC + cid
        zero16 = jnp.zeros((16,), jnp.float32)

        def fill(i, carry):
            for t in range(n16):
                zero_v[i, pl.ds(t * 16, 16)] = zero16
            return carry

        lax.fori_loop(0, ZROWS, fill, 0)
        for b in range(nz):
            off = sid * rows_per_tile + b * ZROWS
            pltpu.sync_copy(table.at[pl.ds(off, ZROWS), pl.ds(0, d)], buf)
            pltpu.sync_copy(buf, table_sh.at[pl.ds(off, ZROWS)])

            @pl.when(cid == 0)
            def _():
                pltpu.sync_copy(buf, acc.at[pl.ds(off, ZROWS)])

            @pl.when(cid != 0)
            def _():
                pltpu.sync_copy(zero_v, acc.at[pl.ds(off, ZROWS)])

        pltpu.sync_copy(ep.at[0, wid], src_v)
        pltpu.sync_copy(ep.at[1, wid], dst_v)
        plsc.subcore_barrier()

        for b in range(NBUF):
            pltpu.async_copy(table_sh.at[src_v.at[b]], rows_v.at[b], gsem[b])

        def body(i, carry):
            for b in range(NBUF):
                j = NBUF * i + b
                pltpu.make_async_copy(table_sh.at[src_v.at[j]], rows_v.at[b],
                                      gsem[b]).wait()
                pltpu.async_copy(rows_v.at[b], acc.at[dst_v.at[j]], ssem[b],
                                 add=True)

                @pl.when(j + NBUF < nch)
                def _():
                    pltpu.make_async_copy(rows_v.at[b], acc.at[dst_v.at[j]],
                                          ssem[b]).wait()
                    pltpu.async_copy(table_sh.at[src_v.at[j + NBUF]],
                                     rows_v.at[b], gsem[b])

            return carry

        lax.fori_loop(0, nch // NBUF, body, 0)
        for b in range(NBUF):
            j = nch - NBUF + b
            pltpu.make_async_copy(rows_v.at[b], acc.at[dst_v.at[j]],
                                  ssem[b]).wait()
        plsc.subcore_barrier()
        for b in range(nz):
            off = sid * rows_per_tile + b * ZROWS
            pltpu.sync_copy(acc.at[pl.ds(off, ZROWS)],
                            out.at[cid, pl.ds(off, ZROWS), pl.ds(0, d)])

    return k


def _mm1_call(x, W1, degp, acc_rows):
    n = x.shape[0]
    d = W1.shape[1]

    def body(x_ref, w_ref, dg_ref, hs_ref, dinv_ref):
        deg = dg_ref[0, :n, 0:1] + dg_ref[1, :n, 0:1] + 1.0
        dinv = lax.rsqrt(deg)
        h = jnp.dot(x_ref[...], w_ref[...], preferred_element_type=jnp.float32)
        hs_ref[0:n, :] = jnp.concatenate(
            [h * dinv, jnp.zeros((n, 128 - d), jnp.float32)], axis=1)
        hs_ref[n:acc_rows, :] = jnp.zeros((acc_rows - n, 128), jnp.float32)
        dinv_ref[...] = dinv

    return pl.pallas_call(
        body,
        out_shape=(jax.ShapeDtypeStruct((acc_rows, 128), jnp.float32),
                   jax.ShapeDtypeStruct((n, 1), jnp.float32)),
    )(x, W1, degp)


def _mid_call(p, dinv, b1, gamma, beta, W2, acc_rows):
    n = dinv.shape[0]
    d = W2.shape[0]

    def body(p_ref, dinv_ref, b1_ref, g_ref, be_ref, w2_ref, gs_ref):
        dinv_v = dinv_ref[...]
        agg = p_ref[0, :n, 0:d] + p_ref[1, :n, 0:d]
        h1 = agg * dinv_v + b1_ref[...]
        mean = jnp.mean(h1, axis=0, keepdims=True)
        cent = h1 - mean
        var = jnp.mean(cent * cent, axis=0, keepdims=True)
        h2 = jnp.maximum(
            g_ref[...] * cent * lax.rsqrt(var + 1e-5) + be_ref[...], 0.0)
        g2 = jnp.dot(h2, w2_ref[...], preferred_element_type=jnp.float32)
        gs_ref[0:n, :] = jnp.concatenate(
            [g2 * dinv_v, jnp.zeros((n, 128 - d), jnp.float32)], axis=1)
        gs_ref[n:acc_rows, :] = jnp.zeros((acc_rows - n, 128), jnp.float32)

    return pl.pallas_call(
        body,
        out_shape=jax.ShapeDtypeStruct((acc_rows, 128), jnp.float32),
    )(p, dinv, b1, gamma, beta, W2)


def _out_call(p, dinv, b2):
    n = dinv.shape[0]
    d = b2.shape[1]

    def body(p_ref, dinv_ref, b2_ref, out_ref):
        agg = p_ref[0, :n, 0:d] + p_ref[1, :n, 0:d]
        out_ref[...] = agg * dinv_ref[...] + b2_ref[...]

    return pl.pallas_call(
        body,
        out_shape=jax.ShapeDtypeStruct((n, d), jnp.float32),
    )(p, dinv, b2)


def kernel(x, edge_index, W1, b1, gamma, beta, W2, b2):
    n = x.shape[0]
    e = edge_index.shape[1]
    d = W1.shape[1]

    nch = _cdiv(_cdiv(e, NW * CHUNK), NBUF) * NBUF
    pad = nch * CHUNK * NW - e
    ep = jnp.pad(edge_index.astype(jnp.int32), ((0, 0), (0, pad)),
                 constant_values=n).reshape(2, NW, nch, CHUNK)

    acc_rows = _cdiv(n + 1, NS * ZROWS) * NS * ZROWS

    ones8 = jnp.ones((CHUNK, DW), jnp.float32)
    zer8 = jnp.zeros((ZROWS, DW), jnp.float32)
    degp = _deg_kernel(acc_rows, nch)(ep, ones8, zer8)
    hs, dinv = _mm1_call(x, W1, degp, acc_rows)

    agg = _agg_kernel(acc_rows, nch, d)
    p1 = agg(hs, ep)
    gs = _mid_call(p1, dinv, b1.reshape(1, d), gamma.reshape(1, d),
                   beta.reshape(1, d), W2, acc_rows)
    p2 = agg(gs, ep)
    return _out_call(p2, dinv, b2.reshape(1, d))

# --- scband reference (transcript-rebuilt; emitter-appended) ---
"""Pipeline reference for scband-graph-encoder-42631845380409 (READ-ONLY COPY).

The authoritative reference and input builder live on the scoring server;
editing this copy changes nothing except your own understanding.
"""

import jax, jax.numpy as jnp
import numpy as np

N = 10000
E = 320000
D_IN = 128
D_H = 32


def gcn_conv(x, edge_index, W, b, num_nodes):
    # PyG GCNConv: add self-loops, symmetric normalization D^-1/2 (A+I) D^-1/2 X W + b
    src = edge_index[0]
    dst = edge_index[1]
    loop = jnp.arange(num_nodes, dtype=edge_index.dtype)
    src = jnp.concatenate([src, loop])
    dst = jnp.concatenate([dst, loop])
    ones = jnp.ones(src.shape[0], dtype=x.dtype)
    deg = jnp.zeros((num_nodes,), dtype=x.dtype).at[dst].add(ones)
    deg_inv_sqrt = jnp.where(deg > 0, jax.lax.rsqrt(jnp.maximum(deg, 1e-12)), 0.0)
    norm = deg_inv_sqrt[src] * deg_inv_sqrt[dst]
    h = x @ W
    msg = h[src] * norm[:, None]
    out = jax.ops.segment_sum(msg, dst, num_segments=num_nodes)
    return out + b


def batch_norm(x, gamma, beta, eps=1e-5):
    mean = jnp.mean(x, axis=0)
    var = jnp.var(x, axis=0)
    return gamma * (x - mean) * jax.lax.rsqrt(var + eps) + beta


def setup_inputs(seed: int = 0) -> dict:
    key = jax.random.key(seed)
    k1, k2, k3, k4, k5 = jax.random.split(key, 5)
    x = jax.random.normal(k1, (N, D_IN), dtype=jnp.float32)
    edge_index = jax.random.randint(k2, (2, E), 0, N, dtype=jnp.int64)
    W1 = jax.random.normal(k3, (D_IN, D_H), dtype=jnp.float32) * 0.05
    b1 = jnp.zeros((D_H,), dtype=jnp.float32)
    gamma = jnp.ones((D_H,), dtype=jnp.float32)
    beta = jnp.zeros((D_H,), dtype=jnp.float32)
    W2 = jax.random.normal(k4, (D_H, D_H), dtype=jnp.float32) * 0.05
    b2 = jnp.zeros((D_H,), dtype=jnp.float32)
    return {"x": x, "edge_index": edge_index, "W1": W1, "b1": b1, "gamma": gamma, "beta": beta, "W2": W2, "b2": b2}


def reference(x, edge_index, W1, b1, gamma, beta, W2, b2):
    h = gcn_conv(x, edge_index, W1, b1, N)
    h = jax.nn.relu(batch_norm(h, gamma, beta))
    # dropout is identity in eval mode
    out = gcn_conv(h, edge_index, W2, b2, N)
    return out

if __name__ == "__main__":
    import jax
    _d = setup_inputs()
    print(jax.jit(kernel)(*tuple(_d.values())))

</pallas_src>

<mosaic_0001>
#map = affine_map<(d0, d1) -> (0, 0, 0, 0)>
#map1 = affine_map<(d0, d1) -> (0, 0)>
#map2 = affine_map<(d0, d1) -> (0, 0, 0)>
module attributes {stable_mosaic.version = 14 : i64} {
  func.func @k(%arg0: i32, %arg1: i32, %arg2: memref<2x32x80x128xi32, #tpu.memory_space<hbm>>, %arg3: memref<128x8xf32, #tpu.memory_space<hbm>>, %arg4: memref<128x8xf32, #tpu.memory_space<hbm>>, %arg5: memref<2x10240x128xf32, #tpu.memory_space<hbm>>, %arg6: memref<80x128xi32, #tpu.memory_space<vmem>>, %arg7: memref<128x8xf32, #tpu.memory_space<vmem>>, %arg8: memref<10240x8xf32, #tpu.memory_space<vmem_shared>>, %arg9: memref<!tpu.dma_semaphore, #tpu.memory_space<semaphore_mem>>) attributes {dimension_semantics = [#tpu.dimension_semantics<core_parallel>, #tpu.dimension_semantics<subcore_parallel>], iteration_bounds = array<i64: 2, 16>, scalar_prefetch = 0 : i64, scratch_operands = 4 : i64, tpu.core_type = #tpu.core_type<sc_vector_subcore>, window_params = [{transform_indices = #map}, {transform_indices = #map1}, {transform_indices = #map1}, {transform_indices = #map2}]} {
    %mul3A = arith.constant 2 : i32
    %mul3A_0 = arith.muli %arg1, %mul3A : i32
    %add3A = arith.addi %mul3A_0, %arg0 : i32
    %mul3A_1 = arith.constant 640 : i32
    %mul3A_2 = arith.muli %arg1, %mul3A_1 : i32
    %add3A_3 = arith.constant 0 : i32
    %add3A_4 = arith.addi %mul3A_2, %add3A_3 : i32
    "tpu.region"() ({
      %run_scoped3A_53 = tpu.sem_alloc : memref<!tpu.dma_semaphore, #tpu.memory_space<semaphore_mem>>
      %dma_start3A = arith.constant 0 : i32
      %dma_start3A_54 = tpu.memref_slice %arg8[%add3A_4, %dma_start3A] : memref<10240x8xf32, #tpu.memory_space<vmem_shared>> -> memref<128x8xf32, #tpu.memory_space<vmem_shared>>
      tpu.enqueue_dma source(%arg4 : memref<128x8xf32, #tpu.memory_space<hbm>>) target(%dma_start3A_54 : memref<128x8xf32, #tpu.memory_space<vmem_shared>>) target_semaphore(%run_scoped3A_53 : memref<!tpu.dma_semaphore, #tpu.memory_space<semaphore_mem>>)
      %dma_wait3A = arith.constant 0 : i32
      %dma_wait3A_55 = tpu.memref_slice %arg8[%add3A_4, %dma_wait3A] : memref<10240x8xf32, #tpu.memory_space<vmem_shared>> -> memref<128x8xf32, #tpu.memory_space<vmem_shared>>
      tpu.wait_dma2 semaphore(%run_scoped3A_53 : memref<!tpu.dma_semaphore, #tpu.memory_space<semaphore_mem>>) src(%arg4 : memref<128x8xf32, #tpu.memory_space<hbm>>) dst(%dma_wait3A_55 : memref<128x8xf32, #tpu.memory_space<vmem_shared>>)
      tpu.yield
    }) : () -> ()
    %mul3A_5 = arith.constant 640 : i32
    %mul3A_6 = arith.muli %arg1, %mul3A_5 : i32
    %add3A_7 = arith.constant 128 : i32
    %add3A_8 = arith.addi %mul3A_6, %add3A_7 : i32
    "tpu.region"() ({
      %run_scoped3A_53 = tpu.sem_alloc : memref<!tpu.dma_semaphore, #tpu.memory_space<semaphore_mem>>
      %dma_start3A = arith.constant 0 : i32
      %dma_start3A_54 = tpu.memref_slice %arg8[%add3A_8, %dma_start3A] : memref<10240x8xf32, #tpu.memory_space<vmem_shared>> -> memref<128x8xf32, #tpu.memory_space<vmem_shared>>
      tpu.enqueue_dma source(%arg4 : memref<128x8xf32, #tpu.memory_space<hbm>>) target(%dma_start3A_54 : memref<128x8xf32, #tpu.memory_space<vmem_shared>>) target_semaphore(%run_scoped3A_53 : memref<!tpu.dma_semaphore, #tpu.memory_space<semaphore_mem>>)
      %dma_wait3A = arith.constant 0 : i32
      %dma_wait3A_55 = tpu.memref_slice %arg8[%add3A_8, %dma_wait3A] : memref<10240x8xf32, #tpu.memory_space<vmem_shared>> -> memref<128x8xf32, #tpu.memory_space<vmem_shared>>
      tpu.wait_dma2 semaphore(%run_scoped3A_53 : memref<!tpu.dma_semaphore, #tpu.memory_space<semaphore_mem>>) src(%arg4 : memref<128x8xf32, #tpu.memory_space<hbm>>) dst(%dma_wait3A_55 : memref<128x8xf32, #tpu.memory_space<vmem_shared>>)
      tpu.yield
    }) : () -> ()
    %mul3A_9 = arith.constant 640 : i32
    %mul3A_10 = arith.muli %arg1, %mul3A_9 : i32
    %add3A_11 = arith.constant 256 : i32
    %add3A_12 = arith.addi %mul3A_10, %add3A_11 : i32
    "tpu.region"() ({
      %run_scoped3A_53 = tpu.sem_alloc : memref<!tpu.dma_semaphore, #tpu.memory_space<semaphore_mem>>
      %dma_start3A = arith.constant 0 : i32
      %dma_start3A_54 = tpu.memref_slice %arg8[%add3A_12, %dma_start3A] : memref<10240x8xf32, #tpu.memory_space<vmem_shared>> -> memref<128x8xf32, #tpu.memory_space<vmem_shared>>
      tpu.enqueue_dma source(%arg4 : memref<128x8xf32, #tpu.memory_space<hbm>>) target(%dma_start3A_54 : memref<128x8xf32, #tpu.memory_space<vmem_shared>>) target_semaphore(%run_scoped3A_53 : memref<!tpu.dma_semaphore, #tpu.memory_space<semaphore_mem>>)
      %dma_wait3A = arith.constant 0 : i32
      %dma_wait3A_55 = tpu.memref_slice %arg8[%add3A_12, %dma_wait3A] : memref<10240x8xf32, #tpu.memory_space<vmem_shared>> -> memref<128x8xf32, #tpu.memory_space<vmem_shared>>
      tpu.wait_dma2 semaphore(%run_scoped3A_53 : memref<!tpu.dma_semaphore, #tpu.memory_space<semaphore_mem>>) src(%arg4 : memref<128x8xf32, #tpu.memory_space<hbm>>) dst(%dma_wait3A_55 : memref<128x8xf32, #tpu.memory_space<vmem_shared>>)
      tpu.yield
    }) : () -> ()
    %mul3A_13 = arith.constant 640 : i32
    %mul3A_14 = arith.muli %arg1, %mul3A_13 : i32
    %add3A_15 = arith.constant 384 : i32
    %add3A_16 = arith.addi %mul3A_14, %add3A_15 : i32
    "tpu.region"() ({
      %run_scoped3A_53 = tpu.sem_alloc : memref<!tpu.dma_semaphore, #tpu.memory_space<semaphore_mem>>
      %dma_start3A = arith.constant 0 : i32
      %dma_start3A_54 = tpu.memref_slice %arg8[%add3A_16, %dma_start3A] : memref<10240x8xf32, #tpu.memory_space<vmem_shared>> -> memref<128x8xf32, #tpu.memory_space<vmem_shared>>
      tpu.enqueue_dma source(%arg4 : memref<128x8xf32, #tpu.memory_space<hbm>>) target(%dma_start3A_54 : memref<128x8xf32, #tpu.memory_space<vmem_shared>>) target_semaphore(%run_scoped3A_53 : memref<!tpu.dma_semaphore, #tpu.memory_space<semaphore_mem>>)
      %dma_wait3A = arith.constant 0 : i32
      %dma_wait3A_55 = tpu.memref_slice %arg8[%add3A_16, %dma_wait3A] : memref<10240x8xf32, #tpu.memory_space<vmem_shared>> -> memref<128x8xf32, #tpu.memory_space<vmem_shared>>
      tpu.wait_dma2 semaphore(%run_scoped3A_53 : memref<!tpu.dma_semaphore, #tpu.memory_space<semaphore_mem>>) src(%arg4 : memref<128x8xf32, #tpu.memory_space<hbm>>) dst(%dma_wait3A_55 : memref<128x8xf32, #tpu.memory_space<vmem_shared>>)
      tpu.yield
    }) : () -> ()
    %mul3A_17 = arith.constant 640 : i32
    %mul3A_18 = arith.muli %arg1, %mul3A_17 : i32
    %add3A_19 = arith.constant 512 : i32
    %add3A_20 = arith.addi %mul3A_18, %add3A_19 : i32
    "tpu.region"() ({
      %run_scoped3A_53 = tpu.sem_alloc : memref<!tpu.dma_semaphore, #tpu.memory_space<semaphore_mem>>
      %dma_start3A = arith.constant 0 : i32
      %dma_start3A_54 = tpu.memref_slice %arg8[%add3A_20, %dma_start3A] : memref<10240x8xf32, #tpu.memory_space<vmem_shared>> -> memref<128x8xf32, #tpu.memory_space<vmem_shared>>
      tpu.enqueue_dma source(%arg4 : memref<128x8xf32, #tpu.memory_space<hbm>>) target(%dma_start3A_54 : memref<128x8xf32, #tpu.memory_space<vmem_shared>>) target_semaphore(%run_scoped3A_53 : memref<!tpu.dma_semaphore, #tpu.memory_space<semaphore_mem>>)
      %dma_wait3A = arith.constant 0 : i32
      %dma_wait3A_55 = tpu.memref_slice %arg8[%add3A_20, %dma_wait3A] : memref<10240x8xf32, #tpu.memory_space<vmem_shared>> -> memref<128x8xf32, #tpu.memory_space<vmem_shared>>
      tpu.wait_dma2 semaphore(%run_scoped3A_53 : memref<!tpu.dma_semaphore, #tpu.memory_space<semaphore_mem>>) src(%arg4 : memref<128x8xf32, #tpu.memory_space<hbm>>) dst(%dma_wait3A_55 : memref<128x8xf32, #tpu.memory_space<vmem_shared>>)
      tpu.yield
    }) : () -> ()
    "tpu.region"() ({
      %run_scoped3A_53 = tpu.sem_alloc : memref<!tpu.dma_semaphore, #tpu.memory_space<semaphore_mem>>
      tpu.enqueue_dma source(%arg3 : memref<128x8xf32, #tpu.memory_space<hbm>>) target(%arg7 : memref<128x8xf32, #tpu.memory_space<vmem>>) target_semaphore(%run_scoped3A_53 : memref<!tpu.dma_semaphore, #tpu.memory_space<semaphore_mem>>)
      tpu.wait_dma2 semaphore(%run_scoped3A_53 : memref<!tpu.dma_semaphore, #tpu.memory_space<semaphore_mem>>) src(%arg3 : memref<128x8xf32, #tpu.memory_space<hbm>>) dst(%arg7 : memref<128x8xf32, #tpu.memory_space<vmem>>)
      tpu.yield
    }) : () -> ()
    %run_scoped3A = arith.constant 1 : i32
    "tpu.region"() ({
      %run_scoped3A_53 = tpu.sem_alloc : memref<!tpu.dma_semaphore, #tpu.memory_space<semaphore_mem>>
      %dma_start3A = arith.constant 0 : i32
      %dma_start3A_54 = arith.constant 0 : i32
      %dma_start3A_55 = tpu.memref_slice %arg2[%run_scoped3A, %add3A, %dma_start3A, %dma_start3A_54] : memref<2x32x80x128xi32, #tpu.memory_space<hbm>> -> memref<1x1x80x128xi32, #tpu.memory_space<hbm>>
      %dma_start3A_56 = tpu.memref_squeeze %dma_start3A_55 : memref<1x1x80x128xi32, #tpu.memory_space<hbm>> -> memref<80x128xi32, #tpu.memory_space<hbm>>
      %dma_start3A_57 = arith.constant 0 : i32
      %dma_start3A_58 = arith.constant 0 : i32
      %dma_start3A_59 = tpu.memref_slice %arg2[%run_scoped3A, %add3A, %dma_start3A_57, %dma_start3A_58] : memref<2x32x80x128xi32, #tpu.memory_space<hbm>> -> memref<1x1x80x128xi32, #tpu.memory_space<hbm>>
      %dma_start3A_60 = tpu.memref_squeeze %dma_start3A_59 : memref<1x1x80x128xi32, #tpu.memory_space<hbm>> -> memref<80x128xi32, #tpu.memory_space<hbm>>
      tpu.enqueue_dma source(%dma_start3A_60 : memref<80x128xi32, #tpu.memory_space<hbm>>) target(%arg6 : memref<80x128xi32, #tpu.memory_space<vmem>>) target_semaphore(%run_scoped3A_53 : memref<!tpu.dma_semaphore, #tpu.memory_space<semaphore_mem>>)
      %dma_wait3A = arith.constant 0 : i32
      %dma_wait3A_61 = arith.constant 0 : i32
      %dma_wait3A_62 = tpu.memref_slice %arg2[%run_scoped3A, %add3A, %dma_wait3A, %dma_wait3A_61] : memref<2x32x80x128xi32, #tpu.memory_space<hbm>> -> memref<1x1x80x128xi32, #tpu.memory_space<hbm>>
      %dma_wait3A_63 = tpu.memref_squeeze %dma_wait3A_62 : memref<1x1x80x128xi32, #tpu.memory_space<hbm>> -> memref<80x128xi32, #tpu.memory_space<hbm>>
      %dma_wait3A_64 = arith.constant 0 : i32
      %dma_wait3A_65 = arith.constant 0 : i32
      %dma_wait3A_66 = tpu.memref_slice %arg2[%run_scoped3A, %add3A, %dma_wait3A_64, %dma_wait3A_65] : memref<2x32x80x128xi32, #tpu.memory_space<hbm>> -> memref<1x1x80x128xi32, #tpu.memory_space<hbm>>
      %dma_wait3A_67 = tpu.memref_squeeze %dma_wait3A_66 : memref<1x1x80x128xi32, #tpu.memory_space<hbm>> -> memref<80x128xi32, #tpu.memory_space<hbm>>
      tpu.wait_dma2 semaphore(%run_scoped3A_53 : memref<!tpu.dma_semaphore, #tpu.memory_space<semaphore_mem>>) src(%dma_wait3A_67 : memref<80x128xi32, #tpu.memory_space<hbm>>) dst(%arg6 : memref<80x128xi32, #tpu.memory_space<vmem>>)
      tpu.yield
    }) : () -> ()
    %barrier3A = arith.constant 0 : index
    tpu.barrier barrier_id(%barrier3A)
    %scan3A = arith.constant 0 : i32
    %scan3A_21 = arith.constant 0 : i32
    %scan3A_22 = arith.constant 80 : i32
    %scan3A_23 = arith.addi %scan3A_21, %scan3A_22 : i32
    %scan3A_24 = arith.constant 1 : i32
    scf.for %scan3A_53 = %scan3A_21 to %scan3A_23 step %scan3A_24  : i32 {
      %dma_start3A = arith.constant 0 : i32
      %dma_start3A_54 = tpu.memref_slice %arg6[%scan3A_53, %dma_start3A] : memref<80x128xi32, #tpu.memory_space<vmem>> -> memref<1x128xi32, #tpu.memory_space<vmem>>
      %dma_start3A_55 = tpu.memref_squeeze %dma_start3A_54 : memref<1x128xi32, #tpu.memory_space<vmem>> -> memref<128xi32, #tpu.memory_space<vmem>>
      %dma_start3A_56 = arith.constant 0 : i32
      %dma_start3A_57 = arith.constant 0 : i32
      %dma_start3A_58 = tpu.memref_slice %arg8[%dma_start3A_56, %dma_start3A_57] : memref<10240x8xf32, #tpu.memory_space<vmem_shared>> -> memref<10240x8xf32, #tpu.memory_space<vmem_shared>>
      tpu.enqueue_indirect_dma source(%arg7 : memref<128x8xf32, #tpu.memory_space<vmem>>) target(%dma_start3A_58 : memref<10240x8xf32, #tpu.memory_space<vmem_shared>>) offsets(%dma_start3A_55 : memref<128xi32, #tpu.memory_space<vmem>>) semaphore(%arg9 : memref<!tpu.dma_semaphore, #tpu.memory_space<semaphore_mem>>) {add = true}
    }
    %scan3A_25 = arith.constant 80 : i32
    %scan3A_26 = arith.constant 0 : i32
    %scan3A_27 = arith.constant 0 : i32
    %scan3A_28 = arith.constant 80 : i32
    %scan3A_29 = arith.addi %scan3A_27, %scan3A_28 : i32
    %scan3A_30 = arith.constant 1 : i32
    scf.for %scan3A_53 = %scan3A_27 to %scan3A_29 step %scan3A_30  : i32 {
      %dma_wait3A = arith.constant 0 : i32
      %dma_wait3A_54 = tpu.memref_slice %arg6[%scan3A_53, %dma_wait3A] : memref<80x128xi32, #tpu.memory_space<vmem>> -> memref<1x128xi32, #tpu.memory_space<vmem>>
      %dma_wait3A_55 = tpu.memref_squeeze %dma_wait3A_54 : memref<1x128xi32, #tpu.memory_space<vmem>> -> memref<128xi32, #tpu.memory_space<vmem>>
      %dma_wait3A_56 = arith.constant 0 : i32
      %dma_wait3A_57 = arith.constant 0 : i32
      %dma_wait3A_58 = tpu.memref_slice %arg8[%dma_wait3A_56, %dma_wait3A_57] : memref<10240x8xf32, #tpu.memory_space<vmem_shared>> -> memref<10240x8xf32, #tpu.memory_space<vmem_shared>>
      tpu.wait_indirect_dma semaphore(%arg9 : memref<!tpu.dma_semaphore, #tpu.memory_space<semaphore_mem>>) src(%arg7 : memref<128x8xf32, #tpu.memory_space<vmem>>) dst(%dma_wait3A_58 : memref<10240x8xf32, #tpu.memory_space<vmem_shared>>)
    }
    %scan3A_31 = arith.constant 80 : i32
    %barrier3A_32 = arith.constant 0 : index
    tpu.barrier barrier_id(%barrier3A_32)
    %mul3A_33 = arith.constant 640 : i32
    %mul3A_34 = arith.muli %arg1, %mul3A_33 : i32
    %add3A_35 = arith.constant 0 : i32
    %add3A_36 = arith.addi %mul3A_34, %add3A_35 : i32
    "tpu.region"() ({
      %run_scoped3A_53 = tpu.sem_alloc : memref<!tpu.dma_semaphore, #tpu.memory_space<semaphore_mem>>
      %dma_start3A = arith.constant 0 : i32
      %dma_start3A_54 = tpu.memref_slice %arg5[%arg0, %add3A_36, %dma_start3A] : memref<2x10240x128xf32, #tpu.memory_space<hbm>> -> memref<1x128x8xf32, #tpu.memory_space<hbm>>
      %dma_start3A_55 = tpu.memref_squeeze %dma_start3A_54 : memref<1x128x8xf32, #tpu.memory_space<hbm>> -> memref<128x8xf32, #tpu.memory_space<hbm>>
      %dma_start3A_56 = arith.constant 0 : i32
      %dma_start3A_57 = tpu.memref_slice %arg8[%add3A_36, %dma_start3A_56] : memref<10240x8xf32, #tpu.memory_space<vmem_shared>> -> memref<128x8xf32, #tpu.memory_space<vmem_shared>>
      tpu.enqueue_dma source(%dma_start3A_57 : memref<128x8xf32, #tpu.memory_space<vmem_shared>>) target(%dma_start3A_55 : memref<128x8xf32, #tpu.memory_space<hbm>>) target_semaphore(%run_scoped3A_53 : memref<!tpu.dma_semaphore, #tpu.memory_space<semaphore_mem>>)
      %dma_wait3A = arith.constant 0 : i32
      %dma_wait3A_58 = tpu.memref_slice %arg5[%arg0, %add3A_36, %dma_wait3A] : memref<2x10240x128xf32, #tpu.memory_space<hbm>> -> memref<1x128x8xf32, #tpu.memory_space<hbm>>
      %dma_wait3A_59 = tpu.memref_squeeze %dma_wait3A_58 : memref<1x128x8xf32, #tpu.memory_space<hbm>> -> memref<128x8xf32, #tpu.memory_space<hbm>>
      %dma_wait3A_60 = arith.constant 0 : i32
      %dma_wait3A_61 = tpu.memref_slice %arg8[%add3A_36, %dma_wait3A_60] : memref<10240x8xf32, #tpu.memory_space<vmem_shared>> -> memref<128x8xf32, #tpu.memory_space<vmem_shared>>
      tpu.wait_dma2 semaphore(%run_scoped3A_53 : memref<!tpu.dma_semaphore, #tpu.memory_space<semaphore_mem>>) src(%dma_wait3A_61 : memref<128x8xf32, #tpu.memory_space<vmem_shared>>) dst(%dma_wait3A_59 : memref<128x8xf32, #tpu.memory_space<hbm>>)
      tpu.yield
    }) : () -> ()
    %mul3A_37 = arith.constant 640 : i32
    %mul3A_38 = arith.muli %arg1, %mul3A_37 : i32
    %add3A_39 = arith.constant 128 : i32
    %add3A_40 = arith.addi %mul3A_38, %add3A_39 : i32
    "tpu.region"() ({
      %run_scoped3A_53 = tpu.sem_alloc : memref<!tpu.dma_semaphore, #tpu.memory_space<semaphore_mem>>
      %dma_start3A = arith.constant 0 : i32
      %dma_start3A_54 = tpu.memref_slice %arg5[%arg0, %add3A_40, %dma_start3A] : memref<2x10240x128xf32, #tpu.memory_space<hbm>> -> memref<1x128x8xf32, #tpu.memory_space<hbm>>
      %dma_start3A_55 = tpu.memref_squeeze %dma_start3A_54 : memref<1x128x8xf32, #tpu.memory_space<hbm>> -> memref<128x8xf32, #tpu.memory_space<hbm>>
      %dma_start3A_56 = arith.constant 0 : i32
      %dma_start3A_57 = tpu.memref_slice %arg8[%add3A_40, %dma_start3A_56] : memref<10240x8xf32, #tpu.memory_space<vmem_shared>> -> memref<128x8xf32, #tpu.memory_space<vmem_shared>>
      tpu.enqueue_dma source(%dma_start3A_57 : memref<128x8xf32, #tpu.memory_space<vmem_shared>>) target(%dma_start3A_55 : memref<128x8xf32, #tpu.memory_space<hbm>>) target_semaphore(%run_scoped3A_53 : memref<!tpu.dma_semaphore, #tpu.memory_space<semaphore_mem>>)
      %dma_wait3A = arith.constant 0 : i32
      %dma_wait3A_58 = tpu.memref_slice %arg5[%arg0, %add3A_40, %dma_wait3A] : memref<2x10240x128xf32, #tpu.memory_space<hbm>> -> memref<1x128x8xf32, #tpu.memory_space<hbm>>
      %dma_wait3A_59 = tpu.memref_squeeze %dma_wait3A_58 : memref<1x128x8xf32, #tpu.memory_space<hbm>> -> memref<128x8xf32, #tpu.memory_space<hbm>>
      %dma_wait3A_60 = arith.constant 0 : i32
      %dma_wait3A_61 = tpu.memref_slice %arg8[%add3A_40, %dma_wait3A_60] : memref<10240x8xf32, #tpu.memory_space<vmem_shared>> -> memref<128x8xf32, #tpu.memory_space<vmem_shared>>
      tpu.wait_dma2 semaphore(%run_scoped3A_53 : memref<!tpu.dma_semaphore, #tpu.memory_space<semaphore_mem>>) src(%dma_wait3A_61 : memref<128x8xf32, #tpu.memory_space<vmem_shared>>) dst(%dma_wait3A_59 : memref<128x8xf32, #tpu.memory_space<hbm>>)
      tpu.yield
    }) : () -> ()
    %mul3A_41 = arith.constant 640 : i32
    %mul3A_42 = arith.muli %arg1, %mul3A_41 : i32
    %add3A_43 = arith.constant 256 : i32
    %add3A_44 = arith.addi %mul3A_42, %add3A_43 : i32
    "tpu.region"() ({
      %run_scoped3A_53 = tpu.sem_alloc : memref<!tpu.dma_semaphore, #tpu.memory_space<semaphore_mem>>
      %dma_start3A = arith.constant 0 : i32
      %dma_start3A_54 = tpu.memref_slice %arg5[%arg0, %add3A_44, %dma_start3A] : memref<2x10240x128xf32, #tpu.memory_space<hbm>> -> memref<1x128x8xf32, #tpu.memory_space<hbm>>
      %dma_start3A_55 = tpu.memref_squeeze %dma_start3A_54 : memref<1x128x8xf32, #tpu.memory_space<hbm>> -> memref<128x8xf32, #tpu.memory_space<hbm>>
      %dma_start3A_56 = arith.constant 0 : i32
      %dma_start3A_57 = tpu.memref_slice %arg8[%add3A_44, %dma_start3A_56] : memref<10240x8xf32, #tpu.memory_space<vmem_shared>> -> memref<128x8xf32, #tpu.memory_space<vmem_shared>>
      tpu.enqueue_dma source(%dma_start3A_57 : memref<128x8xf32, #tpu.memory_space<vmem_shared>>) target(%dma_start3A_55 : memref<128x8xf32, #tpu.memory_space<hbm>>) target_semaphore(%run_scoped3A_53 : memref<!tpu.dma_semaphore, #tpu.memory_space<semaphore_mem>>)
      %dma_wait3A = arith.constant 0 : i32
      %dma_wait3A_58 = tpu.memref_slice %arg5[%arg0, %add3A_44, %dma_wait3A] : memref<2x10240x128xf32, #tpu.memory_space<hbm>> -> memref<1x128x8xf32, #tpu.memory_space<hbm>>
      %dma_wait3A_59 = tpu.memref_squeeze %dma_wait3A_58 : memref<1x128x8xf32, #tpu.memory_space<hbm>> -> memref<128x8xf32, #tpu.memory_space<hbm>>
      %dma_wait3A_60 = arith.constant 0 : i32
      %dma_wait3A_61 = tpu.memref_slice %arg8[%add3A_44, %dma_wait3A_60] : memref<10240x8xf32, #tpu.memory_space<vmem_shared>> -> memref<128x8xf32, #tpu.memory_space<vmem_shared>>
      tpu.wait_dma2 semaphore(%run_scoped3A_53 : memref<!tpu.dma_semaphore, #tpu.memory_space<semaphore_mem>>) src(%dma_wait3A_61 : memref<128x8xf32, #tpu.memory_space<vmem_shared>>) dst(%dma_wait3A_59 : memref<128x8xf32, #tpu.memory_space<hbm>>)
      tpu.yield
    }) : () -> ()
    %mul3A_45 = arith.constant 640 : i32
    %mul3A_46 = arith.muli %arg1, %mul3A_45 : i32
    %add3A_47 = arith.constant 384 : i32
    %add3A_48 = arith.addi %mul3A_46, %add3A_47 : i32
    "tpu.region"() ({
      %run_scoped3A_53 = tpu.sem_alloc : memref<!tpu.dma_semaphore, #tpu.memory_space<semaphore_mem>>
      %dma_start3A = arith.constant 0 : i32
      %dma_start3A_54 = tpu.memref_slice %arg5[%arg0, %add3A_48, %dma_start3A] : memref<2x10240x128xf32, #tpu.memory_space<hbm>> -> memref<1x128x8xf32, #tpu.memory_space<hbm>>
      %dma_start3A_55 = tpu.memref_squeeze %dma_start3A_54 : memref<1x128x8xf32, #tpu.memory_space<hbm>> -> memref<128x8xf32, #tpu.memory_space<hbm>>
      %dma_start3A_56 = arith.constant 0 : i32
      %dma_start3A_57 = tpu.memref_slice %arg8[%add3A_48, %dma_start3A_56] : memref<10240x8xf32, #tpu.memory_space<vmem_shared>> -> memref<128x8xf32, #tpu.memory_space<vmem_shared>>
      tpu.enqueue_dma source(%dma_start3A_57 : memref<128x8xf32, #tpu.memory_space<vmem_shared>>) target(%dma_start3A_55 : memref<128x8xf32, #tpu.memory_space<hbm>>) target_semaphore(%run_scoped3A_53 : memref<!tpu.dma_semaphore, #tpu.memory_space<semaphore_mem>>)
      %dma_wait3A = arith.constant 0 : i32
      %dma_wait3A_58 = tpu.memref_slice %arg5[%arg0, %add3A_48, %dma_wait3A] : memref<2x10240x128xf32, #tpu.memory_space<hbm>> -> memref<1x128x8xf32, #tpu.memory_space<hbm>>
      %dma_wait3A_59 = tpu.memref_squeeze %dma_wait3A_58 : memref<1x128x8xf32, #tpu.memory_space<hbm>> -> memref<128x8xf32, #tpu.memory_space<hbm>>
      %dma_wait3A_60 = arith.constant 0 : i32
      %dma_wait3A_61 = tpu.memref_slice %arg8[%add3A_48, %dma_wait3A_60] : memref<10240x8xf32, #tpu.memory_space<vmem_shared>> -> memref<128x8xf32, #tpu.memory_space<vmem_shared>>
      tpu.wait_dma2 semaphore(%run_scoped3A_53 : memref<!tpu.dma_semaphore, #tpu.memory_space<semaphore_mem>>) src(%dma_wait3A_61 : memref<128x8xf32, #tpu.memory_space<vmem_shared>>) dst(%dma_wait3A_59 : memref<128x8xf32, #tpu.memory_space<hbm>>)
      tpu.yield
    }) : () -> ()
    %mul3A_49 = arith.constant 640 : i32
    %mul3A_50 = arith.muli %arg1, %mul3A_49 : i32
    %add3A_51 = arith.constant 512 : i32
    %add3A_52 = arith.addi %mul3A_50, %add3A_51 : i32
    "tpu.region"() ({
      %run_scoped3A_53 = tpu.sem_alloc : memref<!tpu.dma_semaphore, #tpu.memory_space<semaphore_mem>>
      %dma_start3A = arith.constant 0 : i32
      %dma_start3A_54 = tpu.memref_slice %arg5[%arg0, %add3A_52, %dma_start3A] : memref<2x10240x128xf32, #tpu.memory_space<hbm>> -> memref<1x128x8xf32, #tpu.memory_space<hbm>>
      %dma_start3A_55 = tpu.memref_squeeze %dma_start3A_54 : memref<1x128x8xf32, #tpu.memory_space<hbm>> -> memref<128x8xf32, #tpu.memory_space<hbm>>
      %dma_start3A_56 = arith.constant 0 : i32
      %dma_start3A_57 = tpu.memref_slice %arg8[%add3A_52, %dma_start3A_56] : memref<10240x8xf32, #tpu.memory_space<vmem_shared>> -> memref<128x8xf32, #tpu.memory_space<vmem_shared>>
      tpu.enqueue_dma source(%dma_start3A_57 : memref<128x8xf32, #tpu.memory_space<vmem_shared>>) target(%dma_start3A_55 : memref<128x8xf32, #tpu.memory_space<hbm>>) target_semaphore(%run_scoped3A_53 : memref<!tpu.dma_semaphore, #tpu.memory_space<semaphore_mem>>)
      %dma_wait3A = arith.constant 0 : i32
      %dma_wait3A_58 = tpu.memref_slice %arg5[%arg0, %add3A_52, %dma_wait3A] : memref<2x10240x128xf32, #tpu.memory_space<hbm>> -> memref<1x128x8xf32, #tpu.memory_space<hbm>>
      %dma_wait3A_59 = tpu.memref_squeeze %dma_wait3A_58 : memref<1x128x8xf32, #tpu.memory_space<hbm>> -> memref<128x8xf32, #tpu.memory_space<hbm>>
      %dma_wait3A_60 = arith.constant 0 : i32
      %dma_wait3A_61 = tpu.memref_slice %arg8[%add3A_52, %dma_wait3A_60] : memref<10240x8xf32, #tpu.memory_space<vmem_shared>> -> memref<128x8xf32, #tpu.memory_space<vmem_shared>>
      tpu.wait_dma2 semaphore(%run_scoped3A_53 : memref<!tpu.dma_semaphore, #tpu.memory_space<semaphore_mem>>) src(%dma_wait3A_61 : memref<128x8xf32, #tpu.memory_space<vmem_shared>>) dst(%dma_wait3A_59 : memref<128x8xf32, #tpu.memory_space<hbm>>)
      tpu.yield
    }) : () -> ()
    return
  }
}

#map = affine_map<(d0, d1) -> (0, 0)>
#map1 = affine_map<(d0, d1) -> (0, 0, 0, 0)>
#map2 = affine_map<(d0, d1) -> (0, 0, 0)>
module attributes {stable_mosaic.version = 14 : i64} {
  func.func @k(%arg0: i32, %arg1: i32, %arg2: memref<10240x128xf32, #tpu.memory_space<hbm>>, %arg3: memref<2x32x80x128xi32, #tpu.memory_space<hbm>>, %arg4: memref<2x10240x128xf32, #tpu.memory_space<hbm>>, %arg5: memref<80x128xi32, #tpu.memory_space<vmem>>, %arg6: memref<80x128xi32, #tpu.memory_space<vmem>>, %arg7: memref<4x128x32xf32, #tpu.memory_space<vmem>>, %arg8: memref<128x32xf32, #tpu.memory_space<vmem>>, %arg9: memref<128x32xf32, #tpu.memory_space<vmem>>, %arg10: memref<10240x32xf32, #tpu.memory_space<vmem_shared>>, %arg11: memref<10240x32xf32, #tpu.memory_space<vmem_shared>>, %arg12: memref<!tpu.dma_semaphore, #tpu.memory_space<semaphore_mem>>, %arg13: memref<!tpu.dma_semaphore, #tpu.memory_space<semaphore_mem>>, %arg14: memref<!tpu.dma_semaphore, #tpu.memory_space<semaphore_mem>>, %arg15: memref<!tpu.dma_semaphore, #tpu.memory_space<semaphore_mem>>, %arg16: memref<!tpu.dma_semaphore, #tpu.memory_space<semaphore_mem>>, %arg17: memref<!tpu.dma_semaphore, #tpu.memory_space<semaphore_mem>>, %arg18: memref<!tpu.dma_semaphore, #tpu.memory_space<semaphore_mem>>, %arg19: memref<!tpu.dma_semaphore, #tpu.memory_space<semaphore_mem>>) attributes {dimension_semantics = [#tpu.dimension_semantics<core_parallel>, #tpu.dimension_semantics<subcore_parallel>], iteration_bounds = array<i64: 2, 16>, scalar_prefetch = 0 : i64, scratch_operands = 15 : i64, tpu.core_type = #tpu.core_type<sc_vector_subcore>, window_params = [{transform_indices = #map}, {transform_indices = #map1}, {transform_indices = #map2}]} {
    %mul3A = arith.constant 2 : i32
    %mul3A_0 = arith.muli %arg1, %mul3A : i32
    %add3A = arith.addi %mul3A_0, %arg0 : i32
    %broadcast_in_dim3A = arith.constant 0.000000e+00 : f32
    %broadcast_in_dim3A_1 = vector.broadcast %broadcast_in_dim3A : f32 to vector<16xf32>
    %scan3A = arith.constant 0 : i32
    %scan3A_2 = arith.constant 0 : i32
    %scan3A_3 = arith.constant 128 : i32
    %scan3A_4 = arith.addi %scan3A_2, %scan3A_3 : i32
    %scan3A_5 = arith.constant 1 : i32
    scf.for %scan3A_195 = %scan3A_2 to %scan3A_4 step %scan3A_5  : i32 {
      %swap3A = arith.index_cast %scan3A_195 : i32 to index
      %swap3A_196 = arith.constant 0 : index
      %swap3A_197 = tpu.vector_load %arg9[%swap3A, %swap3A_196] {strides = array<i32>} : memref<128x32xf32, #tpu.memory_space<vmem>>, vector<1x16xf32>,
      %swap3A_198 = vector.shape_cast %swap3A_197 : vector<1x16xf32> to vector<16xf32>
      %swap3A_199 = vector.shape_cast %broadcast_in_dim3A_1 : vector<16xf32> to vector<1x16xf32>
      tpu.vector_store %arg9[%swap3A, %swap3A_196], %swap3A_199 {strides = array<i32>} : memref<128x32xf32, #tpu.memory_space<vmem>>, vector<1x16xf32>,
      %swap3A_200 = arith.index_cast %scan3A_195 : i32 to index
      %swap3A_201 = arith.constant 16 : index
      %swap3A_202 = tpu.vector_load %arg9[%swap3A_200, %swap3A_201] {strides = array<i32>} : memref<128x32xf32, #tpu.memory_space<vmem>>, vector<1x16xf32>,
      %swap3A_203 = vector.shape_cast %swap3A_202 : vector<1x16xf32> to vector<16xf32>
      %swap3A_204 = vector.shape_cast %broadcast_in_dim3A_1 : vector<16xf32> to vector<1x16xf32>
      tpu.vector_store %arg9[%swap3A_200, %swap3A_201], %swap3A_204 {strides = array<i32>} : memref<128x32xf32, #tpu.memory_space<vmem>>, vector<1x16xf32>,
    }
    %scan3A_6 = arith.constant 128 : i32
    %mul3A_7 = arith.constant 640 : i32
    %mul3A_8 = arith.muli %arg1, %mul3A_7 : i32
    %add3A_9 = arith.constant 0 : i32
    %add3A_10 = arith.addi %mul3A_8, %add3A_9 : i32
    "tpu.region"() ({
      %run_scoped3A_195 = tpu.sem_alloc : memref<!tpu.dma_semaphore, #tpu.memory_space<semaphore_mem>>
      %dma_start3A_196 = arith.constant 0 : i32
      %dma_start3A_197 = tpu.memref_slice %arg2[%add3A_10, %dma_start3A_196] : memref<10240x128xf32, #tpu.memory_space<hbm>> -> memref<128x32xf32, #tpu.memory_space<hbm>>
      %dma_start3A_198 = arith.constant 0 : i32
      %dma_start3A_199 = tpu.memref_slice %arg2[%add3A_10, %dma_start3A_198] : memref<10240x128xf32, #tpu.memory_space<hbm>> -> memref<128x32xf32, #tpu.memory_space<hbm>>
      tpu.enqueue_dma source(%dma_start3A_199 : memref<128x32xf32, #tpu.memory_space<hbm>>) target(%arg8 : memref<128x32xf32, #tpu.memory_space<vmem>>) target_semaphore(%run_scoped3A_195 : memref<!tpu.dma_semaphore, #tpu.memory_space<semaphore_mem>>)
      %dma_wait3A_200 = arith.constant 0 : i32
      %dma_wait3A_201 = tpu.memref_slice %arg2[%add3A_10, %dma_wait3A_200] : memref<10240x128xf32, #tpu.memory_space<hbm>> -> memref<128x32xf32, #tpu.memory_space<hbm>>
      %dma_wait3A_202 = arith.constant 0 : i32
      %dma_wait3A_203 = tpu.memref_slice %arg2[%add3A_10, %dma_wait3A_202] : memref<10240x128xf32, #tpu.memory_space<hbm>> -> memref<128x32xf32, #tpu.memory_space<hbm>>
      tpu.wait_dma2 semaphore(%run_scoped3A_195 : memref<!tpu.dma_semaphore, #tpu.memory_space<semaphore_mem>>) src(%dma_wait3A_203 : memref<128x32xf32, #tpu.memory_space<hbm>>) dst(%arg8 : memref<128x32xf32, #tpu.memory_space<vmem>>)
      tpu.yield
    }) : () -> ()
    "tpu.region"() ({
      %run_scoped3A_195 = tpu.sem_alloc : memref<!tpu.dma_semaphore, #tpu.memory_space<semaphore_mem>>
      %dma_start3A_196 = arith.constant 0 : i32
      %dma_start3A_197 = tpu.memref_slice %arg11[%add3A_10, %dma_start3A_196] : memref<10240x32xf32, #tpu.memory_space<vmem_shared>> -> memref<128x32xf32, #tpu.memory_space<vmem_shared>>
      %dma_start3A_198 = arith.constant 0 : i32
      %dma_start3A_199 = tpu.memref_slice %arg11[%add3A_10, %dma_start3A_198] : memref<10240x32xf32, #tpu.memory_space<vmem_shared>> -> memref<128x32xf32, #tpu.memory_space<vmem_shared>>
      tpu.enqueue_dma source(%arg8 : memref<128x32xf32, #tpu.memory_space<vmem>>) target(%dma_start3A_199 : memref<128x32xf32, #tpu.memory_space<vmem_shared>>) target_semaphore(%run_scoped3A_195 : memref<!tpu.dma_semaphore, #tpu.memory_space<semaphore_mem>>)
      %dma_wait3A_200 = arith.constant 0 : i32
      %dma_wait3A_201 = tpu.memref_slice %arg11[%add3A_10, %dma_wait3A_200] : memref<10240x32xf32, #tpu.memory_space<vmem_shared>> -> memref<128x32xf32, #tpu.memory_space<vmem_shared>>
      %dma_wait3A_202 = arith.constant 0 : i32
      %dma_wait3A_203 = tpu.memref_slice %arg11[%add3A_10, %dma_wait3A_202] : memref<10240x32xf32, #tpu.memory_space<vmem_shared>> -> memref<128x32xf32, #tpu.memory_space<vmem_shared>>
      tpu.wait_dma2 semaphore(%run_scoped3A_195 : memref<!tpu.dma_semaphore, #tpu.memory_space<semaphore_mem>>) src(%arg8 : memref<128x32xf32, #tpu.memory_space<vmem>>) dst(%dma_wait3A_203 : memref<128x32xf32, #tpu.memory_space<vmem_shared>>)
      tpu.yield
    }) : () -> ()
    %eq3A = arith.constant 0 : i32
    %eq3A_11 = arith.cmpi eq, %arg0, %eq3A : i32
    %convert_element_type3A = arith.extui %eq3A_11 : i1 to i32
    %cond3A = arith.constant 0 : i32
    %cond3A_12 = arith.cmpi ne, %convert_element_type3A, %cond3A : i32
    scf.if %cond3A_12 {
      "tpu.region"() ({
        %run_scoped3A_195 = tpu.sem_alloc : memref<!tpu.dma_semaphore, #tpu.memory_space<semaphore_mem>>
        %dma_start3A_196 = arith.constant 0 : i32
        %dma_start3A_197 = tpu.memref_slice %arg10[%add3A_10, %dma_start3A_196] : memref<10240x32xf32, #tpu.memory_space<vmem_shared>> -> memref<128x32xf32, #tpu.memory_space<vmem_shared>>
        %dma_start3A_198 = arith.constant 0 : i32
        %dma_start3A_199 = tpu.memref_slice %arg10[%add3A_10, %dma_start3A_198] : memref<10240x32xf32, #tpu.memory_space<vmem_shared>> -> memref<128x32xf32, #tpu.memory_space<vmem_shared>>
        tpu.enqueue_dma source(%arg8 : memref<128x32xf32, #tpu.memory_space<vmem>>) target(%dma_start3A_199 : memref<128x32xf32, #tpu.memory_space<vmem_shared>>) target_semaphore(%run_scoped3A_195 : memref<!tpu.dma_semaphore, #tpu.memory_space<semaphore_mem>>)
        %dma_wait3A_200 = arith.constant 0 : i32
        %dma_wait3A_201 = tpu.memref_slice %arg10[%add3A_10, %dma_wait3A_200] : memref<10240x32xf32, #tpu.memory_space<vmem_shared>> -> memref<128x32xf32, #tpu.memory_space<vmem_shared>>
        %dma_wait3A_202 = arith.constant 0 : i32
        %dma_wait3A_203 = tpu.memref_slice %arg10[%add3A_10, %dma_wait3A_202] : memref<10240x32xf32, #tpu.memory_space<vmem_shared>> -> memref<128x32xf32, #tpu.memory_space<vmem_shared>>
        tpu.wait_dma2 semaphore(%run_scoped3A_195 : memref<!tpu.dma_semaphore, #tpu.memory_space<semaphore_mem>>) src(%arg8 : memref<128x32xf32, #tpu.memory_space<vmem>>) dst(%dma_wait3A_203 : memref<128x32xf32, #tpu.memory_space<vmem_shared>>)
        tpu.yield
      }) : () -> ()
    } else {
    }
    %ne3A = arith.constant 0 : i32
    %ne3A_13 = arith.cmpi ne, %arg0, %ne3A : i32
    %convert_element_type3A_14 = arith.extui %ne3A_13 : i1 to i32
    %cond3A_15 = arith.constant 0 : i32
    %cond3A_16 = arith.cmpi ne, %convert_element_type3A_14, %cond3A_15 : i32
    scf.if %cond3A_16 {
      "tpu.region"() ({
        %run_scoped3A_195 = tpu.sem_alloc : memref<!tpu.dma_semaphore, #tpu.memory_space<semaphore_mem>>
        %dma_start3A_196 = arith.constant 0 : i32
        %dma_start3A_197 = tpu.memref_slice %arg10[%add3A_10, %dma_start3A_196] : memref<10240x32xf32, #tpu.memory_space<vmem_shared>> -> memref<128x32xf32, #tpu.memory_space<vmem_shared>>
        %dma_start3A_198 = arith.constant 0 : i32
        %dma_start3A_199 = tpu.memref_slice %arg10[%add3A_10, %dma_start3A_198] : memref<10240x32xf32, #tpu.memory_space<vmem_shared>> -> memref<128x32xf32, #tpu.memory_space<vmem_shared>>
        tpu.enqueue_dma source(%arg9 : memref<128x32xf32, #tpu.memory_space<vmem>>) target(%dma_start3A_199 : memref<128x32xf32, #tpu.memory_space<vmem_shared>>) target_semaphore(%run_scoped3A_195 : memref<!tpu.dma_semaphore, #tpu.memory_space<semaphore_mem>>)
        %dma_wait3A_200 = arith.constant 0 : i32
        %dma_wait3A_201 = tpu.memref_slice %arg10[%add3A_10, %dma_wait3A_200] : memref<10240x32xf32, #tpu.memory_space<vmem_shared>> -> memref<128x32xf32, #tpu.memory_space<vmem_shared>>
        %dma_wait3A_202 = arith.constant 0 : i32
        %dma_wait3A_203 = tpu.memref_slice %arg10[%add3A_10, %dma_wait3A_202] : memref<10240x32xf32, #tpu.memory_space<vmem_shared>> -> memref<128x32xf32, #tpu.memory_space<vmem_shared>>
        tpu.wait_dma2 semaphore(%run_scoped3A_195 : memref<!tpu.dma_semaphore, #tpu.memory_space<semaphore_mem>>) src(%arg9 : memref<128x32xf32, #tpu.memory_space<vmem>>) dst(%dma_wait3A_203 : memref<128x32xf32, #tpu.memory_space<vmem_shared>>)
        tpu.yield
      }) : () -> ()
    } else {
    }
    %mul3A_17 = arith.constant 640 : i32
    %mul3A_18 = arith.muli %arg1, %mul3A_17 : i32
    %add3A_19 = arith.constant 128 : i32
    %add3A_20 = arith.addi %mul3A_18, %add3A_19 : i32
    "tpu.region"() ({
      %run_scoped3A_195 = tpu.sem_alloc : memref<!tpu.dma_semaphore, #tpu.memory_space<semaphore_mem>>
      %dma_start3A_196 = arith.constant 0 : i32
      %dma_start3A_197 = tpu.memref_slice %arg2[%add3A_20, %dma_start3A_196] : memref<10240x128xf32, #tpu.memory_space<hbm>> -> memref<128x32xf32, #tpu.memory_space<hbm>>
      %dma_start3A_198 = arith.constant 0 : i32
      %dma_start3A_199 = tpu.memref_slice %arg2[%add3A_20, %dma_start3A_198] : memref<10240x128xf32, #tpu.memory_space<hbm>> -> memref<128x32xf32, #tpu.memory_space<hbm>>
      tpu.enqueue_dma source(%dma_start3A_199 : memref<128x32xf32, #tpu.memory_space<hbm>>) target(%arg8 : memref<128x32xf32, #tpu.memory_space<vmem>>) target_semaphore(%run_scoped3A_195 : memref<!tpu.dma_semaphore, #tpu.memory_space<semaphore_mem>>)
      %dma_wait3A_200 = arith.constant 0 : i32
      %dma_wait3A_201 = tpu.memref_slice %arg2[%add3A_20, %dma_wait3A_200] : memref<10240x128xf32, #tpu.memory_space<hbm>> -> memref<128x32xf32, #tpu.memory_space<hbm>>
      %dma_wait3A_202 = arith.constant 0 : i32
      %dma_wait3A_203 = tpu.memref_slice %arg2[%add3A_20, %dma_wait3A_202] : memref<10240x128xf32, #tpu.memory_space<hbm>> -> memref<128x32xf32, #tpu.memory_space<hbm>>
      tpu.wait_dma2 semaphore(%run_scoped3A_195 : memref<!tpu.dma_semaphore, #tpu.memory_space<semaphore_mem>>) src(%dma_wait3A_203 : memref<128x32xf32, #tpu.memory_space<hbm>>) dst(%arg8 : memref<128x32xf32, #tpu.memory_space<vmem>>)
      tpu.yield
    }) : () -> ()
    "tpu.region"() ({
      %run_scoped3A_195 = tpu.sem_alloc : memref<!tpu.dma_semaphore, #tpu.memory_space<semaphore_mem>>
      %dma_start3A_196 = arith.constant 0 : i32
      %dma_start3A_197 = tpu.memref_slice %arg11[%add3A_20, %dma_start3A_196] : memref<10240x32xf32, #tpu.memory_space<vmem_shared>> -> memref<128x32xf32, #tpu.memory_space<vmem_shared>>
      %dma_start3A_198 = arith.constant 0 : i32
      %dma_start3A_199 = tpu.memref_slice %arg11[%add3A_20, %dma_start3A_198] : memref<10240x32xf32, #tpu.memory_space<vmem_shared>> -> memref<128x32xf32, #tpu.memory_space<vmem_shared>>
      tpu.enqueue_dma source(%arg8 : memref<128x32xf32, #tpu.memory_space<vmem>>) target(%dma_start3A_199 : memref<128x32xf32, #tpu.memory_space<vmem_shared>>) target_semaphore(%run_scoped3A_195 : memref<!tpu.dma_semaphore, #tpu.memory_space<semaphore_mem>>)
      %dma_wait3A_200 = arith.constant 0 : i32
      %dma_wait3A_201 = tpu.memref_slice %arg11[%add3A_20, %dma_wait3A_200] : memref<10240x32xf32, #tpu.memory_space<vmem_shared>> -> memref<128x32xf32, #tpu.memory_space<vmem_shared>>
      %dma_wait3A_202 = arith.constant 0 : i32
      %dma_wait3A_203 = tpu.memref_slice %arg11[%add3A_20, %dma_wait3A_202] : memref<10240x32xf32, #tpu.memory_space<vmem_shared>> -> memref<128x32xf32, #tpu.memory_space<vmem_shared>>
      tpu.wait_dma2 semaphore(%run_scoped3A_195 : memref<!tpu.dma_semaphore, #tpu.memory_space<semaphore_mem>>) src(%arg8 : memref<128x32xf32, #tpu.memory_space<vmem>>) dst(%dma_wait3A_203 : memref<128x32xf32, #tpu.memory_space<vmem_shared>>)
      tpu.yield
    }) : () -> ()
    %eq3A_21 = arith.constant 0 : i32
    %eq3A_22 = arith.cmpi eq, %arg0, %eq3A_21 : i32
    %convert_element_type3A_23 = arith.extui %eq3A_22 : i1 to i32
    %cond3A_24 = arith.constant 0 : i32
    %cond3A_25 = arith.cmpi ne, %convert_element_type3A_23, %cond3A_24 : i32
    scf.if %cond3A_25 {
      "tpu.region"() ({
        %run_scoped3A_195 = tpu.sem_alloc : memref<!tpu.dma_semaphore, #tpu.memory_space<semaphore_mem>>
        %dma_start3A_196 = arith.constant 0 : i32
        %dma_start3A_197 = tpu.memref_slice %arg10[%add3A_20, %dma_start3A_196] : memref<10240x32xf32, #tpu.memory_space<vmem_shared>> -> memref<128x32xf32, #tpu.memory_space<vmem_shared>>
        %dma_start3A_198 = arith.constant 0 : i32
        %dma_start3A_199 = tpu.memref_slice %arg10[%add3A_20, %dma_start3A_198] : memref<10240x32xf32, #tpu.memory_space<vmem_shared>> -> memref<128x32xf32, #tpu.memory_space<vmem_shared>>
        tpu.enqueue_dma source(%arg8 : memref<128x32xf32, #tpu.memory_space<vmem>>) target(%dma_start3A_199 : memref<128x32xf32, #tpu.memory_space<vmem_shared>>) target_semaphore(%run_scoped3A_195 : memref<!tpu.dma_semaphore, #tpu.memory_space<semaphore_mem>>)
        %dma_wait3A_200 = arith.constant 0 : i32
        %dma_wait3A_201 = tpu.memref_slice %arg10[%add3A_20, %dma_wait3A_200] : memref<10240x32xf32, #tpu.memory_space<vmem_shared>> -> memref<128x32xf32, #tpu.memory_space<vmem_shared>>
        %dma_wait3A_202 = arith.constant 0 : i32
        %dma_wait3A_203 = tpu.memref_slice %arg10[%add3A_20, %dma_wait3A_202] : memref<10240x32xf32, #tpu.memory_space<vmem_shared>> -> memref<128x32xf32, #tpu.memory_space<vmem_shared>>
        tpu.wait_dma2 semaphore(%run_scoped3A_195 : memref<!tpu.dma_semaphore, #tpu.memory_space<semaphore_mem>>) src(%arg8 : memref<128x32xf32, #tpu.memory_space<vmem>>) dst(%dma_wait3A_203 : memref<128x32xf32, #tpu.memory_space<vmem_shared>>)
        tpu.yield
      }) : () -> ()
    } else {
    }
    %ne3A_26 = arith.constant 0 : i32
    %ne3A_27 = arith.cmpi ne, %arg0, %ne3A_26 : i32
    %convert_element_type3A_28 = arith.extui %ne3A_27 : i1 to i32
    %cond3A_29 = arith.constant 0 : i32
    %cond3A_30 = arith.cmpi ne, %convert_element_type3A_28, %cond3A_29 : i32
    scf.if %cond3A_30 {
      "tpu.region"() ({
        %run_scoped3A_195 = tpu.sem_alloc : memref<!tpu.dma_semaphore, #tpu.memory_space<semaphore_mem>>
        %dma_start3A_196 = arith.constant 0 : i32
        %dma_start3A_197 = tpu.memref_slice %arg10[%add3A_20, %dma_start3A_196] : memref<10240x32xf32, #tpu.memory_space<vmem_shared>> -> memref<128x32xf32, #tpu.memory_space<vmem_shared>>
        %dma_start3A_198 = arith.constant 0 : i32
        %dma_start3A_199 = tpu.memref_slice %arg10[%add3A_20, %dma_start3A_198] : memref<10240x32xf32, #tpu.memory_space<vmem_shared>> -> memref<128x32xf32, #tpu.memory_space<vmem_shared>>
        tpu.enqueue_dma source(%arg9 : memref<128x32xf32, #tpu.memory_space<vmem>>) target(%dma_start3A_199 : memref<128x32xf32, #tpu.memory_space<vmem_shared>>) target_semaphore(%run_scoped3A_195 : memref<!tpu.dma_semaphore, #tpu.memory_space<semaphore_mem>>)
        %dma_wait3A_200 = arith.constant 0 : i32
        %dma_wait3A_201 = tpu.memref_slice %arg10[%add3A_20, %dma_wait3A_200] : memref<10240x32xf32, #tpu.memory_space<vmem_shared>> -> memref<128x32xf32, #tpu.memory_space<vmem_shared>>
        %dma_wait3A_202 = arith.constant 0 : i32
        %dma_wait3A_203 = tpu.memref_slice %arg10[%add3A_20, %dma_wait3A_202] : memref<10240x32xf32, #tpu.memory_space<vmem_shared>> -> memref<128x32xf32, #tpu.memory_space<vmem_shared>>
        tpu.wait_dma2 semaphore(%run_scoped3A_195 : memref<!tpu.dma_semaphore, #tpu.memory_space<semaphore_mem>>) src(%arg9 : memref<128x32xf32, #tpu.memory_space<vmem>>) dst(%dma_wait3A_203 : memref<128x32xf32, #tpu.memory_space<vmem_shared>>)
        tpu.yield
      }) : () -> ()
    } else {
    }
    %mul3A_31 = arith.constant 640 : i32
    %mul3A_32 = arith.muli %arg1, %mul3A_31 : i32
    %add3A_33 = arith.constant 256 : i32
    %add3A_34 = arith.addi %mul3A_32, %add3A_33 : i32
    "tpu.region"() ({
      %run_scoped3A_195 = tpu.sem_alloc : memref<!tpu.dma_semaphore, #tpu.memory_space<semaphore_mem>>
      %dma_start3A_196 = arith.constant 0 : i32
      %dma_start3A_197 = tpu.memref_slice %arg2[%add3A_34, %dma_start3A_196] : memref<10240x128xf32, #tpu.memory_space<hbm>> -> memref<128x32xf32, #tpu.memory_space<hbm>>
      %dma_start3A_198 = arith.constant 0 : i32
      %dma_start3A_199 = tpu.memref_slice %arg2[%add3A_34, %dma_start3A_198] : memref<10240x128xf32, #tpu.memory_space<hbm>> -> memref<128x32xf32, #tpu.memory_space<hbm>>
      tpu.enqueue_dma source(%dma_start3A_199 : memref<128x32xf32, #tpu.memory_space<hbm>>) target(%arg8 : memref<128x32xf32, #tpu.memory_space<vmem>>) target_semaphore(%run_scoped3A_195 : memref<!tpu.dma_semaphore, #tpu.memory_space<semaphore_mem>>)
      %dma_wait3A_200 = arith.constant 0 : i32
      %dma_wait3A_201 = tpu.memref_slice %arg2[%add3A_34, %dma_wait3A_200] : memref<10240x128xf32, #tpu.memory_space<hbm>> -> memref<128x32xf32, #tpu.memory_space<hbm>>
      %dma_wait3A_202 = arith.constant 0 : i32
      %dma_wait3A_203 = tpu.memref_slice %arg2[%add3A_34, %dma_wait3A_202] : memref<10240x128xf32, #tpu.memory_space<hbm>> -> memref<128x32xf32, #tpu.memory_space<hbm>>
      tpu.wait_dma2 semaphore(%run_scoped3A_195 : memref<!tpu.dma_semaphore, #tpu.memory_space<semaphore_mem>>) src(%dma_wait3A_203 : memref<128x32xf32, #tpu.memory_space<hbm>>) dst(%arg8 : memref<128x32xf32, #tpu.memory_space<vmem>>)
      tpu.yield
    }) : () -> ()
    "tpu.region"() ({
      %run_scoped3A_195 = tpu.sem_alloc : memref<!tpu.dma_semaphore, #tpu.memory_space<semaphore_mem>>
      %dma_start3A_196 = arith.constant 0 : i32
      %dma_start3A_197 = tpu.memref_slice %arg11[%add3A_34, %dma_start3A_196] : memref<10240x32xf32, #tpu.memory_space<vmem_shared>> -> memref<128x32xf32, #tpu.memory_space<vmem_shared>>
      %dma_start3A_198 = arith.constant 0 : i32
      %dma_start3A_199 = tpu.memref_slice %arg11[%add3A_34, %dma_start3A_198] : memref<10240x32xf32, #tpu.memory_space<vmem_shared>> -> memref<128x32xf32, #tpu.memory_space<vmem_shared>>
      tpu.enqueue_dma source(%arg8 : memref<128x32xf32, #tpu.memory_space<vmem>>) target(%dma_start3A_199 : memref<128x32xf32, #tpu.memory_space<vmem_shared>>) target_semaphore(%run_scoped3A_195 : memref<!tpu.dma_semaphore, #tpu.memory_space<semaphore_mem>>)
      %dma_wait3A_200 = arith.constant 0 : i32
      %dma_wait3A_201 = tpu.memref_slice %arg11[%add3A_34, %dma_wait3A_200] : memref<10240x32xf32, #tpu.memory_space<vmem_shared>> -> memref<128x32xf32, #tpu.memory_space<vmem_shared>>
      %dma_wait3A_202 = arith.constant 0 : i32
      %dma_wait3A_203 = tpu.memref_slice %arg11[%add3A_34, %dma_wait3A_202] : memref<10240x32xf32, #tpu.memory_space<vmem_shared>> -> memref<128x32xf32, #tpu.memory_space<vmem_shared>>
      tpu.wait_dma2 semaphore(%run_scoped3A_195 : memref<!tpu.dma_semaphore, #tpu.memory_space<semaphore_mem>>) src(%arg8 : memref<128x32xf32, #tpu.memory_space<vmem>>) dst(%dma_wait3A_203 : memref<128x32xf32, #tpu.memory_space<vmem_shared>>)
      tpu.yield
    }) : () -> ()
    %eq3A_35 = arith.constant 0 : i32
    %eq3A_36 = arith.cmpi eq, %arg0, %eq3A_35 : i32
    %convert_element_type3A_37 = arith.extui %eq3A_36 : i1 to i32
    %cond3A_38 = arith.constant 0 : i32
    %cond3A_39 = arith.cmpi ne, %convert_element_type3A_37, %cond3A_38 : i32
    scf.if %cond3A_39 {
      "tpu.region"() ({
        %run_scoped3A_195 = tpu.sem_alloc : memref<!tpu.dma_semaphore, #tpu.memory_space<semaphore_mem>>
        %dma_start3A_196 = arith.constant 0 : i32
        %dma_start3A_197 = tpu.memref_slice %arg10[%add3A_34, %dma_start3A_196] : memref<10240x32xf32, #tpu.memory_space<vmem_shared>> -> memref<128x32xf32, #tpu.memory_space<vmem_shared>>
        %dma_start3A_198 = arith.constant 0 : i32
        %dma_start3A_199 = tpu.memref_slice %arg10[%add3A_34, %dma_start3A_198] : memref<10240x32xf32, #tpu.memory_space<vmem_shared>> -> memref<128x32xf32, #tpu.memory_space<vmem_shared>>
        tpu.enqueue_dma source(%arg8 : memref<128x32xf32, #tpu.memory_space<vmem>>) target(%dma_start3A_199 : memref<128x32xf32, #tpu.memory_space<vmem_shared>>) target_semaphore(%run_scoped3A_195 : memref<!tpu.dma_semaphore, #tpu.memory_space<semaphore_mem>>)
        %dma_wait3A_200 = arith.constant 0 : i32
        %dma_wait3A_201 = tpu.memref_slice %arg10[%add3A_34, %dma_wait3A_200] : memref<10240x32xf32, #tpu.memory_space<vmem_shared>> -> memref<128x32xf32, #tpu.memory_space<vmem_shared>>
        %dma_wait3A_202 = arith.constant 0 : i32
        %dma_wait3A_203 = tpu.memref_slice %arg10[%add3A_34, %dma_wait3A_202] : memref<10240x32xf32, #tpu.memory_space<vmem_shared>> -> memref<128x32xf32, #tpu.memory_space<vmem_shared>>
        tpu.wait_dma2 semaphore(%run_scoped3A_195 : memref<!tpu.dma_semaphore, #tpu.memory_space<semaphore_mem>>) src(%arg8 : memref<128x32xf32, #tpu.memory_space<vmem>>) dst(%dma_wait3A_203 : memref<128x32xf32, #tpu.memory_space<vmem_shared>>)
        tpu.yield
      }) : () -> ()
    } else {
    }
    %ne3A_40 = arith.constant 0 : i32
    %ne3A_41 = arith.cmpi ne, %arg0, %ne3A_40 : i32
    %convert_element_type3A_42 = arith.extui %ne3A_41 : i1 to i32
    %cond3A_43 = arith.constant 0 : i32
    %cond3A_44 = arith.cmpi ne, %convert_element_type3A_42, %cond3A_43 : i32
    scf.if %cond3A_44 {
      "tpu.region"() ({
        %run_scoped3A_195 = tpu.sem_alloc : memref<!tpu.dma_semaphore, #tpu.memory_space<semaphore_mem>>
        %dma_start3A_196 = arith.constant 0 : i32
        %dma_start3A_197 = tpu.memref_slice %arg10[%add3A_34, %dma_start3A_196] : memref<10240x32xf32, #tpu.memory_space<vmem_shared>> -> memref<128x32xf32, #tpu.memory_space<vmem_shared>>
        %dma_start3A_198 = arith.constant 0 : i32
        %dma_start3A_199 = tpu.memref_slice %arg10[%add3A_34, %dma_start3A_198] : memref<10240x32xf32, #tpu.memory_space<vmem_shared>> -> memref<128x32xf32, #tpu.memory_space<vmem_shared>>
        tpu.enqueue_dma source(%arg9 : memref<128x32xf32, #tpu.memory_space<vmem>>) target(%dma_start3A_199 : memref<128x32xf32, #tpu.memory_space<vmem_shared>>) target_semaphore(%run_scoped3A_195 : memref<!tpu.dma_semaphore, #tpu.memory_space<semaphore_mem>>)
        %dma_wait3A_200 = arith.constant 0 : i32
        %dma_wait3A_201 = tpu.memref_slice %arg10[%add3A_34, %dma_wait3A_200] : memref<10240x32xf32, #tpu.memory_space<vmem_shared>> -> memref<128x32xf32, #tpu.memory_space<vmem_shared>>
        %dma_wait3A_202 = arith.constant 0 : i32
        %dma_wait3A_203 = tpu.memref_slice %arg10[%add3A_34, %dma_wait3A_202] : memref<10240x32xf32, #tpu.memory_space<vmem_shared>> -> memref<128x32xf32, #tpu.memory_space<vmem_shared>>
        tpu.wait_dma2 semaphore(%run_scoped3A_195 : memref<!tpu.dma_semaphore, #tpu.memory_space<semaphore_mem>>) src(%arg9 : memref<128x32xf32, #tpu.memory_space<vmem>>) dst(%dma_wait3A_203 : memref<128x32xf32, #tpu.memory_space<vmem_shared>>)
        tpu.yield
      }) : () -> ()
    } else {
    }
    %mul3A_45 = arith.constant 640 : i32
    %mul3A_46 = arith.muli %arg1, %mul3A_45 : i32
    %add3A_47 = arith.constant 384 : i32
    %add3A_48 = arith.addi %mul3A_46, %add3A_47 : i32
    "tpu.region"() ({
      %run_scoped3A_195 = tpu.sem_alloc : memref<!tpu.dma_semaphore, #tpu.memory_space<semaphore_mem>>
      %dma_start3A_196 = arith.constant 0 : i32
      %dma_start3A_197 = tpu.memref_slice %arg2[%add3A_48, %dma_start3A_196] : memref<10240x128xf32, #tpu.memory_space<hbm>> -> memref<128x32xf32, #tpu.memory_space<hbm>>
      %dma_start3A_198 = arith.constant 0 : i32
      %dma_start3A_199 = tpu.memref_slice %arg2[%add3A_48, %dma_start3A_198] : memref<10240x128xf32, #tpu.memory_space<hbm>> -> memref<128x32xf32, #tpu.memory_space<hbm>>
      tpu.enqueue_dma source(%dma_start3A_199 : memref<128x32xf32, #tpu.memory_space<hbm>>) target(%arg8 : memref<128x32xf32, #tpu.memory_space<vmem>>) target_semaphore(%run_scoped3A_195 : memref<!tpu.dma_semaphore, #tpu.memory_space<semaphore_mem>>)
      %dma_wait3A_200 = arith.constant 0 : i32
      %dma_wait3A_201 = tpu.memref_slice %arg2[%add3A_48, %dma_wait3A_200] : memref<10240x128xf32, #tpu.memory_space<hbm>> -> memref<128x32xf32, #tpu.memory_space<hbm>>
      %dma_wait3A_202 = arith.constant 0 : i32
      %dma_wait3A_203 = tpu.memref_slice %arg2[%add3A_48, %dma_wait3A_202] : memref<10240x128xf32, #tpu.memory_space<hbm>> -> memref<128x32xf32, #tpu.memory_space<hbm>>
      tpu.wait_dma2 semaphore(%run_scoped3A_195 : memref<!tpu.dma_semaphore, #tpu.memory_space<semaphore_mem>>) src(%dma_wait3A_203 : memref<128x32xf32, #tpu.memory_space<hbm>>) dst(%arg8 : memref<128x32xf32, #tpu.memory_space<vmem>>)
      tpu.yield
    }) : () -> ()
    "tpu.region"() ({
      %run_scoped3A_195 = tpu.sem_alloc : memref<!tpu.dma_semaphore, #tpu.memory_space<semaphore_mem>>
      %dma_start3A_196 = arith.constant 0 : i32
      %dma_start3A_197 = tpu.memref_slice %arg11[%add3A_48, %dma_start3A_196] : memref<10240x32xf32, #tpu.memory_space<vmem_shared>> -> memref<128x32xf32, #tpu.memory_space<vmem_shared>>
      %dma_start3A_198 = arith.constant 0 : i32
      %dma_start3A_199 = tpu.memref_slice %arg11[%add3A_48, %dma_start3A_198] : memref<10240x32xf32, #tpu.memory_space<vmem_shared>> -> memref<128x32xf32, #tpu.memory_space<vmem_shared>>
      tpu.enqueue_dma source(%arg8 : memref<128x32xf32, #tpu.memory_space<vmem>>) target(%dma_start3A_199 : memref<128x32xf32, #tpu.memory_space<vmem_shared>>) target_semaphore(%run_scoped3A_195 : memref<!tpu.dma_semaphore, #tpu.memory_space<semaphore_mem>>)
      %dma_wait3A_200 = arith.constant 0 : i32
      %dma_wait3A_201 = tpu.memref_slice %arg11[%add3A_48, %dma_wait3A_200] : memref<10240x32xf32, #tpu.memory_space<vmem_shared>> -> memref<128x32xf32, #tpu.memory_space<vmem_shared>>
      %dma_wait3A_202 = arith.constant 0 : i32
      %dma_wait3A_203 = tpu.memref_slice %arg11[%add3A_48, %dma_wait3A_202] : memref<10240x32xf32, #tpu.memory_space<vmem_shared>> -> memref<128x32xf32, #tpu.memory_space<vmem_shared>>
      tpu.wait_dma2 semaphore(%run_scoped3A_195 : memref<!tpu.dma_semaphore, #tpu.memory_space<semaphore_mem>>) src(%arg8 : memref<128x32xf32, #tpu.memory_space<vmem>>) dst(%dma_wait3A_203 : memref<128x32xf32, #tpu.memory_space<vmem_shared>>)
      tpu.yield
    }) : () -> ()
    %eq3A_49 = arith.constant 0 : i32
    %eq3A_50 = arith.cmpi eq, %arg0, %eq3A_49 : i32
    %convert_element_type3A_51 = arith.extui %eq3A_50 : i1 to i32
    %cond3A_52 = arith.constant 0 : i32
    %cond3A_53 = arith.cmpi ne, %convert_element_type3A_51, %cond3A_52 : i32
    scf.if %cond3A_53 {
      "tpu.region"() ({
        %run_scoped3A_195 = tpu.sem_alloc : memref<!tpu.dma_semaphore, #tpu.memory_space<semaphore_mem>>
        %dma_start3A_196 = arith.constant 0 : i32
        %dma_start3A_197 = tpu.memref_slice %arg10[%add3A_48, %dma_start3A_196] : memref<10240x32xf32, #tpu.memory_space<vmem_shared>> -> memref<128x32xf32, #tpu.memory_space<vmem_shared>>
        %dma_start3A_198 = arith.constant 0 : i32
        %dma_start3A_199 = tpu.memref_slice %arg10[%add3A_48, %dma_start3A_198] : memref<10240x32xf32, #tpu.memory_space<vmem_shared>> -> memref<128x32xf32, #tpu.memory_space<vmem_shared>>
        tpu.enqueue_dma source(%arg8 : memref<128x32xf32, #tpu.memory_space<vmem>>) target(%dma_start3A_199 : memref<128x32xf32, #tpu.memory_space<vmem_shared>>) target_semaphore(%run_scoped3A_195 : memref<!tpu.dma_semaphore, #tpu.memory_space<semaphore_mem>>)
        %dma_wait3A_200 = arith.constant 0 : i32
        %dma_wait3A_201 = tpu.memref_slice %arg10[%add3A_48, %dma_wait3A_200] : memref<10240x32xf32, #tpu.memory_space<vmem_shared>> -> memref<128x32xf32, #tpu.memory_space<vmem_shared>>
        %dma_wait3A_202 = arith.constant 0 : i32
        %dma_wait3A_203 = tpu.memref_slice %arg10[%add3A_48, %dma_wait3A_202] : memref<10240x32xf32, #tpu.memory_space<vmem_shared>> -> memref<128x32xf32, #tpu.memory_space<vmem_shared>>
        tpu.wait_dma2 semaphore(%run_scoped3A_195 : memref<!tpu.dma_semaphore, #tpu.memory_space<semaphore_mem>>) src(%arg8 : memref<128x32xf32, #tpu.memory_space<vmem>>) dst(%dma_wait3A_203 : memref<128x32xf32, #tpu.memory_space<vmem_shared>>)
        tpu.yield
      }) : () -> ()
    } else {
    }
    %ne3A_54 = arith.constant 0 : i32
    %ne3A_55 = arith.cmpi ne, %arg0, %ne3A_54 : i32
    %convert_element_type3A_56 = arith.extui %ne3A_55 : i1 to i32
    %cond3A_57 = arith.constant 0 : i32
    %cond3A_58 = arith.cmpi ne, %convert_element_type3A_56, %cond3A_57 : i32
    scf.if %cond3A_58 {
      "tpu.region"() ({
        %run_scoped3A_195 = tpu.sem_alloc : memref<!tpu.dma_semaphore, #tpu.memory_space<semaphore_mem>>
        %dma_start3A_196 = arith.constant 0 : i32
        %dma_start3A_197 = tpu.memref_slice %arg10[%add3A_48, %dma_start3A_196] : memref<10240x32xf32, #tpu.memory_space<vmem_shared>> -> memref<128x32xf32, #tpu.memory_space<vmem_shared>>
        %dma_start3A_198 = arith.constant 0 : i32
        %dma_start3A_199 = tpu.memref_slice %arg10[%add3A_48, %dma_start3A_198] : memref<10240x32xf32, #tpu.memory_space<vmem_shared>> -> memref<128x32xf32, #tpu.memory_space<vmem_shared>>
        tpu.enqueue_dma source(%arg9 : memref<128x32xf32, #tpu.memory_space<vmem>>) target(%dma_start3A_199 : memref<128x32xf32, #tpu.memory_space<vmem_shared>>) target_semaphore(%run_scoped3A_195 : memref<!tpu.dma_semaphore, #tpu.memory_space<semaphore_mem>>)
        %dma_wait3A_200 = arith.constant 0 : i32
        %dma_wait3A_201 = tpu.memref_slice %arg10[%add3A_48, %dma_wait3A_200] : memref<10240x32xf32, #tpu.memory_space<vmem_shared>> -> memref<128x32xf32, #tpu.memory_space<vmem_shared>>
        %dma_wait3A_202 = arith.constant 0 : i32
        %dma_wait3A_203 = tpu.memref_slice %arg10[%add3A_48, %dma_wait3A_202] : memref<10240x32xf32, #tpu.memory_space<vmem_shared>> -> memref<128x32xf32, #tpu.memory_space<vmem_shared>>
        tpu.wait_dma2 semaphore(%run_scoped3A_195 : memref<!tpu.dma_semaphore, #tpu.memory_space<semaphore_mem>>) src(%arg9 : memref<128x32xf32, #tpu.memory_space<vmem>>) dst(%dma_wait3A_203 : memref<128x32xf32, #tpu.memory_space<vmem_shared>>)
        tpu.yield
      }) : () -> ()
    } else {
    }
    %mul3A_59 = arith.constant 640 : i32
    %mul3A_60 = arith.muli %arg1, %mul3A_59 : i32
    %add3A_61 = arith.constant 512 : i32
    %add3A_62 = arith.addi %mul3A_60, %add3A_61 : i32
    "tpu.region"() ({
      %run_scoped3A_195 = tpu.sem_alloc : memref<!tpu.dma_semaphore, #tpu.memory_space<semaphore_mem>>
      %dma_start3A_196 = arith.constant 0 : i32
      %dma_start3A_197 = tpu.memref_slice %arg2[%add3A_62, %dma_start3A_196] : memref<10240x128xf32, #tpu.memory_space<hbm>> -> memref<128x32xf32, #tpu.memory_space<hbm>>
      %dma_start3A_198 = arith.constant 0 : i32
      %dma_start3A_199 = tpu.memref_slice %arg2[%add3A_62, %dma_start3A_198] : memref<10240x128xf32, #tpu.memory_space<hbm>> -> memref<128x32xf32, #tpu.memory_space<hbm>>
      tpu.enqueue_dma source(%dma_start3A_199 : memref<128x32xf32, #tpu.memory_space<hbm>>) target(%arg8 : memref<128x32xf32, #tpu.memory_space<vmem>>) target_semaphore(%run_scoped3A_195 : memref<!tpu.dma_semaphore, #tpu.memory_space<semaphore_mem>>)
      %dma_wait3A_200 = arith.constant 0 : i32
      %dma_wait3A_201 = tpu.memref_slice %arg2[%add3A_62, %dma_wait3A_200] : memref<10240x128xf32, #tpu.memory_space<hbm>> -> memref<128x32xf32, #tpu.memory_space<hbm>>
      %dma_wait3A_202 = arith.constant 0 : i32
      %dma_wait3A_203 = tpu.memref_slice %arg2[%add3A_62, %dma_wait3A_202] : memref<10240x128xf32, #tpu.memory_space<hbm>> -> memref<128x32xf32, #tpu.memory_space<hbm>>
      tpu.wait_dma2 semaphore(%run_scoped3A_195 : memref<!tpu.dma_semaphore, #tpu.memory_space<semaphore_mem>>) src(%dma_wait3A_203 : memref<128x32xf32, #tpu.memory_space<hbm>>) dst(%arg8 : memref<128x32xf32, #tpu.memory_space<vmem>>)
      tpu.yield
    }) : () -> ()
    "tpu.region"() ({
      %run_scoped3A_195 = tpu.sem_alloc : memref<!tpu.dma_semaphore, #tpu.memory_space<semaphore_mem>>
      %dma_start3A_196 = arith.constant 0 : i32
      %dma_start3A_197 = tpu.memref_slice %arg11[%add3A_62, %dma_start3A_196] : memref<10240x32xf32, #tpu.memory_space<vmem_shared>> -> memref<128x32xf32, #tpu.memory_space<vmem_shared>>
      %dma_start3A_198 = arith.constant 0 : i32
      %dma_start3A_199 = tpu.memref_slice %arg11[%add3A_62, %dma_start3A_198] : memref<10240x32xf32, #tpu.memory_space<vmem_shared>> -> memref<128x32xf32, #tpu.memory_space<vmem_shared>>
      tpu.enqueue_dma source(%arg8 : memref<128x32xf32, #tpu.memory_space<vmem>>) target(%dma_start3A_199 : memref<128x32xf32, #tpu.memory_space<vmem_shared>>) target_semaphore(%run_scoped3A_195 : memref<!tpu.dma_semaphore, #tpu.memory_space<semaphore_mem>>)
      %dma_wait3A_200 = arith.constant 0 : i32
      %dma_wait3A_201 = tpu.memref_slice %arg11[%add3A_62, %dma_wait3A_200] : memref<10240x32xf32, #tpu.memory_space<vmem_shared>> -> memref<128x32xf32, #tpu.memory_space<vmem_shared>>
      %dma_wait3A_202 = arith.constant 0 : i32
      %dma_wait3A_203 = tpu.memref_slice %arg11[%add3A_62, %dma_wait3A_202] : memref<10240x32xf32, #tpu.memory_space<vmem_shared>> -> memref<128x32xf32, #tpu.memory_space<vmem_shared>>
      tpu.wait_dma2 semaphore(%run_scoped3A_195 : memref<!tpu.dma_semaphore, #tpu.memory_space<semaphore_mem>>) src(%arg8 : memref<128x32xf32, #tpu.memory_space<vmem>>) dst(%dma_wait3A_203 : memref<128x32xf32, #tpu.memory_space<vmem_shared>>)
      tpu.yield
    }) : () -> ()
    %eq3A_63 = arith.constant 0 : i32
    %eq3A_64 = arith.cmpi eq, %arg0, %eq3A_63 : i32
    %convert_element_type3A_65 = arith.extui %eq3A_64 : i1 to i32
    %cond3A_66 = arith.constant 0 : i32
    %cond3A_67 = arith.cmpi ne, %convert_element_type3A_65, %cond3A_66 : i32
    scf.if %cond3A_67 {
      "tpu.region"() ({
        %run_scoped3A_195 = tpu.sem_alloc : memref<!tpu.dma_semaphore, #tpu.memory_space<semaphore_mem>>
        %dma_start3A_196 = arith.constant 0 : i32
        %dma_start3A_197 = tpu.memref_slice %arg10[%add3A_62, %dma_start3A_196] : memref<10240x32xf32, #tpu.memory_space<vmem_shared>> -> memref<128x32xf32, #tpu.memory_space<vmem_shared>>
        %dma_start3A_198 = arith.constant 0 : i32
        %dma_start3A_199 = tpu.memref_slice %arg10[%add3A_62, %dma_start3A_198] : memref<10240x32xf32, #tpu.memory_space<vmem_shared>> -> memref<128x32xf32, #tpu.memory_space<vmem_shared>>
        tpu.enqueue_dma source(%arg8 : memref<128x32xf32, #tpu.memory_space<vmem>>) target(%dma_start3A_199 : memref<128x32xf32, #tpu.memory_space<vmem_shared>>) target_semaphore(%run_scoped3A_195 : memref<!tpu.dma_semaphore, #tpu.memory_space<semaphore_mem>>)
        %dma_wait3A_200 = arith.constant 0 : i32
        %dma_wait3A_201 = tpu.memref_slice %arg10[%add3A_62, %dma_wait3A_200] : memref<10240x32xf32, #tpu.memory_space<vmem_shared>> -> memref<128x32xf32, #tpu.memory_space<vmem_shared>>
        %dma_wait3A_202 = arith.constant 0 : i32
        %dma_wait3A_203 = tpu.memref_slice %arg10[%add3A_62, %dma_wait3A_202] : memref<10240x32xf32, #tpu.memory_space<vmem_shared>> -> memref<128x32xf32, #tpu.memory_space<vmem_shared>>
        tpu.wait_dma2 semaphore(%run_scoped3A_195 : memref<!tpu.dma_semaphore, #tpu.memory_space<semaphore_mem>>) src(%arg8 : memref<128x32xf32, #tpu.memory_space<vmem>>) dst(%dma_wait3A_203 : memref<128x32xf32, #tpu.memory_space<vmem_shared>>)
        tpu.yield
      }) : () -> ()
    } else {
    }
    %ne3A_68 = arith.constant 0 : i32
    %ne3A_69 = arith.cmpi ne, %arg0, %ne3A_68 : i32
    %convert_element_type3A_70 = arith.extui %ne3A_69 : i1 to i32
    %cond3A_71 = arith.constant 0 : i32
    %cond3A_72 = arith.cmpi ne, %convert_element_type3A_70, %cond3A_71 : i32
    scf.if %cond3A_72 {
      "tpu.region"() ({
        %run_scoped3A_195 = tpu.sem_alloc : memref<!tpu.dma_semaphore, #tpu.memory_space<semaphore_mem>>
        %dma_start3A_196 = arith.constant 0 : i32
        %dma_start3A_197 = tpu.memref_slice %arg10[%add3A_62, %dma_start3A_196] : memref<10240x32xf32, #tpu.memory_space<vmem_shared>> -> memref<128x32xf32, #tpu.memory_space<vmem_shared>>
        %dma_start3A_198 = arith.constant 0 : i32
        %dma_start3A_199 = tpu.memref_slice %arg10[%add3A_62, %dma_start3A_198] : memref<10240x32xf32, #tpu.memory_space<vmem_shared>> -> memref<128x32xf32, #tpu.memory_space<vmem_shared>>
        tpu.enqueue_dma source(%arg9 : memref<128x32xf32, #tpu.memory_space<vmem>>) target(%dma_start3A_199 : memref<128x32xf32, #tpu.memory_space<vmem_shared>>) target_semaphore(%run_scoped3A_195 : memref<!tpu.dma_semaphore, #tpu.memory_space<semaphore_mem>>)
        %dma_wait3A_200 = arith.constant 0 : i32
        %dma_wait3A_201 = tpu.memref_slice %arg10[%add3A_62, %dma_wait3A_200] : memref<10240x32xf32, #tpu.memory_space<vmem_shared>> -> memref<128x32xf32, #tpu.memory_space<vmem_shared>>
        %dma_wait3A_202 = arith.constant 0 : i32
        %dma_wait3A_203 = tpu.memref_slice %arg10[%add3A_62, %dma_wait3A_202] : memref<10240x32xf32, #tpu.memory_space<vmem_shared>> -> memref<128x32xf32, #tpu.memory_space<vmem_shared>>
        tpu.wait_dma2 semaphore(%run_scoped3A_195 : memref<!tpu.dma_semaphore, #tpu.memory_space<semaphore_mem>>) src(%arg9 : memref<128x32xf32, #tpu.memory_space<vmem>>) dst(%dma_wait3A_203 : memref<128x32xf32, #tpu.memory_space<vmem_shared>>)
        tpu.yield
      }) : () -> ()
    } else {
    }
    %run_scoped3A = arith.constant 0 : i32
    "tpu.region"() ({
      %run_scoped3A_195 = tpu.sem_alloc : memref<!tpu.dma_semaphore, #tpu.memory_space<semaphore_mem>>
      %dma_start3A_196 = arith.constant 0 : i32
      %dma_start3A_197 = arith.constant 0 : i32
      %dma_start3A_198 = tpu.memref_slice %arg3[%run_scoped3A, %add3A, %dma_start3A_196, %dma_start3A_197] : memref<2x32x80x128xi32, #tpu.memory_space<hbm>> -> memref<1x1x80x128xi32, #tpu.memory_space<hbm>>
      %dma_start3A_199 = tpu.memref_squeeze %dma_start3A_198 : memref<1x1x80x128xi32, #tpu.memory_space<hbm>> -> memref<80x128xi32, #tpu.memory_space<hbm>>
      %dma_start3A_200 = arith.constant 0 : i32
      %dma_start3A_201 = arith.constant 0 : i32
      %dma_start3A_202 = tpu.memref_slice %arg3[%run_scoped3A, %add3A, %dma_start3A_200, %dma_start3A_201] : memref<2x32x80x128xi32, #tpu.memory_space<hbm>> -> memref<1x1x80x128xi32, #tpu.memory_space<hbm>>
      %dma_start3A_203 = tpu.memref_squeeze %dma_start3A_202 : memref<1x1x80x128xi32, #tpu.memory_space<hbm>> -> memref<80x128xi32, #tpu.memory_space<hbm>>
      tpu.enqueue_dma source(%dma_start3A_203 : memref<80x128xi32, #tpu.memory_space<hbm>>) target(%arg5 : memref<80x128xi32, #tpu.memory_space<vmem>>) target_semaphore(%run_scoped3A_195 : memref<!tpu.dma_semaphore, #tpu.memory_space<semaphore_mem>>)
      %dma_wait3A_204 = arith.constant 0 : i32
      %dma_wait3A_205 = arith.constant 0 : i32
      %dma_wait3A_206 = tpu.memref_slice %arg3[%run_scoped3A, %add3A, %dma_wait3A_204, %dma_wait3A_205] : memref<2x32x80x128xi32, #tpu.memory_space<hbm>> -> memref<1x1x80x128xi32, #tpu.memory_space<hbm>>
      %dma_wait3A_207 = tpu.memref_squeeze %dma_wait3A_206 : memref<1x1x80x128xi32, #tpu.memory_space<hbm>> -> memref<80x128xi32, #tpu.memory_space<hbm>>
      %dma_wait3A_208 = arith.constant 0 : i32
      %dma_wait3A_209 = arith.constant 0 : i32
      %dma_wait3A_210 = tpu.memref_slice %arg3[%run_scoped3A, %add3A, %dma_wait3A_208, %dma_wait3A_209] : memref<2x32x80x128xi32, #tpu.memory_space<hbm>> -> memref<1x1x80x128xi32, #tpu.memory_space<hbm>>
      %dma_wait3A_211 = tpu.memref_squeeze %dma_wait3A_210 : memref<1x1x80x128xi32, #tpu.memory_space<hbm>> -> memref<80x128xi32, #tpu.memory_space<hbm>>
      tpu.wait_dma2 semaphore(%run_scoped3A_195 : memref<!tpu.dma_semaphore, #tpu.memory_space<semaphore_mem>>) src(%dma_wait3A_211 : memref<80x128xi32, #tpu.memory_space<hbm>>) dst(%arg5 : memref<80x128xi32, #tpu.memory_space<vmem>>)
      tpu.yield
    }) : () -> ()
    %run_scoped3A_73 = arith.constant 1 : i32
    "tpu.region"() ({
      %run_scoped3A_195 = tpu.sem_alloc : memref<!tpu.dma_semaphore, #tpu.memory_space<semaphore_mem>>
      %dma_start3A_196 = arith.constant 0 : i32
      %dma_start3A_197 = arith.constant 0 : i32
      %dma_start3A_198 = tpu.memref_slice %arg3[%run_scoped3A_73, %add3A, %dma_start3A_196, %dma_start3A_197] : memref<2x32x80x128xi32, #tpu.memory_space<hbm>> -> memref<1x1x80x128xi32, #tpu.memory_space<hbm>>
      %dma_start3A_199 = tpu.memref_squeeze %dma_start3A_198 : memref<1x1x80x128xi32, #tpu.memory_space<hbm>> -> memref<80x128xi32, #tpu.memory_space<hbm>>
      %dma_start3A_200 = arith.constant 0 : i32
      %dma_start3A_201 = arith.constant 0 : i32
      %dma_start3A_202 = tpu.memref_slice %arg3[%run_scoped3A_73, %add3A, %dma_start3A_200, %dma_start3A_201] : memref<2x32x80x128xi32, #tpu.memory_space<hbm>> -> memref<1x1x80x128xi32, #tpu.memory_space<hbm>>
      %dma_start3A_203 = tpu.memref_squeeze %dma_start3A_202 : memref<1x1x80x128xi32, #tpu.memory_space<hbm>> -> memref<80x128xi32, #tpu.memory_space<hbm>>
      tpu.enqueue_dma source(%dma_start3A_203 : memref<80x128xi32, #tpu.memory_space<hbm>>) target(%arg6 : memref<80x128xi32, #tpu.memory_space<vmem>>) target_semaphore(%run_scoped3A_195 : memref<!tpu.dma_semaphore, #tpu.memory_space<semaphore_mem>>)
      %dma_wait3A_204 = arith.constant 0 : i32
      %dma_wait3A_205 = arith.constant 0 : i32
      %dma_wait3A_206 = tpu.memref_slice %arg3[%run_scoped3A_73, %add3A, %dma_wait3A_204, %dma_wait3A_205] : memref<2x32x80x128xi32, #tpu.memory_space<hbm>> -> memref<1x1x80x128xi32, #tpu.memory_space<hbm>>
      %dma_wait3A_207 = tpu.memref_squeeze %dma_wait3A_206 : memref<1x1x80x128xi32, #tpu.memory_space<hbm>> -> memref<80x128xi32, #tpu.memory_space<hbm>>
      %dma_wait3A_208 = arith.constant 0 : i32
      %dma_wait3A_209 = arith.constant 0 : i32
      %dma_wait3A_210 = tpu.memref_slice %arg3[%run_scoped3A_73, %add3A, %dma_wait3A_208, %dma_wait3A_209] : memref<2x32x80x128xi32, #tpu.memory_space<hbm>> -> memref<1x1x80x128xi32, #tpu.memory_space<hbm>>
      %dma_wait3A_211 = tpu.memref_squeeze %dma_wait3A_210 : memref<1x1x80x128xi32, #tpu.memory_space<hbm>> -> memref<80x128xi32, #tpu.memory_space<hbm>>
      tpu.wait_dma2 semaphore(%run_scoped3A_195 : memref<!tpu.dma_semaphore, #tpu.memory_space<semaphore_mem>>) src(%dma_wait3A_211 : memref<80x128xi32, #tpu.memory_space<hbm>>) dst(%arg6 : memref<80x128xi32, #tpu.memory_space<vmem>>)
      tpu.yield
    }) : () -> ()
    %barrier3A = arith.constant 0 : index
    tpu.barrier barrier_id(%barrier3A)
    %dma_start3A = arith.constant 0 : i32
    %dma_start3A_74 = arith.constant 0 : i32
    %dma_start3A_75 = arith.constant 0 : i32
    %dma_start3A_76 = arith.constant 0 : i32
    %dma_start3A_77 = tpu.memref_slice %arg7[%dma_start3A_74, %dma_start3A_75, %dma_start3A_76] : memref<4x128x32xf32, #tpu.memory_space<vmem>> -> memref<1x128x32xf32, #tpu.memory_space<vmem>>
    %dma_start3A_78 = tpu.memref_squeeze %dma_start3A_77 : memref<1x128x32xf32, #tpu.memory_space<vmem>> -> memref<128x32xf32, #tpu.memory_space<vmem>>
    %dma_start3A_79 = arith.constant 0 : i32
    %dma_start3A_80 = tpu.memref_slice %arg5[%dma_start3A, %dma_start3A_79] : memref<80x128xi32, #tpu.memory_space<vmem>> -> memref<1x128xi32, #tpu.memory_space<vmem>>
    %dma_start3A_81 = tpu.memref_squeeze %dma_start3A_80 : memref<1x128xi32, #tpu.memory_space<vmem>> -> memref<128xi32, #tpu.memory_space<vmem>>
    %dma_start3A_82 = arith.constant 0 : i32
    %dma_start3A_83 = arith.constant 0 : i32
    %dma_start3A_84 = tpu.memref_slice %arg11[%dma_start3A_82, %dma_start3A_83] : memref<10240x32xf32, #tpu.memory_space<vmem_shared>> -> memref<10240x32xf32, #tpu.memory_space<vmem_shared>>
    tpu.enqueue_indirect_dma source(%dma_start3A_84 : memref<10240x32xf32, #tpu.memory_space<vmem_shared>>) target(%dma_start3A_78 : memref<128x32xf32, #tpu.memory_space<vmem>>) offsets(%dma_start3A_81 : memref<128xi32, #tpu.memory_space<vmem>>) semaphore(%arg12 : memref<!tpu.dma_semaphore, #tpu.memory_space<semaphore_mem>>)
    %dma_start3A_85 = arith.constant 1 : i32
    %dma_start3A_86 = arith.constant 1 : i32
    %dma_start3A_87 = arith.constant 0 : i32
    %dma_start3A_88 = arith.constant 0 : i32
    %dma_start3A_89 = tpu.memref_slice %arg7[%dma_start3A_86, %dma_start3A_87, %dma_start3A_88] : memref<4x128x32xf32, #tpu.memory_space<vmem>> -> memref<1x128x32xf32, #tpu.memory_space<vmem>>
    %dma_start3A_90 = tpu.memref_squeeze %dma_start3A_89 : memref<1x128x32xf32, #tpu.memory_space<vmem>> -> memref<128x32xf32, #tpu.memory_space<vmem>>
    %dma_start3A_91 = arith.constant 0 : i32
    %dma_start3A_92 = tpu.memref_slice %arg5[%dma_start3A_85, %dma_start3A_91] : memref<80x128xi32, #tpu.memory_space<vmem>> -> memref<1x128xi32, #tpu.memory_space<vmem>>
    %dma_start3A_93 = tpu.memref_squeeze %dma_start3A_92 : memref<1x128xi32, #tpu.memory_space<vmem>> -> memref<128xi32, #tpu.memory_space<vmem>>
    %dma_start3A_94 = arith.constant 0 : i32
    %dma_start3A_95 = arith.constant 0 : i32
    %dma_start3A_96 = tpu.memref_slice %arg11[%dma_start3A_94, %dma_start3A_95] : memref<10240x32xf32, #tpu.memory_space<vmem_shared>> -> memref<10240x32xf32, #tpu.memory_space<vmem_shared>>
    tpu.enqueue_indirect_dma source(%dma_start3A_96 : memref<10240x32xf32, #tpu.memory_space<vmem_shared>>) target(%dma_start3A_90 : memref<128x32xf32, #tpu.memory_space<vmem>>) offsets(%dma_start3A_93 : memref<128xi32, #tpu.memory_space<vmem>>) semaphore(%arg13 : memref<!tpu.dma_semaphore, #tpu.memory_space<semaphore_mem>>)
    %dma_start3A_97 = arith.constant 2 : i32
    %dma_start3A_98 = arith.constant 2 : i32
    %dma_start3A_99 = arith.constant 0 : i32
    %dma_start3A_100 = arith.constant 0 : i32
    %dma_start3A_101 = tpu.memref_slice %arg7[%dma_start3A_98, %dma_start3A_99, %dma_start3A_100] : memref<4x128x32xf32, #tpu.memory_space<vmem>> -> memref<1x128x32xf32, #tpu.memory_space<vmem>>
    %dma_start3A_102 = tpu.memref_squeeze %dma_start3A_101 : memref<1x128x32xf32, #tpu.memory_space<vmem>> -> memref<128x32xf32, #tpu.memory_space<vmem>>
    %dma_start3A_103 = arith.constant 0 : i32
    %dma_start3A_104 = tpu.memref_slice %arg5[%dma_start3A_97, %dma_start3A_103] : memref<80x128xi32, #tpu.memory_space<vmem>> -> memref<1x128xi32, #tpu.memory_space<vmem>>
    %dma_start3A_105 = tpu.memref_squeeze %dma_start3A_104 : memref<1x128xi32, #tpu.memory_space<vmem>> -> memref<128xi32, #tpu.memory_space<vmem>>
    %dma_start3A_106 = arith.constant 0 : i32
    %dma_start3A_107 = arith.constant 0 : i32
    %dma_start3A_108 = tpu.memref_slice %arg11[%dma_start3A_106, %dma_start3A_107] : memref<10240x32xf32, #tpu.memory_space<vmem_shared>> -> memref<10240x32xf32, #tpu.memory_space<vmem_shared>>
    tpu.enqueue_indirect_dma source(%dma_start3A_108 : memref<10240x32xf32, #tpu.memory_space<vmem_shared>>) target(%dma_start3A_102 : memref<128x32xf32, #tpu.memory_space<vmem>>) offsets(%dma_start3A_105 : memref<128xi32, #tpu.memory_space<vmem>>) semaphore(%arg14 : memref<!tpu.dma_semaphore, #tpu.memory_space<semaphore_mem>>)
    %dma_start3A_109 = arith.constant 3 : i32
    %dma_start3A_110 = arith.constant 3 : i32
    %dma_start3A_111 = arith.constant 0 : i32
    %dma_start3A_112 = arith.constant 0 : i32
    %dma_start3A_113 = tpu.memref_slice %arg7[%dma_start3A_110, %dma_start3A_111, %dma_start3A_112] : memref<4x128x32xf32, #tpu.memory_space<vmem>> -> memref<1x128x32xf32, #tpu.memory_space<vmem>>
    %dma_start3A_114 = tpu.memref_squeeze %dma_start3A_113 : memref<1x128x32xf32, #tpu.memory_space<vmem>> -> memref<128x32xf32, #tpu.memory_space<vmem>>
    %dma_start3A_115 = arith.constant 0 : i32
    %dma_start3A_116 = tpu.memref_slice %arg5[%dma_start3A_109, %dma_start3A_115] : memref<80x128xi32, #tpu.memory_space<vmem>> -> memref<1x128xi32, #tpu.memory_space<vmem>>
    %dma_start3A_117 = tpu.memref_squeeze %dma_start3A_116 : memref<1x128xi32, #tpu.memory_space<vmem>> -> memref<128xi32, #tpu.memory_space<vmem>>
    %dma_start3A_118 = arith.constant 0 : i32
    %dma_start3A_119 = arith.constant 0 : i32
    %dma_start3A_120 = tpu.memref_slice %arg11[%dma_start3A_118, %dma_start3A_119] : memref<10240x32xf32, #tpu.memory_space<vmem_shared>> -> memref<10240x32xf32, #tpu.memory_space<vmem_shared>>
    tpu.enqueue_indirect_dma source(%dma_start3A_120 : memref<10240x32xf32, #tpu.memory_space<vmem_shared>>) target(%dma_start3A_114 : memref<128x32xf32, #tpu.memory_space<vmem>>) offsets(%dma_start3A_117 : memref<128xi32, #tpu.memory_space<vmem>>) semaphore(%arg15 : memref<!tpu.dma_semaphore, #tpu.memory_space<semaphore_mem>>)
    %scan3A_121 = arith.constant 0 : i32
    %scan3A_122 = arith.constant 0 : i32
    %scan3A_123 = arith.constant 20 : i32
    %scan3A_124 = arith.addi %scan3A_122, %scan3A_123 : i32
    %scan3A_125 = arith.constant 1 : i32
    scf.for %scan3A_195 = %scan3A_122 to %scan3A_124 step %scan3A_125  : i32 {
      %mul3A_196 = arith.constant 4 : i32
      %mul3A_197 = arith.muli %mul3A_196, %scan3A_195 : i32
      %add3A_198 = arith.constant 0 : i32
      %add3A_199 = arith.addi %mul3A_197, %add3A_198 : i32
      %dma_wait3A_200 = arith.constant 0 : i32
      %dma_wait3A_201 = arith.constant 0 : i32
      %dma_wait3A_202 = arith.constant 0 : i32
      %dma_wait3A_203 = tpu.memref_slice %arg7[%dma_wait3A_200, %dma_wait3A_201, %dma_wait3A_202] : memref<4x128x32xf32, #tpu.memory_space<vmem>> -> memref<1x128x32xf32, #tpu.memory_space<vmem>>
      %dma_wait3A_204 = tpu.memref_squeeze %dma_wait3A_203 : memref<1x128x32xf32, #tpu.memory_space<vmem>> -> memref<128x32xf32, #tpu.memory_space<vmem>>
      %dma_wait3A_205 = arith.constant 0 : i32
      %dma_wait3A_206 = tpu.memref_slice %arg5[%add3A_199, %dma_wait3A_205] : memref<80x128xi32, #tpu.memory_space<vmem>> -> memref<1x128xi32, #tpu.memory_space<vmem>>
      %dma_wait3A_207 = tpu.memref_squeeze %dma_wait3A_206 : memref<1x128xi32, #tpu.memory_space<vmem>> -> memref<128xi32, #tpu.memory_space<vmem>>
      %dma_wait3A_208 = arith.constant 0 : i32
      %dma_wait3A_209 = arith.constant 0 : i32
      %dma_wait3A_210 = tpu.memref_slice %arg11[%dma_wait3A_208, %dma_wait3A_209] : memref<10240x32xf32, #tpu.memory_space<vmem_shared>> -> memref<10240x32xf32, #tpu.memory_space<vmem_shared>>
      tpu.wait_indirect_dma semaphore(%arg12 : memref<!tpu.dma_semaphore, #tpu.memory_space<semaphore_mem>>) src(%dma_wait3A_210 : memref<10240x32xf32, #tpu.memory_space<vmem_shared>>) dst(%dma_wait3A_204 : memref<128x32xf32, #tpu.memory_space<vmem>>)
      %dma_start3A_211 = arith.constant 0 : i32
      %dma_start3A_212 = arith.constant 0 : i32
      %dma_start3A_213 = arith.constant 0 : i32
      %dma_start3A_214 = tpu.memref_slice %arg7[%dma_start3A_211, %dma_start3A_212, %dma_start3A_213] : memref<4x128x32xf32, #tpu.memory_space<vmem>> -> memref<1x128x32xf32, #tpu.memory_space<vmem>>
      %dma_start3A_215 = tpu.memref_squeeze %dma_start3A_214 : memref<1x128x32xf32, #tpu.memory_space<vmem>> -> memref<128x32xf32, #tpu.memory_space<vmem>>
      %dma_start3A_216 = arith.constant 0 : i32
      %dma_start3A_217 = tpu.memref_slice %arg6[%add3A_199, %dma_start3A_216] : memref<80x128xi32, #tpu.memory_space<vmem>> -> memref<1x128xi32, #tpu.memory_space<vmem>>
      %dma_start3A_218 = tpu.memref_squeeze %dma_start3A_217 : memref<1x128xi32, #tpu.memory_space<vmem>> -> memref<128xi32, #tpu.memory_space<vmem>>
      %dma_start3A_219 = arith.constant 0 : i32
      %dma_start3A_220 = arith.constant 0 : i32
      %dma_start3A_221 = tpu.memref_slice %arg10[%dma_start3A_219, %dma_start3A_220] : memref<10240x32xf32, #tpu.memory_space<vmem_shared>> -> memref<10240x32xf32, #tpu.memory_space<vmem_shared>>
      tpu.enqueue_indirect_dma source(%dma_start3A_215 : memref<128x32xf32, #tpu.memory_space<vmem>>) target(%dma_start3A_221 : memref<10240x32xf32, #tpu.memory_space<vmem_shared>>) offsets(%dma_start3A_218 : memref<128xi32, #tpu.memory_space<vmem>>) semaphore(%arg16 : memref<!tpu.dma_semaphore, #tpu.memory_space<semaphore_mem>>) {add = true}
      %add3A_222 = arith.constant 4 : i32
      %add3A_223 = arith.addi %add3A_199, %add3A_222 : i32
      %lt3A = arith.constant 80 : i32
      %lt3A_224 = arith.cmpi slt, %add3A_223, %lt3A : i32
      %convert_element_type3A_225 = arith.extui %lt3A_224 : i1 to i32
      %cond3A_226 = arith.constant 0 : i32
      %cond3A_227 = arith.cmpi ne, %convert_element_type3A_225, %cond3A_226 : i32
      scf.if %cond3A_227 {
        %dma_wait3A_327 = arith.constant 0 : i32
        %dma_wait3A_328 = arith.constant 0 : i32
        %dma_wait3A_329 = arith.constant 0 : i32
        %dma_wait3A_330 = tpu.memref_slice %arg7[%dma_wait3A_327, %dma_wait3A_328, %dma_wait3A_329] : memref<4x128x32xf32, #tpu.memory_space<vmem>> -> memref<1x128x32xf32, #tpu.memory_space<vmem>>
        %dma_wait3A_331 = tpu.memref_squeeze %dma_wait3A_330 : memref<1x128x32xf32, #tpu.memory_space<vmem>> -> memref<128x32xf32, #tpu.memory_space<vmem>>
        %dma_wait3A_332 = arith.constant 0 : i32
        %dma_wait3A_333 = tpu.memref_slice %arg6[%add3A_199, %dma_wait3A_332] : memref<80x128xi32, #tpu.memory_space<vmem>> -> memref<1x128xi32, #tpu.memory_space<vmem>>
        %dma_wait3A_334 = tpu.memref_squeeze %dma_wait3A_333 : memref<1x128xi32, #tpu.memory_space<vmem>> -> memref<128xi32, #tpu.memory_space<vmem>>
        %dma_wait3A_335 = arith.constant 0 : i32
        %dma_wait3A_336 = arith.constant 0 : i32
        %dma_wait3A_337 = tpu.memref_slice %arg10[%dma_wait3A_335, %dma_wait3A_336] : memref<10240x32xf32, #tpu.memory_space<vmem_shared>> -> memref<10240x32xf32, #tpu.memory_space<vmem_shared>>
        tpu.wait_indirect_dma semaphore(%arg16 : memref<!tpu.dma_semaphore, #tpu.memory_space<semaphore_mem>>) src(%dma_wait3A_331 : memref<128x32xf32, #tpu.memory_space<vmem>>) dst(%dma_wait3A_337 : memref<10240x32xf32, #tpu.memory_space<vmem_shared>>)
        %add3A_338 = arith.constant 4 : i32
        %add3A_339 = arith.addi %add3A_199, %add3A_338 : i32
        %dma_start3A_340 = arith.constant 0 : i32
        %dma_start3A_341 = arith.constant 0 : i32
        %dma_start3A_342 = arith.constant 0 : i32
        %dma_start3A_343 = tpu.memref_slice %arg7[%dma_start3A_340, %dma_start3A_341, %dma_start3A_342] : memref<4x128x32xf32, #tpu.memory_space<vmem>> -> memref<1x128x32xf32, #tpu.memory_space<vmem>>
        %dma_start3A_344 = tpu.memref_squeeze %dma_start3A_343 : memref<1x128x32xf32, #tpu.memory_space<vmem>> -> memref<128x32xf32, #tpu.memory_space<vmem>>
        %dma_start3A_345 = arith.constant 0 : i32
        %dma_start3A_346 = tpu.memref_slice %arg5[%add3A_339, %dma_start3A_345] : memref<80x128xi32, #tpu.memory_space<vmem>> -> memref<1x128xi32, #tpu.memory_space<vmem>>
        %dma_start3A_347 = tpu.memref_squeeze %dma_start3A_346 : memref<1x128xi32, #tpu.memory_space<vmem>> -> memref<128xi32, #tpu.memory_space<vmem>>
        %dma_start3A_348 = arith.constant 0 : i32
        %dma_start3A_349 = arith.constant 0 : i32
        %dma_start3A_350 = tpu.memref_slice %arg11[%dma_start3A_348, %dma_start3A_349] : memref<10240x32xf32, #tpu.memory_space<vmem_shared>> -> memref<10240x32xf32, #tpu.memory_space<vmem_shared>>
        tpu.enqueue_indirect_dma source(%dma_start3A_350 : memref<10240x32xf32, #tpu.memory_space<vmem_shared>>) target(%dma_start3A_344 : memref<128x32xf32, #tpu.memory_space<vmem>>) offsets(%dma_start3A_347 : memref<128xi32, #tpu.memory_space<vmem>>) semaphore(%arg12 : memref<!tpu.dma_semaphore, #tpu.memory_space<semaphore_mem>>)
      } else {
      }
      %mul3A_228 = arith.constant 4 : i32
      %mul3A_229 = arith.muli %mul3A_228, %scan3A_195 : i32
      %add3A_230 = arith.constant 1 : i32
      %add3A_231 = arith.addi %mul3A_229, %add3A_230 : i32
      %dma_wait3A_232 = arith.constant 1 : i32
      %dma_wait3A_233 = arith.constant 0 : i32
      %dma_wait3A_234 = arith.constant 0 : i32
      %dma_wait3A_235 = tpu.memref_slice %arg7[%dma_wait3A_232, %dma_wait3A_233, %dma_wait3A_234] : memref<4x128x32xf32, #tpu.memory_space<vmem>> -> memref<1x128x32xf32, #tpu.memory_space<vmem>>
      %dma_wait3A_236 = tpu.memref_squeeze %dma_wait3A_235 : memref<1x128x32xf32, #tpu.memory_space<vmem>> -> memref<128x32xf32, #tpu.memory_space<vmem>>
      %dma_wait3A_237 = arith.constant 0 : i32
      %dma_wait3A_238 = tpu.memref_slice %arg5[%add3A_231, %dma_wait3A_237] : memref<80x128xi32, #tpu.memory_space<vmem>> -> memref<1x128xi32, #tpu.memory_space<vmem>>
      %dma_wait3A_239 = tpu.memref_squeeze %dma_wait3A_238 : memref<1x128xi32, #tpu.memory_space<vmem>> -> memref<128xi32, #tpu.memory_space<vmem>>
      %dma_wait3A_240 = arith.constant 0 : i32
      %dma_wait3A_241 = arith.constant 0 : i32
      %dma_wait3A_242 = tpu.memref_slice %arg11[%dma_wait3A_240, %dma_wait3A_241] : memref<10240x32xf32, #tpu.memory_space<vmem_shared>> -> memref<10240x32xf32, #tpu.memory_space<vmem_shared>>
      tpu.wait_indirect_dma semaphore(%arg13 : memref<!tpu.dma_semaphore, #tpu.memory_space<semaphore_mem>>) src(%dma_wait3A_242 : memref<10240x32xf32, #tpu.memory_space<vmem_shared>>) dst(%dma_wait3A_236 : memref<128x32xf32, #tpu.memory_space<vmem>>)
      %dma_start3A_243 = arith.constant 1 : i32
      %dma_start3A_244 = arith.constant 0 : i32
      %dma_start3A_245 = arith.constant 0 : i32
      %dma_start3A_246 = tpu.memref_slice %arg7[%dma_start3A_243, %dma_start3A_244, %dma_start3A_245] : memref<4x128x32xf32, #tpu.memory_space<vmem>> -> memref<1x128x32xf32, #tpu.memory_space<vmem>>
      %dma_start3A_247 = tpu.memref_squeeze %dma_start3A_246 : memref<1x128x32xf32, #tpu.memory_space<vmem>> -> memref<128x32xf32, #tpu.memory_space<vmem>>
      %dma_start3A_248 = arith.constant 0 : i32
      %dma_start3A_249 = tpu.memref_slice %arg6[%add3A_231, %dma_start3A_248] : memref<80x128xi32, #tpu.memory_space<vmem>> -> memref<1x128xi32, #tpu.memory_space<vmem>>
      %dma_start3A_250 = tpu.memref_squeeze %dma_start3A_249 : memref<1x128xi32, #tpu.memory_space<vmem>> -> memref<128xi32, #tpu.memory_space<vmem>>
      %dma_start3A_251 = arith.constant 0 : i32
      %dma_start3A_252 = arith.constant 0 : i32
      %dma_start3A_253 = tpu.memref_slice %arg10[%dma_start3A_251, %dma_start3A_252] : memref<10240x32xf32, #tpu.memory_space<vmem_shared>> -> memref<10240x32xf32, #tpu.memory_space<vmem_shared>>
      tpu.enqueue_indirect_dma source(%dma_start3A_247 : memref<128x32xf32, #tpu.memory_space<vmem>>) target(%dma_start3A_253 : memref<10240x32xf32, #tpu.memory_space<vmem_shared>>) offsets(%dma_start3A_250 : memref<128xi32, #tpu.memory_space<vmem>>) semaphore(%arg17 : memref<!tpu.dma_semaphore, #tpu.memory_space<semaphore_mem>>) {add = true}
      %add3A_254 = arith.constant 4 : i32
      %add3A_255 = arith.addi %add3A_231, %add3A_254 : i32
      %lt3A_256 = arith.constant 80 : i32
      %lt3A_257 = arith.cmpi slt, %add3A_255, %lt3A_256 : i32
      %convert_element_type3A_258 = arith.extui %lt3A_257 : i1 to i32
      %cond3A_259 = arith.constant 0 : i32
      %cond3A_260 = arith.cmpi ne, %convert_element_type3A_258, %cond3A_259 : i32
      scf.if %cond3A_260 {
        %dma_wait3A_327 = arith.constant 1 : i32
        %dma_wait3A_328 = arith.constant 0 : i32
        %dma_wait3A_329 = arith.constant 0 : i32
        %dma_wait3A_330 = tpu.memref_slice %arg7[%dma_wait3A_327, %dma_wait3A_328, %dma_wait3A_329] : memref<4x128x32xf32, #tpu.memory_space<vmem>> -> memref<1x128x32xf32, #tpu.memory_space<vmem>>
        %dma_wait3A_331 = tpu.memref_squeeze %dma_wait3A_330 : memref<1x128x32xf32, #tpu.memory_space<vmem>> -> memref<128x32xf32, #tpu.memory_space<vmem>>
        %dma_wait3A_332 = arith.constant 0 : i32
        %dma_wait3A_333 = tpu.memref_slice %arg6[%add3A_231, %dma_wait3A_332] : memref<80x128xi32, #tpu.memory_space<vmem>> -> memref<1x128xi32, #tpu.memory_space<vmem>>
        %dma_wait3A_334 = tpu.memref_squeeze %dma_wait3A_333 : memref<1x128xi32, #tpu.memory_space<vmem>> -> memref<128xi32, #tpu.memory_space<vmem>>
        %dma_wait3A_335 = arith.constant 0 : i32
        %dma_wait3A_336 = arith.constant 0 : i32
        %dma_wait3A_337 = tpu.memref_slice %arg10[%dma_wait3A_335, %dma_wait3A_336] : memref<10240x32xf32, #tpu.memory_space<vmem_shared>> -> memref<10240x32xf32, #tpu.memory_space<vmem_shared>>
        tpu.wait_indirect_dma semaphore(%arg17 : memref<!tpu.dma_semaphore, #tpu.memory_space<semaphore_mem>>) src(%dma_wait3A_331 : memref<128x32xf32, #tpu.memory_space<vmem>>) dst(%dma_wait3A_337 : memref<10240x32xf32, #tpu.memory_space<vmem_shared>>)
        %add3A_338 = arith.constant 4 : i32
        %add3A_339 = arith.addi %add3A_231, %add3A_338 : i32
        %dma_start3A_340 = arith.constant 1 : i32
        %dma_start3A_341 = arith.constant 0 : i32
        %dma_start3A_342 = arith.constant 0 : i32
        %dma_start3A_343 = tpu.memref_slice %arg7[%dma_start3A_340, %dma_start3A_341, %dma_start3A_342] : memref<4x128x32xf32, #tpu.memory_space<vmem>> -> memref<1x128x32xf32, #tpu.memory_space<vmem>>
        %dma_start3A_344 = tpu.memref_squeeze %dma_start3A_343 : memref<1x128x32xf32, #tpu.memory_space<vmem>> -> memref<128x32xf32, #tpu.memory_space<vmem>>
        %dma_start3A_345 = arith.constant 0 : i32
        %dma_start3A_346 = tpu.memref_slice %arg5[%add3A_339, %dma_start3A_345] : memref<80x128xi32, #tpu.memory_space<vmem>> -> memref<1x128xi32, #tpu.memory_space<vmem>>
        %dma_start3A_347 = tpu.memref_squeeze %dma_start3A_346 : memref<1x128xi32, #tpu.memory_space<vmem>> -> memref<128xi32, #tpu.memory_space<vmem>>
        %dma_start3A_348 = arith.constant 0 : i32
        %dma_start3A_349 = arith.constant 0 : i32
        %dma_start3A_350 = tpu.memref_slice %arg11[%dma_start3A_348, %dma_start3A_349] : memref<10240x32xf32, #tpu.memory_space<vmem_shared>> -> memref<10240x32xf32, #tpu.memory_space<vmem_shared>>
        tpu.enqueue_indirect_dma source(%dma_start3A_350 : memref<10240x32xf32, #tpu.memory_space<vmem_shared>>) target(%dma_start3A_344 : memref<128x32xf32, #tpu.memory_space<vmem>>) offsets(%dma_start3A_347 : memref<128xi32, #tpu.memory_space<vmem>>) semaphore(%arg13 : memref<!tpu.dma_semaphore, #tpu.memory_space<semaphore_mem>>)
      } else {
      }
      %mul3A_261 = arith.constant 4 : i32
      %mul3A_262 = arith.muli %mul3A_261, %scan3A_195 : i32
      %add3A_263 = arith.constant 2 : i32
      %add3A_264 = arith.addi %mul3A_262, %add3A_263 : i32
      %dma_wait3A_265 = arith.constant 2 : i32
      %dma_wait3A_266 = arith.constant 0 : i32
      %dma_wait3A_267 = arith.constant 0 : i32
      %dma_wait3A_268 = tpu.memref_slice %arg7[%dma_wait3A_265, %dma_wait3A_266, %dma_wait3A_267] : memref<4x128x32xf32, #tpu.memory_space<vmem>> -> memref<1x128x32xf32, #tpu.memory_space<vmem>>
      %dma_wait3A_269 = tpu.memref_squeeze %dma_wait3A_268 : memref<1x128x32xf32, #tpu.memory_space<vmem>> -> memref<128x32xf32, #tpu.memory_space<vmem>>
      %dma_wait3A_270 = arith.constant 0 : i32
      %dma_wait3A_271 = tpu.memref_slice %arg5[%add3A_264, %dma_wait3A_270] : memref<80x128xi32, #tpu.memory_space<vmem>> -> memref<1x128xi32, #tpu.memory_space<vmem>>
      %dma_wait3A_272 = tpu.memref_squeeze %dma_wait3A_271 : memref<1x128xi32, #tpu.memory_space<vmem>> -> memref<128xi32, #tpu.memory_space<vmem>>
      %dma_wait3A_273 = arith.constant 0 : i32
      %dma_wait3A_274 = arith.constant 0 : i32
      %dma_wait3A_275 = tpu.memref_slice %arg11[%dma_wait3A_273, %dma_wait3A_274] : memref<10240x32xf32, #tpu.memory_space<vmem_shared>> -> memref<10240x32xf32, #tpu.memory_space<vmem_shared>>
      tpu.wait_indirect_dma semaphore(%arg14 : memref<!tpu.dma_semaphore, #tpu.memory_space<semaphore_mem>>) src(%dma_wait3A_275 : memref<10240x32xf32, #tpu.memory_space<vmem_shared>>) dst(%dma_wait3A_269 : memref<128x32xf32, #tpu.memory_space<vmem>>)
      %dma_start3A_276 = arith.constant 2 : i32
      %dma_start3A_277 = arith.constant 0 : i32
      %dma_start3A_278 = arith.constant 0 : i32
      %dma_start3A_279 = tpu.memref_slice %arg7[%dma_start3A_276, %dma_start3A_277, %dma_start3A_278] : memref<4x128x32xf32, #tpu.memory_space<vmem>> -> memref<1x128x32xf32, #tpu.memory_space<vmem>>
      %dma_start3A_280 = tpu.memref_squeeze %dma_start3A_279 : memref<1x128x32xf32, #tpu.memory_space<vmem>> -> memref<128x32xf32, #tpu.memory_space<vmem>>
      %dma_start3A_281 = arith.constant 0 : i32
      %dma_start3A_282 = tpu.memref_slice %arg6[%add3A_264, %dma_start3A_281] : memref<80x128xi32, #tpu.memory_space<vmem>> -> memref<1x128xi32, #tpu.memory_space<vmem>>
      %dma_start3A_283 = tpu.memref_squeeze %dma_start3A_282 : memref<1x128xi32, #tpu.memory_space<vmem>> -> memref<128xi32, #tpu.memory_space<vmem>>
      %dma_start3A_284 = arith.constant 0 : i32
      %dma_start3A_285 = arith.constant 0 : i32
      %dma_start3A_286 = tpu.memref_slice %arg10[%dma_start3A_284, %dma_start3A_285] : memref<10240x32xf32, #tpu.memory_space<vmem_shared>> -> memref<10240x32xf32, #tpu.memory_space<vmem_shared>>
      tpu.enqueue_indirect_dma source(%dma_start3A_280 : memref<128x32xf32, #tpu.memory_space<vmem>>) target(%dma_start3A_286 : memref<10240x32xf32, #tpu.memory_space<vmem_shared>>) offsets(%dma_start3A_283 : memref<128xi32, #tpu.memory_space<vmem>>) semaphore(%arg18 : memref<!tpu.dma_semaphore, #tpu.memory_space<semaphore_mem>>) {add = true}
      %add3A_287 = arith.constant 4 : i32
      %add3A_288 = arith.addi %add3A_264, %add3A_287 : i32
      %lt3A_289 = arith.constant 80 : i32
      %lt3A_290 = arith.cmpi slt, %add3A_288, %lt3A_289 : i32
      %convert_element_type3A_291 = arith.extui %lt3A_290 : i1 to i32
      %cond3A_292 = arith.constant 0 : i32
      %cond3A_293 = arith.cmpi ne, %convert_element_type3A_291, %cond3A_292 : i32
      scf.if %cond3A_293 {
        %dma_wait3A_327 = arith.constant 2 : i32
        %dma_wait3A_328 = arith.constant 0 : i32
        %dma_wait3A_329 = arith.constant 0 : i32
        %dma_wait3A_330 = tpu.memref_slice %arg7[%dma_wait3A_327, %dma_wait3A_328, %dma_wait3A_329] : memref<4x128x32xf32, #tpu.memory_space<vmem>> -> memref<1x128x32xf32, #tpu.memory_space<vmem>>
        %dma_wait3A_331 = tpu.memref_squeeze %dma_wait3A_330 : memref<1x128x32xf32, #tpu.memory_space<vmem>> -> memref<128x32xf32, #tpu.memory_space<vmem>>
        %dma_wait3A_332 = arith.constant 0 : i32
        %dma_wait3A_333 = tpu.memref_slice %arg6[%add3A_264, %dma_wait3A_332] : memref<80x128xi32, #tpu.memory_space<vmem>> -> memref<1x128xi32, #tpu.memory_space<vmem>>
        %dma_wait3A_334 = tpu.memref_squeeze %dma_wait3A_333 : memref<1x128xi32, #tpu.memory_space<vmem>> -> memref<128xi32, #tpu.memory_space<vmem>>
        %dma_wait3A_335 = arith.constant 0 : i32
        %dma_wait3A_336 = arith.constant 0 : i32
        %dma_wait3A_337 = tpu.memref_slice %arg10[%dma_wait3A_335, %dma_wait3A_336] : memref<10240x32xf32, #tpu.memory_space<vmem_shared>> -> memref<10240x32xf32, #tpu.memory_space<vmem_shared>>
        tpu.wait_indirect_dma semaphore(%arg18 : memref<!tpu.dma_semaphore, #tpu.memory_space<semaphore_mem>>) src(%dma_wait3A_331 : memref<128x32xf32, #tpu.memory_space<vmem>>) dst(%dma_wait3A_337 : memref<10240x32xf32, #tpu.memory_space<vmem_shared>>)
        %add3A_338 = arith.constant 4 : i32
        %add3A_339 = arith.addi %add3A_264, %add3A_338 : i32
        %dma_start3A_340 = arith.constant 2 : i32
        %dma_start3A_341 = arith.constant 0 : i32
        %dma_start3A_342 = arith.constant 0 : i32
        %dma_start3A_343 = tpu.memref_slice %arg7[%dma_start3A_340, %dma_start3A_341, %dma_start3A_342] : memref<4x128x32xf32, #tpu.memory_space<vmem>> -> memref<1x128x32xf32, #tpu.memory_space<vmem>>
        %dma_start3A_344 = tpu.memref_squeeze %dma_start3A_343 : memref<1x128x32xf32, #tpu.memory_space<vmem>> -> memref<128x32xf32, #tpu.memory_space<vmem>>
        %dma_start3A_345 = arith.constant 0 : i32
        %dma_start3A_346 = tpu.memref_slice %arg5[%add3A_339, %dma_start3A_345] : memref<80x128xi32, #tpu.memory_space<vmem>> -> memref<1x128xi32, #tpu.memory_space<vmem>>
        %dma_start3A_347 = tpu.memref_squeeze %dma_start3A_346 : memref<1x128xi32, #tpu.memory_space<vmem>> -> memref<128xi32, #tpu.memory_space<vmem>>
        %dma_start3A_348 = arith.constant 0 : i32
        %dma_start3A_349 = arith.constant 0 : i32
        %dma_start3A_350 = tpu.memref_slice %arg11[%dma_start3A_348, %dma_start3A_349] : memref<10240x32xf32, #tpu.memory_space<vmem_shared>> -> memref<10240x32xf32, #tpu.memory_space<vmem_shared>>
        tpu.enqueue_indirect_dma source(%dma_start3A_350 : memref<10240x32xf32, #tpu.memory_space<vmem_shared>>) target(%dma_start3A_344 : memref<128x32xf32, #tpu.memory_space<vmem>>) offsets(%dma_start3A_347 : memref<128xi32, #tpu.memory_space<vmem>>) semaphore(%arg14 : memref<!tpu.dma_semaphore, #tpu.memory_space<semaphore_mem>>)
      } else {
      }
      %mul3A_294 = arith.constant 4 : i32
      %mul3A_295 = arith.muli %mul3A_294, %scan3A_195 : i32
      %add3A_296 = arith.constant 3 : i32
      %add3A_297 = arith.addi %mul3A_295, %add3A_296 : i32
      %dma_wait3A_298 = arith.constant 3 : i32
      %dma_wait3A_299 = arith.constant 0 : i32
      %dma_wait3A_300 = arith.constant 0 : i32
      %dma_wait3A_301 = tpu.memref_slice %arg7[%dma_wait3A_298, %dma_wait3A_299, %dma_wait3A_300] : memref<4x128x32xf32, #tpu.memory_space<vmem>> -> memref<1x128x32xf32, #tpu.memory_space<vmem>>
      %dma_wait3A_302 = tpu.memref_squeeze %dma_wait3A_301 : memref<1x128x32xf32, #tpu.memory_space<vmem>> -> memref<128x32xf32, #tpu.memory_space<vmem>>
      %dma_wait3A_303 = arith.constant 0 : i32
      %dma_wait3A_304 = tpu.memref_slice %arg5[%add3A_297, %dma_wait3A_303] : memref<80x128xi32, #tpu.memory_space<vmem>> -> memref<1x128xi32, #tpu.memory_space<vmem>>
      %dma_wait3A_305 = tpu.memref_squeeze %dma_wait3A_304 : memref<1x128xi32, #tpu.memory_space<vmem>> -> memref<128xi32, #tpu.memory_space<vmem>>
      %dma_wait3A_306 = arith.constant 0 : i32
      %dma_wait3A_307 = arith.constant 0 : i32
      %dma_wait3A_308 = tpu.memref_slice %arg11[%dma_wait3A_306, %dma_wait3A_307] : memref<10240x32xf32, #tpu.memory_space<vmem_shared>> -> memref<10240x32xf32, #tpu.memory_space<vmem_shared>>
      tpu.wait_indirect_dma semaphore(%arg15 : memref<!tpu.dma_semaphore, #tpu.memory_space<semaphore_mem>>) src(%dma_wait3A_308 : memref<10240x32xf32, #tpu.memory_space<vmem_shared>>) dst(%dma_wait3A_302 : memref<128x32xf32, #tpu.memory_space<vmem>>)
      %dma_start3A_309 = arith.constant 3 : i32
      %dma_start3A_310 = arith.constant 0 : i32
      %dma_start3A_311 = arith.constant 0 : i32
      %dma_start3A_312 = tpu.memref_slice %arg7[%dma_start3A_309, %dma_start3A_310, %dma_start3A_311] : memref<4x128x32xf32, #tpu.memory_space<vmem>> -> memref<1x128x32xf32, #tpu.memory_space<vmem>>
      %dma_start3A_313 = tpu.memref_squeeze %dma_start3A_312 : memref<1x128x32xf32, #tpu.memory_space<vmem>> -> memref<128x32xf32, #tpu.memory_space<vmem>>
      %dma_start3A_314 = arith.constant 0 : i32
      %dma_start3A_315 = tpu.memref_slice %arg6[%add3A_297, %dma_start3A_314] : memref<80x128xi32, #tpu.memory_space<vmem>> -> memref<1x128xi32, #tpu.memory_space<vmem>>
      %dma_start3A_316 = tpu.memref_squeeze %dma_start3A_315 : memref<1x128xi32, #tpu.memory_space<vmem>> -> memref<128xi32, #tpu.memory_space<vmem>>
      %dma_start3A_317 = arith.constant 0 : i32
      %dma_start3A_318 = arith.constant 0 : i32
      %dma_start3A_319 = tpu.memref_slice %arg10[%dma_start3A_317, %dma_start3A_318] : memref<10240x32xf32, #tpu.memory_space<vmem_shared>> -> memref<10240x32xf32, #tpu.memory_space<vmem_shared>>
      tpu.enqueue_indirect_dma source(%dma_start3A_313 : memref<128x32xf32, #tpu.memory_space<vmem>>) target(%dma_start3A_319 : memref<10240x32xf32, #tpu.memory_space<vmem_shared>>) offsets(%dma_start3A_316 : memref<128xi32, #tpu.memory_space<vmem>>) semaphore(%arg19 : memref<!tpu.dma_semaphore, #tpu.memory_space<semaphore_mem>>) {add = true}
      %add3A_320 = arith.constant 4 : i32
      %add3A_321 = arith.addi %add3A_297, %add3A_320 : i32
      %lt3A_322 = arith.constant 80 : i32
      %lt3A_323 = arith.cmpi slt, %add3A_321, %lt3A_322 : i32
      %convert_element_type3A_324 = arith.extui %lt3A_323 : i1 to i32
      %cond3A_325 = arith.constant 0 : i32
      %cond3A_326 = arith.cmpi ne, %convert_element_type3A_324, %cond3A_325 : i32
      scf.if %cond3A_326 {
        %dma_wait3A_327 = arith.constant 3 : i32
        %dma_wait3A_328 = arith.constant 0 : i32
        %dma_wait3A_329 = arith.constant 0 : i32
        %dma_wait3A_330 = tpu.memref_slice %arg7[%dma_wait3A_327, %dma_wait3A_328, %dma_wait3A_329] : memref<4x128x32xf32, #tpu.memory_space<vmem>> -> memref<1x128x32xf32, #tpu.memory_space<vmem>>
        %dma_wait3A_331 = tpu.memref_squeeze %dma_wait3A_330 : memref<1x128x32xf32, #tpu.memory_space<vmem>> -> memref<128x32xf32, #tpu.memory_space<vmem>>
        %dma_wait3A_332 = arith.constant 0 : i32
        %dma_wait3A_333 = tpu.memref_slice %arg6[%add3A_297, %dma_wait3A_332] : memref<80x128xi32, #tpu.memory_space<vmem>> -> memref<1x128xi32, #tpu.memory_space<vmem>>
        %dma_wait3A_334 = tpu.memref_squeeze %dma_wait3A_333 : memref<1x128xi32, #tpu.memory_space<vmem>> -> memref<128xi32, #tpu.memory_space<vmem>>
        %dma_wait3A_335 = arith.constant 0 : i32
        %dma_wait3A_336 = arith.constant 0 : i32
        %dma_wait3A_337 = tpu.memref_slice %arg10[%dma_wait3A_335, %dma_wait3A_336] : memref<10240x32xf32, #tpu.memory_space<vmem_shared>> -> memref<10240x32xf32, #tpu.memory_space<vmem_shared>>
        tpu.wait_indirect_dma semaphore(%arg19 : memref<!tpu.dma_semaphore, #tpu.memory_space<semaphore_mem>>) src(%dma_wait3A_331 : memref<128x32xf32, #tpu.memory_space<vmem>>) dst(%dma_wait3A_337 : memref<10240x32xf32, #tpu.memory_space<vmem_shared>>)
        %add3A_338 = arith.constant 4 : i32
        %add3A_339 = arith.addi %add3A_297, %add3A_338 : i32
        %dma_start3A_340 = arith.constant 3 : i32
        %dma_start3A_341 = arith.constant 0 : i32
        %dma_start3A_342 = arith.constant 0 : i32
        %dma_start3A_343 = tpu.memref_slice %arg7[%dma_start3A_340, %dma_start3A_341, %dma_start3A_342] : memref<4x128x32xf32, #tpu.memory_space<vmem>> -> memref<1x128x32xf32, #tpu.memory_space<vmem>>
        %dma_start3A_344 = tpu.memref_squeeze %dma_start3A_343 : memref<1x128x32xf32, #tpu.memory_space<vmem>> -> memref<128x32xf32, #tpu.memory_space<vmem>>
        %dma_start3A_345 = arith.constant 0 : i32
        %dma_start3A_346 = tpu.memref_slice %arg5[%add3A_339, %dma_start3A_345] : memref<80x128xi32, #tpu.memory_space<vmem>> -> memref<1x128xi32, #tpu.memory_space<vmem>>
        %dma_start3A_347 = tpu.memref_squeeze %dma_start3A_346 : memref<1x128xi32, #tpu.memory_space<vmem>> -> memref<128xi32, #tpu.memory_space<vmem>>
        %dma_start3A_348 = arith.constant 0 : i32
        %dma_start3A_349 = arith.constant 0 : i32
        %dma_start3A_350 = tpu.memref_slice %arg11[%dma_start3A_348, %dma_start3A_349] : memref<10240x32xf32, #tpu.memory_space<vmem_shared>> -> memref<10240x32xf32, #tpu.memory_space<vmem_shared>>
        tpu.enqueue_indirect_dma source(%dma_start3A_350 : memref<10240x32xf32, #tpu.memory_space<vmem_shared>>) target(%dma_start3A_344 : memref<128x32xf32, #tpu.memory_space<vmem>>) offsets(%dma_start3A_347 : memref<128xi32, #tpu.memory_space<vmem>>) semaphore(%arg15 : memref<!tpu.dma_semaphore, #tpu.memory_space<semaphore_mem>>)
      } else {
      }
    }
    %scan3A_126 = arith.constant 20 : i32
    %dma_wait3A = arith.constant 0 : i32
    %dma_wait3A_127 = arith.constant 76 : i32
    %dma_wait3A_128 = arith.constant 0 : i32
    %dma_wait3A_129 = arith.constant 0 : i32
    %dma_wait3A_130 = tpu.memref_slice %arg7[%dma_wait3A, %dma_wait3A_128, %dma_wait3A_129] : memref<4x128x32xf32, #tpu.memory_space<vmem>> -> memref<1x128x32xf32, #tpu.memory_space<vmem>>
    %dma_wait3A_131 = tpu.memref_squeeze %dma_wait3A_130 : memref<1x128x32xf32, #tpu.memory_space<vmem>> -> memref<128x32xf32, #tpu.memory_space<vmem>>
    %dma_wait3A_132 = arith.constant 0 : i32
    %dma_wait3A_133 = tpu.memref_slice %arg6[%dma_wait3A_127, %dma_wait3A_132] : memref<80x128xi32, #tpu.memory_space<vmem>> -> memref<1x128xi32, #tpu.memory_space<vmem>>
    %dma_wait3A_134 = tpu.memref_squeeze %dma_wait3A_133 : memref<1x128xi32, #tpu.memory_space<vmem>> -> memref<128xi32, #tpu.memory_space<vmem>>
    %dma_wait3A_135 = arith.constant 0 : i32
    %dma_wait3A_136 = arith.constant 0 : i32
    %dma_wait3A_137 = tpu.memref_slice %arg10[%dma_wait3A_135, %dma_wait3A_136] : memref<10240x32xf32, #tpu.memory_space<vmem_shared>> -> memref<10240x32xf32, #tpu.memory_space<vmem_shared>>
    tpu.wait_indirect_dma semaphore(%arg16 : memref<!tpu.dma_semaphore, #tpu.memory_space<semaphore_mem>>) src(%dma_wait3A_131 : memref<128x32xf32, #tpu.memory_space<vmem>>) dst(%dma_wait3A_137 : memref<10240x32xf32, #tpu.memory_space<vmem_shared>>)
    %dma_wait3A_138 = arith.constant 1 : i32
    %dma_wait3A_139 = arith.constant 77 : i32
    %dma_wait3A_140 = arith.constant 0 : i32
    %dma_wait3A_141 = arith.constant 0 : i32
    %dma_wait3A_142 = tpu.memref_slice %arg7[%dma_wait3A_138, %dma_wait3A_140, %dma_wait3A_141] : memref<4x128x32xf32, #tpu.memory_space<vmem>> -> memref<1x128x32xf32, #tpu.memory_space<vmem>>
    %dma_wait3A_143 = tpu.memref_squeeze %dma_wait3A_142 : memref<1x128x32xf32, #tpu.memory_space<vmem>> -> memref<128x32xf32, #tpu.memory_space<vmem>>
    %dma_wait3A_144 = arith.constant 0 : i32
    %dma_wait3A_145 = tpu.memref_slice %arg6[%dma_wait3A_139, %dma_wait3A_144] : memref<80x128xi32, #tpu.memory_space<vmem>> -> memref<1x128xi32, #tpu.memory_space<vmem>>
    %dma_wait3A_146 = tpu.memref_squeeze %dma_wait3A_145 : memref<1x128xi32, #tpu.memory_space<vmem>> -> memref<128xi32, #tpu.memory_space<vmem>>
    %dma_wait3A_147 = arith.constant 0 : i32
    %dma_wait3A_148 = arith.constant 0 : i32
    %dma_wait3A_149 = tpu.memref_slice %arg10[%dma_wait3A_147, %dma_wait3A_148] : memref<10240x32xf32, #tpu.memory_space<vmem_shared>> -> memref<10240x32xf32, #tpu.memory_space<vmem_shared>>
    tpu.wait_indirect_dma semaphore(%arg17 : memref<!tpu.dma_semaphore, #tpu.memory_space<semaphore_mem>>) src(%dma_wait3A_143 : memref<128x32xf32, #tpu.memory_space<vmem>>) dst(%dma_wait3A_149 : memref<10240x32xf32, #tpu.memory_space<vmem_shared>>)
    %dma_wait3A_150 = arith.constant 2 : i32
    %dma_wait3A_151 = arith.constant 78 : i32
    %dma_wait3A_152 = arith.constant 0 : i32
    %dma_wait3A_153 = arith.constant 0 : i32
    %dma_wait3A_154 = tpu.memref_slice %arg7[%dma_wait3A_150, %dma_wait3A_152, %dma_wait3A_153] : memref<4x128x32xf32, #tpu.memory_space<vmem>> -> memref<1x128x32xf32, #tpu.memory_space<vmem>>
    %dma_wait3A_155 = tpu.memref_squeeze %dma_wait3A_154 : memref<1x128x32xf32, #tpu.memory_space<vmem>> -> memref<128x32xf32, #tpu.memory_space<vmem>>
    %dma_wait3A_156 = arith.constant 0 : i32
    %dma_wait3A_157 = tpu.memref_slice %arg6[%dma_wait3A_151, %dma_wait3A_156] : memref<80x128xi32, #tpu.memory_space<vmem>> -> memref<1x128xi32, #tpu.memory_space<vmem>>
    %dma_wait3A_158 = tpu.memref_squeeze %dma_wait3A_157 : memref<1x128xi32, #tpu.memory_space<vmem>> -> memref<128xi32, #tpu.memory_space<vmem>>
    %dma_wait3A_159 = arith.constant 0 : i32
    %dma_wait3A_160 = arith.constant 0 : i32
    %dma_wait3A_161 = tpu.memref_slice %arg10[%dma_wait3A_159, %dma_wait3A_160] : memref<10240x32xf32, #tpu.memory_space<vmem_shared>> -> memref<10240x32xf32, #tpu.memory_space<vmem_shared>>
    tpu.wait_indirect_dma semaphore(%arg18 : memref<!tpu.dma_semaphore, #tpu.memory_space<semaphore_mem>>) src(%dma_wait3A_155 : memref<128x32xf32, #tpu.memory_space<vmem>>) dst(%dma_wait3A_161 : memref<10240x32xf32, #tpu.memory_space<vmem_shared>>)
    %dma_wait3A_162 = arith.constant 3 : i32
    %dma_wait3A_163 = arith.constant 79 : i32
    %dma_wait3A_164 = arith.constant 0 : i32
    %dma_wait3A_165 = arith.constant 0 : i32
    %dma_wait3A_166 = tpu.memref_slice %arg7[%dma_wait3A_162, %dma_wait3A_164, %dma_wait3A_165] : memref<4x128x32xf32, #tpu.memory_space<vmem>> -> memref<1x128x32xf32, #tpu.memory_space<vmem>>
    %dma_wait3A_167 = tpu.memref_squeeze %dma_wait3A_166 : memref<1x128x32xf32, #tpu.memory_space<vmem>> -> memref<128x32xf32, #tpu.memory_space<vmem>>
    %dma_wait3A_168 = arith.constant 0 : i32
    %dma_wait3A_169 = tpu.memref_slice %arg6[%dma_wait3A_163, %dma_wait3A_168] : memref<80x128xi32, #tpu.memory_space<vmem>> -> memref<1x128xi32, #tpu.memory_space<vmem>>
    %dma_wait3A_170 = tpu.memref_squeeze %dma_wait3A_169 : memref<1x128xi32, #tpu.memory_space<vmem>> -> memref<128xi32, #tpu.memory_space<vmem>>
    %dma_wait3A_171 = arith.constant 0 : i32
    %dma_wait3A_172 = arith.constant 0 : i32
    %dma_wait3A_173 = tpu.memref_slice %arg10[%dma_wait3A_171, %dma_wait3A_172] : memref<10240x32xf32, #tpu.memory_space<vmem_shared>> -> memref<10240x32xf32, #tpu.memory_space<vmem_shared>>
    tpu.wait_indirect_dma semaphore(%arg19 : memref<!tpu.dma_semaphore, #tpu.memory_space<semaphore_mem>>) src(%dma_wait3A_167 : memref<128x32xf32, #tpu.memory_space<vmem>>) dst(%dma_wait3A_173 : memref<10240x32xf32, #tpu.memory_space<vmem_shared>>)
    %barrier3A_174 = arith.constant 0 : index
    tpu.barrier barrier_id(%barrier3A_174)
    %mul3A_175 = arith.constant 640 : i32
    %mul3A_176 = arith.muli %arg1, %mul3A_175 : i32
    %add3A_177 = arith.constant 0 : i32
    %add3A_178 = arith.addi %mul3A_176, %add3A_177 : i32
    "tpu.region"() ({
      %run_scoped3A_195 = tpu.sem_alloc : memref<!tpu.dma_semaphore, #tpu.memory_space<semaphore_mem>>
      %dma_start3A_196 = arith.constant 0 : i32
      %dma_start3A_197 = tpu.memref_slice %arg4[%arg0, %add3A_178, %dma_start3A_196] : memref<2x10240x128xf32, #tpu.memory_space<hbm>> -> memref<1x128x32xf32, #tpu.memory_space<hbm>>
      %dma_start3A_198 = tpu.memref_squeeze %dma_start3A_197 : memref<1x128x32xf32, #tpu.memory_space<hbm>> -> memref<128x32xf32, #tpu.memory_space<hbm>>
      %dma_start3A_199 = arith.constant 0 : i32
      %dma_start3A_200 = tpu.memref_slice %arg10[%add3A_178, %dma_start3A_199] : memref<10240x32xf32, #tpu.memory_space<vmem_shared>> -> memref<128x32xf32, #tpu.memory_space<vmem_shared>>
      tpu.enqueue_dma source(%dma_start3A_200 : memref<128x32xf32, #tpu.memory_space<vmem_shared>>) target(%dma_start3A_198 : memref<128x32xf32, #tpu.memory_space<hbm>>) target_semaphore(%run_scoped3A_195 : memref<!tpu.dma_semaphore, #tpu.memory_space<semaphore_mem>>)
      %dma_wait3A_201 = arith.constant 0 : i32
      %dma_wait3A_202 = tpu.memref_slice %arg4[%arg0, %add3A_178, %dma_wait3A_201] : memref<2x10240x128xf32, #tpu.memory_space<hbm>> -> memref<1x128x32xf32, #tpu.memory_space<hbm>>
      %dma_wait3A_203 = tpu.memref_squeeze %dma_wait3A_202 : memref<1x128x32xf32, #tpu.memory_space<hbm>> -> memref<128x32xf32, #tpu.memory_space<hbm>>
      %dma_wait3A_204 = arith.constant 0 : i32
      %dma_wait3A_205 = tpu.memref_slice %arg10[%add3A_178, %dma_wait3A_204] : memref<10240x32xf32, #tpu.memory_space<vmem_shared>> -> memref<128x32xf32, #tpu.memory_space<vmem_shared>>
      tpu.wait_dma2 semaphore(%run_scoped3A_195 : memref<!tpu.dma_semaphore, #tpu.memory_space<semaphore_mem>>) src(%dma_wait3A_205 : memref<128x32xf32, #tpu.memory_space<vmem_shared>>) dst(%dma_wait3A_203 : memref<128x32xf32, #tpu.memory_space<hbm>>)
      tpu.yield
    }) : () -> ()
    %mul3A_179 = arith.constant 640 : i32
    %mul3A_180 = arith.muli %arg1, %mul3A_179 : i32
    %add3A_181 = arith.constant 128 : i32
    %add3A_182 = arith.addi %mul3A_180, %add3A_181 : i32
    "tpu.region"() ({
      %run_scoped3A_195 = tpu.sem_alloc : memref<!tpu.dma_semaphore, #tpu.memory_space<semaphore_mem>>
      %dma_start3A_196 = arith.constant 0 : i32
      %dma_start3A_197 = tpu.memref_slice %arg4[%arg0, %add3A_182, %dma_start3A_196] : memref<2x10240x128xf32, #tpu.memory_space<hbm>> -> memref<1x128x32xf32, #tpu.memory_space<hbm>>
      %dma_start3A_198 = tpu.memref_squeeze %dma_start3A_197 : memref<1x128x32xf32, #tpu.memory_space<hbm>> -> memref<128x32xf32, #tpu.memory_space<hbm>>
      %dma_start3A_199 = arith.constant 0 : i32
      %dma_start3A_200 = tpu.memref_slice %arg10[%add3A_182, %dma_start3A_199] : memref<10240x32xf32, #tpu.memory_space<vmem_shared>> -> memref<128x32xf32, #tpu.memory_space<vmem_shared>>
      tpu.enqueue_dma source(%dma_start3A_200 : memref<128x32xf32, #tpu.memory_space<vmem_shared>>) target(%dma_start3A_198 : memref<128x32xf32, #tpu.memory_space<hbm>>) target_semaphore(%run_scoped3A_195 : memref<!tpu.dma_semaphore, #tpu.memory_space<semaphore_mem>>)
      %dma_wait3A_201 = arith.constant 0 : i32
      %dma_wait3A_202 = tpu.memref_slice %arg4[%arg0, %add3A_182, %dma_wait3A_201] : memref<2x10240x128xf32, #tpu.memory_space<hbm>> -> memref<1x128x32xf32, #tpu.memory_space<hbm>>
      %dma_wait3A_203 = tpu.memref_squeeze %dma_wait3A_202 : memref<1x128x32xf32, #tpu.memory_space<hbm>> -> memref<128x32xf32, #tpu.memory_space<hbm>>
      %dma_wait3A_204 = arith.constant 0 : i32
      %dma_wait3A_205 = tpu.memref_slice %arg10[%add3A_182, %dma_wait3A_204] : memref<10240x32xf32, #tpu.memory_space<vmem_shared>> -> memref<128x32xf32, #tpu.memory_space<vmem_shared>>
      tpu.wait_dma2 semaphore(%run_scoped3A_195 : memref<!tpu.dma_semaphore, #tpu.memory_space<semaphore_mem>>) src(%dma_wait3A_205 : memref<128x32xf32, #tpu.memory_space<vmem_shared>>) dst(%dma_wait3A_203 : memref<128x32xf32, #tpu.memory_space<hbm>>)
      tpu.yield
    }) : () -> ()
    %mul3A_183 = arith.constant 640 : i32
    %mul3A_184 = arith.muli %arg1, %mul3A_183 : i32
    %add3A_185 = arith.constant 256 : i32
    %add3A_186 = arith.addi %mul3A_184, %add3A_185 : i32
    "tpu.region"() ({
      %run_scoped3A_195 = tpu.sem_alloc : memref<!tpu.dma_semaphore, #tpu.memory_space<semaphore_mem>>
      %dma_start3A_196 = arith.constant 0 : i32
      %dma_start3A_197 = tpu.memref_slice %arg4[%arg0, %add3A_186, %dma_start3A_196] : memref<2x10240x128xf32, #tpu.memory_space<hbm>> -> memref<1x128x32xf32, #tpu.memory_space<hbm>>
      %dma_start3A_198 = tpu.memref_squeeze %dma_start3A_197 : memref<1x128x32xf32, #tpu.memory_space<hbm>> -> memref<128x32xf32, #tpu.memory_space<hbm>>
      %dma_start3A_199 = arith.constant 0 : i32
      %dma_start3A_200 = tpu.memref_slice %arg10[%add3A_186, %dma_start3A_199] : memref<10240x32xf32, #tpu.memory_space<vmem_shared>> -> memref<128x32xf32, #tpu.memory_space<vmem_shared>>
      tpu.enqueue_dma source(%dma_start3A_200 : memref<128x32xf32, #tpu.memory_space<vmem_shared>>) target(%dma_start3A_198 : memref<128x32xf32, #tpu.memory_space<hbm>>) target_semaphore(%run_scoped3A_195 : memref<!tpu.dma_semaphore, #tpu.memory_space<semaphore_mem>>)
      %dma_wait3A_201 = arith.constant 0 : i32
      %dma_wait3A_202 = tpu.memref_slice %arg4[%arg0, %add3A_186, %dma_wait3A_201] : memref<2x10240x128xf32, #tpu.memory_space<hbm>> -> memref<1x128x32xf32, #tpu.memory_space<hbm>>
      %dma_wait3A_203 = tpu.memref_squeeze %dma_wait3A_202 : memref<1x128x32xf32, #tpu.memory_space<hbm>> -> memref<128x32xf32, #tpu.memory_space<hbm>>
      %dma_wait3A_204 = arith.constant 0 : i32
      %dma_wait3A_205 = tpu.memref_slice %arg10[%add3A_186, %dma_wait3A_204] : memref<10240x32xf32, #tpu.memory_space<vmem_shared>> -> memref<128x32xf32, #tpu.memory_space<vmem_shared>>
      tpu.wait_dma2 semaphore(%run_scoped3A_195 : memref<!tpu.dma_semaphore, #tpu.memory_space<semaphore_mem>>) src(%dma_wait3A_205 : memref<128x32xf32, #tpu.memory_space<vmem_shared>>) dst(%dma_wait3A_203 : memref<128x32xf32, #tpu.memory_space<hbm>>)
      tpu.yield
    }) : () -> ()
    %mul3A_187 = arith.constant 640 : i32
    %mul3A_188 = arith.muli %arg1, %mul3A_187 : i32
    %add3A_189 = arith.constant 384 : i32
    %add3A_190 = arith.addi %mul3A_188, %add3A_189 : i32
    "tpu.region"() ({
      %run_scoped3A_195 = tpu.sem_alloc : memref<!tpu.dma_semaphore, #tpu.memory_space<semaphore_mem>>
      %dma_start3A_196 = arith.constant 0 : i32
      %dma_start3A_197 = tpu.memref_slice %arg4[%arg0, %add3A_190, %dma_start3A_196] : memref<2x10240x128xf32, #tpu.memory_space<hbm>> -> memref<1x128x32xf32, #tpu.memory_space<hbm>>
      %dma_start3A_198 = tpu.memref_squeeze %dma_start3A_197 : memref<1x128x32xf32, #tpu.memory_space<hbm>> -> memref<128x32xf32, #tpu.memory_space<hbm>>
      %dma_start3A_199 = arith.constant 0 : i32
      %dma_start3A_200 = tpu.memref_slice %arg10[%add3A_190, %dma_start3A_199] : memref<10240x32xf32, #tpu.memory_space<vmem_shared>> -> memref<128x32xf32, #tpu.memory_space<vmem_shared>>
      tpu.enqueue_dma source(%dma_start3A_200 : memref<128x32xf32, #tpu.memory_space<vmem_shared>>) target(%dma_start3A_198 : memref<128x32xf32, #tpu.memory_space<hbm>>) target_semaphore(%run_scoped3A_195 : memref<!tpu.dma_semaphore, #tpu.memory_space<semaphore_mem>>)
      %dma_wait3A_201 = arith.constant 0 : i32
      %dma_wait3A_202 = tpu.memref_slice %arg4[%arg0, %add3A_190, %dma_wait3A_201] : memref<2x10240x128xf32, #tpu.memory_space<hbm>> -> memref<1x128x32xf32, #tpu.memory_space<hbm>>
      %dma_wait3A_203 = tpu.memref_squeeze %dma_wait3A_202 : memref<1x128x32xf32, #tpu.memory_space<hbm>> -> memref<128x32xf32, #tpu.memory_space<hbm>>
      %dma_wait3A_204 = arith.constant 0 : i32
      %dma_wait3A_205 = tpu.memref_slice %arg10[%add3A_190, %dma_wait3A_204] : memref<10240x32xf32, #tpu.memory_space<vmem_shared>> -> memref<128x32xf32, #tpu.memory_space<vmem_shared>>
      tpu.wait_dma2 semaphore(%run_scoped3A_195 : memref<!tpu.dma_semaphore, #tpu.memory_space<semaphore_mem>>) src(%dma_wait3A_205 : memref<128x32xf32, #tpu.memory_space<vmem_shared>>) dst(%dma_wait3A_203 : memref<128x32xf32, #tpu.memory_space<hbm>>)
      tpu.yield
    }) : () -> ()
    %mul3A_191 = arith.constant 640 : i32
    %mul3A_192 = arith.muli %arg1, %mul3A_191 : i32
    %add3A_193 = arith.constant 512 : i32
    %add3A_194 = arith.addi %mul3A_192, %add3A_193 : i32
    "tpu.region"() ({
      %run_scoped3A_195 = tpu.sem_alloc : memref<!tpu.dma_semaphore, #tpu.memory_space<semaphore_mem>>
      %dma_start3A_196 = arith.constant 0 : i32
      %dma_start3A_197 = tpu.memref_slice %arg4[%arg0, %add3A_194, %dma_start3A_196] : memref<2x10240x128xf32, #tpu.memory_space<hbm>> -> memref<1x128x32xf32, #tpu.memory_space<hbm>>
      %dma_start3A_198 = tpu.memref_squeeze %dma_start3A_197 : memref<1x128x32xf32, #tpu.memory_space<hbm>> -> memref<128x32xf32, #tpu.memory_space<hbm>>
      %dma_start3A_199 = arith.constant 0 : i32
      %dma_start3A_200 = tpu.memref_slice %arg10[%add3A_194, %dma_start3A_199] : memref<10240x32xf32, #tpu.memory_space<vmem_shared>> -> memref<128x32xf32, #tpu.memory_space<vmem_shared>>
      tpu.enqueue_dma source(%dma_start3A_200 : memref<128x32xf32, #tpu.memory_space<vmem_shared>>) target(%dma_start3A_198 : memref<128x32xf32, #tpu.memory_space<hbm>>) target_semaphore(%run_scoped3A_195 : memref<!tpu.dma_semaphore, #tpu.memory_space<semaphore_mem>>)
      %dma_wait3A_201 = arith.constant 0 : i32
      %dma_wait3A_202 = tpu.memref_slice %arg4[%arg0, %add3A_194, %dma_wait3A_201] : memref<2x10240x128xf32, #tpu.memory_space<hbm>> -> memref<1x128x32xf32, #tpu.memory_space<hbm>>
      %dma_wait3A_203 = tpu.memref_squeeze %dma_wait3A_202 : memref<1x128x32xf32, #tpu.memory_space<hbm>> -> memref<128x32xf32, #tpu.memory_space<hbm>>
      %dma_wait3A_204 = arith.constant 0 : i32
      %dma_wait3A_205 = tpu.memref_slice %arg10[%add3A_194, %dma_wait3A_204] : memref<10240x32xf32, #tpu.memory_space<vmem_shared>> -> memref<128x32xf32, #tpu.memory_space<vmem_shared>>
      tpu.wait_dma2 semaphore(%run_scoped3A_195 : memref<!tpu.dma_semaphore, #tpu.memory_space<semaphore_mem>>) src(%dma_wait3A_205 : memref<128x32xf32, #tpu.memory_space<vmem_shared>>) dst(%dma_wait3A_203 : memref<128x32xf32, #tpu.memory_space<hbm>>)
      tpu.yield
    }) : () -> ()
    return
  }
}

#map = affine_map<(d0, d1) -> (0, 0)>
#map1 = affine_map<(d0, d1) -> (0, 0, 0, 0)>
#map2 = affine_map<(d0, d1) -> (0, 0, 0)>
module attributes {stable_mosaic.version = 14 : i64} {
  func.func @k(%arg0: i32, %arg1: i32, %arg2: memref<10240x128xf32, #tpu.memory_space<hbm>>, %arg3: memref<2x32x80x128xi32, #tpu.memory_space<hbm>>, %arg4: memref<2x10240x128xf32, #tpu.memory_space<hbm>>, %arg5: memref<80x128xi32, #tpu.memory_space<vmem>>, %arg6: memref<80x128xi32, #tpu.memory_space<vmem>>, %arg7: memref<4x128x32xf32, #tpu.memory_space<vmem>>, %arg8: memref<128x32xf32, #tpu.memory_space<vmem>>, %arg9: memref<128x32xf32, #tpu.memory_space<vmem>>, %arg10: memref<10240x32xf32, #tpu.memory_space<vmem_shared>>, %arg11: memref<10240x32xf32, #tpu.memory_space<vmem_shared>>, %arg12: memref<!tpu.dma_semaphore, #tpu.memory_space<semaphore_mem>>, %arg13: memref<!tpu.dma_semaphore, #tpu.memory_space<semaphore_mem>>, %arg14: memref<!tpu.dma_semaphore, #tpu.memory_space<semaphore_mem>>, %arg15: memref<!tpu.dma_semaphore, #tpu.memory_space<semaphore_mem>>, %arg16: memref<!tpu.dma_semaphore, #tpu.memory_space<semaphore_mem>>, %arg17: memref<!tpu.dma_semaphore, #tpu.memory_space<semaphore_mem>>, %arg18: memref<!tpu.dma_semaphore, #tpu.memory_space<semaphore_mem>>, %arg19: memref<!tpu.dma_semaphore, #tpu.memory_space<semaphore_mem>>) attributes {dimension_semantics = [#tpu.dimension_semantics<core_parallel>, #tpu.dimension_semantics<subcore_parallel>], iteration_bounds = array<i64: 2, 16>, scalar_prefetch = 0 : i64, scratch_operands = 15 : i64, tpu.core_type = #tpu.core_type<sc_vector_subcore>, window_params = [{transform_indices = #map}, {transform_indices = #map1}, {transform_indices = #map2}]} {
    %mul3A = arith.constant 2 : i32
    %mul3A_0 = arith.muli %arg1, %mul3A : i32
    %add3A = arith.addi %mul3A_0, %arg0 : i32
    %broadcast_in_dim3A = arith.constant 0.000000e+00 : f32
    %broadcast_in_dim3A_1 = vector.broadcast %broadcast_in_dim3A : f32 to vector<16xf32>
    %scan3A = arith.constant 0 : i32
    %scan3A_2 = arith.constant 0 : i32
    %scan3A_3 = arith.constant 128 : i32
    %scan3A_4 = arith.addi %scan3A_2, %scan3A_3 : i32
    %scan3A_5 = arith.constant 1 : i32
    scf.for %scan3A_195 = %scan3A_2 to %scan3A_4 step %scan3A_5  : i32 {
      %swap3A = arith.index_cast %scan3A_195 : i32 to index
      %swap3A_196 = arith.constant 0 : index
      %swap3A_197 = tpu.vector_load %arg9[%swap3A, %swap3A_196] {strides = array<i32>} : memref<128x32xf32, #tpu.memory_space<vmem>>, vector<1x16xf32>,
      %swap3A_198 = vector.shape_cast %swap3A_197 : vector<1x16xf32> to vector<16xf32>
      %swap3A_199 = vector.shape_cast %broadcast_in_dim3A_1 : vector<16xf32> to vector<1x16xf32>
      tpu.vector_store %arg9[%swap3A, %swap3A_196], %swap3A_199 {strides = array<i32>} : memref<128x32xf32, #tpu.memory_space<vmem>>, vector<1x16xf32>,
      %swap3A_200 = arith.index_cast %scan3A_195 : i32 to index
      %swap3A_201 = arith.constant 16 : index
      %swap3A_202 = tpu.vector_load %arg9[%swap3A_200, %swap3A_201] {strides = array<i32>} : memref<128x32xf32, #tpu.memory_space<vmem>>, vector<1x16xf32>,
      %swap3A_203 = vector.shape_cast %swap3A_202 : vector<1x16xf32> to vector<16xf32>
      %swap3A_204 = vector.shape_cast %broadcast_in_dim3A_1 : vector<16xf32> to vector<1x16xf32>
      tpu.vector_store %arg9[%swap3A_200, %swap3A_201], %swap3A_204 {strides = array<i32>} : memref<128x32xf32, #tpu.memory_space<vmem>>, vector<1x16xf32>,
    }
    %scan3A_6 = arith.constant 128 : i32
    %mul3A_7 = arith.constant 640 : i32
    %mul3A_8 = arith.muli %arg1, %mul3A_7 : i32
    %add3A_9 = arith.constant 0 : i32
    %add3A_10 = arith.addi %mul3A_8, %add3A_9 : i32
    "tpu.region"() ({
      %run_scoped3A_195 = tpu.sem_alloc : memref<!tpu.dma_semaphore, #tpu.memory_space<semaphore_mem>>
      %dma_start3A_196 = arith.constant 0 : i32
      %dma_start3A_197 = tpu.memref_slice %arg2[%add3A_10, %dma_start3A_196] : memref<10240x128xf32, #tpu.memory_space<hbm>> -> memref<128x32xf32, #tpu.memory_space<hbm>>
      %dma_start3A_198 = arith.constant 0 : i32
      %dma_start3A_199 = tpu.memref_slice %arg2[%add3A_10, %dma_start3A_198] : memref<10240x128xf32, #tpu.memory_space<hbm>> -> memref<128x32xf32, #tpu.memory_space<hbm>>
      tpu.enqueue_dma source(%dma_start3A_199 : memref<128x32xf32, #tpu.memory_space<hbm>>) target(%arg8 : memref<128x32xf32, #tpu.memory_space<vmem>>) target_semaphore(%run_scoped3A_195 : memref<!tpu.dma_semaphore, #tpu.memory_space<semaphore_mem>>)
      %dma_wait3A_200 = arith.constant 0 : i32
      %dma_wait3A_201 = tpu.memref_slice %arg2[%add3A_10, %dma_wait3A_200] : memref<10240x128xf32, #tpu.memory_space<hbm>> -> memref<128x32xf32, #tpu.memory_space<hbm>>
      %dma_wait3A_202 = arith.constant 0 : i32
      %dma_wait3A_203 = tpu.memref_slice %arg2[%add3A_10, %dma_wait3A_202] : memref<10240x128xf32, #tpu.memory_space<hbm>> -> memref<128x32xf32, #tpu.memory_space<hbm>>
      tpu.wait_dma2 semaphore(%run_scoped3A_195 : memref<!tpu.dma_semaphore, #tpu.memory_space<semaphore_mem>>) src(%dma_wait3A_203 : memref<128x32xf32, #tpu.memory_space<hbm>>) dst(%arg8 : memref<128x32xf32, #tpu.memory_space<vmem>>)
      tpu.yield
    }) : () -> ()
    "tpu.region"() ({
      %run_scoped3A_195 = tpu.sem_alloc : memref<!tpu.dma_semaphore, #tpu.memory_space<semaphore_mem>>
      %dma_start3A_196 = arith.constant 0 : i32
      %dma_start3A_197 = tpu.memref_slice %arg11[%add3A_10, %dma_start3A_196] : memref<10240x32xf32, #tpu.memory_space<vmem_shared>> -> memref<128x32xf32, #tpu.memory_space<vmem_shared>>
      %dma_start3A_198 = arith.constant 0 : i32
      %dma_start3A_199 = tpu.memref_slice %arg11[%add3A_10, %dma_start3A_198] : memref<10240x32xf32, #tpu.memory_space<vmem_shared>> -> memref<128x32xf32, #tpu.memory_space<vmem_shared>>
      tpu.enqueue_dma source(%arg8 : memref<128x32xf32, #tpu.memory_space<vmem>>) target(%dma_start3A_199 : memref<128x32xf32, #tpu.memory_space<vmem_shared>>) target_semaphore(%run_scoped3A_195 : memref<!tpu.dma_semaphore, #tpu.memory_space<semaphore_mem>>)
      %dma_wait3A_200 = arith.constant 0 : i32
      %dma_wait3A_201 = tpu.memref_slice %arg11[%add3A_10, %dma_wait3A_200] : memref<10240x32xf32, #tpu.memory_space<vmem_shared>> -> memref<128x32xf32, #tpu.memory_space<vmem_shared>>
      %dma_wait3A_202 = arith.constant 0 : i32
      %dma_wait3A_203 = tpu.memref_slice %arg11[%add3A_10, %dma_wait3A_202] : memref<10240x32xf32, #tpu.memory_space<vmem_shared>> -> memref<128x32xf32, #tpu.memory_space<vmem_shared>>
      tpu.wait_dma2 semaphore(%run_scoped3A_195 : memref<!tpu.dma_semaphore, #tpu.memory_space<semaphore_mem>>) src(%arg8 : memref<128x32xf32, #tpu.memory_space<vmem>>) dst(%dma_wait3A_203 : memref<128x32xf32, #tpu.memory_space<vmem_shared>>)
      tpu.yield
    }) : () -> ()
    %eq3A = arith.constant 0 : i32
    %eq3A_11 = arith.cmpi eq, %arg0, %eq3A : i32
    %convert_element_type3A = arith.extui %eq3A_11 : i1 to i32
    %cond3A = arith.constant 0 : i32
    %cond3A_12 = arith.cmpi ne, %convert_element_type3A, %cond3A : i32
    scf.if %cond3A_12 {
      "tpu.region"() ({
        %run_scoped3A_195 = tpu.sem_alloc : memref<!tpu.dma_semaphore, #tpu.memory_space<semaphore_mem>>
        %dma_start3A_196 = arith.constant 0 : i32
        %dma_start3A_197 = tpu.memref_slice %arg10[%add3A_10, %dma_start3A_196] : memref<10240x32xf32, #tpu.memory_space<vmem_shared>> -> memref<128x32xf32, #tpu.memory_space<vmem_shared>>
        %dma_start3A_198 = arith.constant 0 : i32
        %dma_start3A_199 = tpu.memref_slice %arg10[%add3A_10, %dma_start3A_198] : memref<10240x32xf32, #tpu.memory_space<vmem_shared>> -> memref<128x32xf32, #tpu.memory_space<vmem_shared>>
        tpu.enqueue_dma source(%arg8 : memref<128x32xf32, #tpu.memory_space<vmem>>) target(%dma_start3A_199 : memref<128x32xf32, #tpu.memory_space<vmem_shared>>) target_semaphore(%run_scoped3A_195 : memref<!tpu.dma_semaphore, #tpu.memory_space<semaphore_mem>>)
        %dma_wait3A_200 = arith.constant 0 : i32
        %dma_wait3A_201 = tpu.memref_slice %arg10[%add3A_10, %dma_wait3A_200] : memref<10240x32xf32, #tpu.memory_space<vmem_shared>> -> memref<128x32xf32, #tpu.memory_space<vmem_shared>>
        %dma_wait3A_202 = arith.constant 0 : i32
        %dma_wait3A_203 = tpu.memref_slice %arg10[%add3A_10, %dma_wait3A_202] : memref<10240x32xf32, #tpu.memory_space<vmem_shared>> -> memref<128x32xf32, #tpu.memory_space<vmem_shared>>
        tpu.wait_dma2 semaphore(%run_scoped3A_195 : memref<!tpu.dma_semaphore, #tpu.memory_space<semaphore_mem>>) src(%arg8 : memref<128x32xf32, #tpu.memory_space<vmem>>) dst(%dma_wait3A_203 : memref<128x32xf32, #tpu.memory_space<vmem_shared>>)
        tpu.yield
      }) : () -> ()
    } else {
    }
    %ne3A = arith.constant 0 : i32
    %ne3A_13 = arith.cmpi ne, %arg0, %ne3A : i32
    %convert_element_type3A_14 = arith.extui %ne3A_13 : i1 to i32
    %cond3A_15 = arith.constant 0 : i32
    %cond3A_16 = arith.cmpi ne, %convert_element_type3A_14, %cond3A_15 : i32
    scf.if %cond3A_16 {
      "tpu.region"() ({
        %run_scoped3A_195 = tpu.sem_alloc : memref<!tpu.dma_semaphore, #tpu.memory_space<semaphore_mem>>
        %dma_start3A_196 = arith.constant 0 : i32
        %dma_start3A_197 = tpu.memref_slice %arg10[%add3A_10, %dma_start3A_196] : memref<10240x32xf32, #tpu.memory_space<vmem_shared>> -> memref<128x32xf32, #tpu.memory_space<vmem_shared>>
        %dma_start3A_198 = arith.constant 0 : i32
        %dma_start3A_199 = tpu.memref_slice %arg10[%add3A_10, %dma_start3A_198] : memref<10240x32xf32, #tpu.memory_space<vmem_shared>> -> memref<128x32xf32, #tpu.memory_space<vmem_shared>>
        tpu.enqueue_dma source(%arg9 : memref<128x32xf32, #tpu.memory_space<vmem>>) target(%dma_start3A_199 : memref<128x32xf32, #tpu.memory_space<vmem_shared>>) target_semaphore(%run_scoped3A_195 : memref<!tpu.dma_semaphore, #tpu.memory_space<semaphore_mem>>)
        %dma_wait3A_200 = arith.constant 0 : i32
        %dma_wait3A_201 = tpu.memref_slice %arg10[%add3A_10, %dma_wait3A_200] : memref<10240x32xf32, #tpu.memory_space<vmem_shared>> -> memref<128x32xf32, #tpu.memory_space<vmem_shared>>
        %dma_wait3A_202 = arith.constant 0 : i32
        %dma_wait3A_203 = tpu.memref_slice %arg10[%add3A_10, %dma_wait3A_202] : memref<10240x32xf32, #tpu.memory_space<vmem_shared>> -> memref<128x32xf32, #tpu.memory_space<vmem_shared>>
        tpu.wait_dma2 semaphore(%run_scoped3A_195 : memref<!tpu.dma_semaphore, #tpu.memory_space<semaphore_mem>>) src(%arg9 : memref<128x32xf32, #tpu.memory_space<vmem>>) dst(%dma_wait3A_203 : memref<128x32xf32, #tpu.memory_space<vmem_shared>>)
        tpu.yield
      }) : () -> ()
    } else {
    }
    %mul3A_17 = arith.constant 640 : i32
    %mul3A_18 = arith.muli %arg1, %mul3A_17 : i32
    %add3A_19 = arith.constant 128 : i32
    %add3A_20 = arith.addi %mul3A_18, %add3A_19 : i32
    "tpu.region"() ({
      %run_scoped3A_195 = tpu.sem_alloc : memref<!tpu.dma_semaphore, #tpu.memory_space<semaphore_mem>>
      %dma_start3A_196 = arith.constant 0 : i32
      %dma_start3A_197 = tpu.memref_slice %arg2[%add3A_20, %dma_start3A_196] : memref<10240x128xf32, #tpu.memory_space<hbm>> -> memref<128x32xf32, #tpu.memory_space<hbm>>
      %dma_start3A_198 = arith.constant 0 : i32
      %dma_start3A_199 = tpu.memref_slice %arg2[%add3A_20, %dma_start3A_198] : memref<10240x128xf32, #tpu.memory_space<hbm>> -> memref<128x32xf32, #tpu.memory_space<hbm>>
      tpu.enqueue_dma source(%dma_start3A_199 : memref<128x32xf32, #tpu.memory_space<hbm>>) target(%arg8 : memref<128x32xf32, #tpu.memory_space<vmem>>) target_semaphore(%run_scoped3A_195 : memref<!tpu.dma_semaphore, #tpu.memory_space<semaphore_mem>>)
      %dma_wait3A_200 = arith.constant 0 : i32
      %dma_wait3A_201 = tpu.memref_slice %arg2[%add3A_20, %dma_wait3A_200] : memref<10240x128xf32, #tpu.memory_space<hbm>> -> memref<128x32xf32, #tpu.memory_space<hbm>>
      %dma_wait3A_202 = arith.constant 0 : i32
      %dma_wait3A_203 = tpu.memref_slice %arg2[%add3A_20, %dma_wait3A_202] : memref<10240x128xf32, #tpu.memory_space<hbm>> -> memref<128x32xf32, #tpu.memory_space<hbm>>
      tpu.wait_dma2 semaphore(%run_scoped3A_195 : memref<!tpu.dma_semaphore, #tpu.memory_space<semaphore_mem>>) src(%dma_wait3A_203 : memref<128x32xf32, #tpu.memory_space<hbm>>) dst(%arg8 : memref<128x32xf32, #tpu.memory_space<vmem>>)
      tpu.yield
    }) : () -> ()
    "tpu.region"() ({
      %run_scoped3A_195 = tpu.sem_alloc : memref<!tpu.dma_semaphore, #tpu.memory_space<semaphore_mem>>
      %dma_start3A_196 = arith.constant 0 : i32
      %dma_start3A_197 = tpu.memref_slice %arg11[%add3A_20, %dma_start3A_196] : memref<10240x32xf32, #tpu.memory_space<vmem_shared>> -> memref<128x32xf32, #tpu.memory_space<vmem_shared>>
      %dma_start3A_198 = arith.constant 0 : i32
      %dma_start3A_199 = tpu.memref_slice %arg11[%add3A_20, %dma_start3A_198] : memref<10240x32xf32, #tpu.memory_space<vmem_shared>> -> memref<128x32xf32, #tpu.memory_space<vmem_shared>>
      tpu.enqueue_dma source(%arg8 : memref<128x32xf32, #tpu.memory_space<vmem>>) target(%dma_start3A_199 : memref<128x32xf32, #tpu.memory_space<vmem_shared>>) target_semaphore(%run_scoped3A_195 : memref<!tpu.dma_semaphore, #tpu.memory_space<semaphore_mem>>)
      %dma_wait3A_200 = arith.constant 0 : i32
      %dma_wait3A_201 = tpu.memref_slice %arg11[%add3A_20, %dma_wait3A_200] : memref<10240x32xf32, #tpu.memory_space<vmem_shared>> -> memref<128x32xf32, #tpu.memory_space<vmem_shared>>
      %dma_wait3A_202 = arith.constant 0 : i32
      %dma_wait3A_203 = tpu.memref_slice %arg11[%add3A_20, %dma_wait3A_202] : memref<10240x32xf32, #tpu.memory_space<vmem_shared>> -> memref<128x32xf32, #tpu.memory_space<vmem_shared>>
      tpu.wait_dma2 semaphore(%run_scoped3A_195 : memref<!tpu.dma_semaphore, #tpu.memory_space<semaphore_mem>>) src(%arg8 : memref<128x32xf32, #tpu.memory_space<vmem>>) dst(%dma_wait3A_203 : memref<128x32xf32, #tpu.memory_space<vmem_shared>>)
      tpu.yield
    }) : () -> ()
    %eq3A_21 = arith.constant 0 : i32
    %eq3A_22 = arith.cmpi eq, %arg0, %eq3A_21 : i32
    %convert_element_type3A_23 = arith.extui %eq3A_22 : i1 to i32
    %cond3A_24 = arith.constant 0 : i32
    %cond3A_25 = arith.cmpi ne, %convert_element_type3A_23, %cond3A_24 : i32
    scf.if %cond3A_25 {
      "tpu.region"() ({
        %run_scoped3A_195 = tpu.sem_alloc : memref<!tpu.dma_semaphore, #tpu.memory_space<semaphore_mem>>
        %dma_start3A_196 = arith.constant 0 : i32
        %dma_start3A_197 = tpu.memref_slice %arg10[%add3A_20, %dma_start3A_196] : memref<10240x32xf32, #tpu.memory_space<vmem_shared>> -> memref<128x32xf32, #tpu.memory_space<vmem_shared>>
        %dma_start3A_198 = arith.constant 0 : i32
        %dma_start3A_199 = tpu.memref_slice %arg10[%add3A_20, %dma_start3A_198] : memref<10240x32xf32, #tpu.memory_space<vmem_shared>> -> memref<128x32xf32, #tpu.memory_space<vmem_shared>>
        tpu.enqueue_dma source(%arg8 : memref<128x32xf32, #tpu.memory_space<vmem>>) target(%dma_start3A_199 : memref<128x32xf32, #tpu.memory_space<vmem_shared>>) target_semaphore(%run_scoped3A_195 : memref<!tpu.dma_semaphore, #tpu.memory_space<semaphore_mem>>)
        %dma_wait3A_200 = arith.constant 0 : i32
        %dma_wait3A_201 = tpu.memref_slice %arg10[%add3A_20, %dma_wait3A_200] : memref<10240x32xf32, #tpu.memory_space<vmem_shared>> -> memref<128x32xf32, #tpu.memory_space<vmem_shared>>
        %dma_wait3A_202 = arith.constant 0 : i32
        %dma_wait3A_203 = tpu.memref_slice %arg10[%add3A_20, %dma_wait3A_202] : memref<10240x32xf32, #tpu.memory_space<vmem_shared>> -> memref<128x32xf32, #tpu.memory_space<vmem_shared>>
        tpu.wait_dma2 semaphore(%run_scoped3A_195 : memref<!tpu.dma_semaphore, #tpu.memory_space<semaphore_mem>>) src(%arg8 : memref<128x32xf32, #tpu.memory_space<vmem>>) dst(%dma_wait3A_203 : memref<128x32xf32, #tpu.memory_space<vmem_shared>>)
        tpu.yield
      }) : () -> ()
    } else {
    }
    %ne3A_26 = arith.constant 0 : i32
    %ne3A_27 = arith.cmpi ne, %arg0, %ne3A_26 : i32
    %convert_element_type3A_28 = arith.extui %ne3A_27 : i1 to i32
    %cond3A_29 = arith.constant 0 : i32
    %cond3A_30 = arith.cmpi ne, %convert_element_type3A_28, %cond3A_29 : i32
    scf.if %cond3A_30 {
      "tpu.region"() ({
        %run_scoped3A_195 = tpu.sem_alloc : memref<!tpu.dma_semaphore, #tpu.memory_space<semaphore_mem>>
        %dma_start3A_196 = arith.constant 0 : i32
        %dma_start3A_197 = tpu.memref_slice %arg10[%add3A_20, %dma_start3A_196] : memref<10240x32xf32, #tpu.memory_space<vmem_shared>> -> memref<128x32xf32, #tpu.memory_space<vmem_shared>>
        %dma_start3A_198 = arith.constant 0 : i32
        %dma_start3A_199 = tpu.memref_slice %arg10[%add3A_20, %dma_start3A_198] : memref<10240x32xf32, #tpu.memory_space<vmem_shared>> -> memref<128x32xf32, #tpu.memory_space<vmem_shared>>
        tpu.enqueue_dma source(%arg9 : memref<128x32xf32, #tpu.memory_space<vmem>>) target(%dma_start3A_199 : memref<128x32xf32, #tpu.memory_space<vmem_shared>>) target_semaphore(%run_scoped3A_195 : memref<!tpu.dma_semaphore, #tpu.memory_space<semaphore_mem>>)
        %dma_wait3A_200 = arith.constant 0 : i32
        %dma_wait3A_201 = tpu.memref_slice %arg10[%add3A_20, %dma_wait3A_200] : memref<10240x32xf32, #tpu.memory_space<vmem_shared>> -> memref<128x32xf32, #tpu.memory_space<vmem_shared>>
        %dma_wait3A_202 = arith.constant 0 : i32
        %dma_wait3A_203 = tpu.memref_slice %arg10[%add3A_20, %dma_wait3A_202] : memref<10240x32xf32, #tpu.memory_space<vmem_shared>> -> memref<128x32xf32, #tpu.memory_space<vmem_shared>>
        tpu.wait_dma2 semaphore(%run_scoped3A_195 : memref<!tpu.dma_semaphore, #tpu.memory_space<semaphore_mem>>) src(%arg9 : memref<128x32xf32, #tpu.memory_space<vmem>>) dst(%dma_wait3A_203 : memref<128x32xf32, #tpu.memory_space<vmem_shared>>)
        tpu.yield
      }) : () -> ()
    } else {
    }
    %mul3A_31 = arith.constant 640 : i32
    %mul3A_32 = arith.muli %arg1, %mul3A_31 : i32
    %add3A_33 = arith.constant 256 : i32
    %add3A_34 = arith.addi %mul3A_32, %add3A_33 : i32
    "tpu.region"() ({
      %run_scoped3A_195 = tpu.sem_alloc : memref<!tpu.dma_semaphore, #tpu.memory_space<semaphore_mem>>
      %dma_start3A_196 = arith.constant 0 : i32
      %dma_start3A_197 = tpu.memref_slice %arg2[%add3A_34, %dma_start3A_196] : memref<10240x128xf32, #tpu.memory_space<hbm>> -> memref<128x32xf32, #tpu.memory_space<hbm>>
      %dma_start3A_198 = arith.constant 0 : i32
      %dma_start3A_199 = tpu.memref_slice %arg2[%add3A_34, %dma_start3A_198] : memref<10240x128xf32, #tpu.memory_space<hbm>> -> memref<128x32xf32, #tpu.memory_space<hbm>>
      tpu.enqueue_dma source(%dma_start3A_199 : memref<128x32xf32, #tpu.memory_space<hbm>>) target(%arg8 : memref<128x32xf32, #tpu.memory_space<vmem>>) target_semaphore(%run_scoped3A_195 : memref<!tpu.dma_semaphore, #tpu.memory_space<semaphore_mem>>)
      %dma_wait3A_200 = arith.constant 0 : i32
      %dma_wait3A_201 = tpu.memref_slice %arg2[%add3A_34, %dma_wait3A_200] : memref<10240x128xf32, #tpu.memory_space<hbm>> -> memref<128x32xf32, #tpu.memory_space<hbm>>
      %dma_wait3A_202 = arith.constant 0 : i32
      %dma_wait3A_203 = tpu.memref_slice %arg2[%add3A_34, %dma_wait3A_202] : memref<10240x128xf32, #tpu.memory_space<hbm>> -> memref<128x32xf32, #tpu.memory_space<hbm>>
      tpu.wait_dma2 semaphore(%run_scoped3A_195 : memref<!tpu.dma_semaphore, #tpu.memory_space<semaphore_mem>>) src(%dma_wait3A_203 : memref<128x32xf32, #tpu.memory_space<hbm>>) dst(%arg8 : memref<128x32xf32, #tpu.memory_space<vmem>>)
      tpu.yield
    }) : () -> ()
    "tpu.region"() ({
      %run_scoped3A_195 = tpu.sem_alloc : memref<!tpu.dma_semaphore, #tpu.memory_space<semaphore_mem>>
      %dma_start3A_196 = arith.constant 0 : i32
      %dma_start3A_197 = tpu.memref_slice %arg11[%add3A_34, %dma_start3A_196] : memref<10240x32xf32, #tpu.memory_space<vmem_shared>> -> memref<128x32xf32, #tpu.memory_space<vmem_shared>>
      %dma_start3A_198 = arith.constant 0 : i32
      %dma_start3A_199 = tpu.memref_slice %arg11[%add3A_34, %dma_start3A_198] : memref<10240x32xf32, #tpu.memory_space<vmem_shared>> -> memref<128x32xf32, #tpu.memory_space<vmem_shared>>
      tpu.enqueue_dma source(%arg8 : memref<128x32xf32, #tpu.memory_space<vmem>>) target(%dma_start3A_199 : memref<128x32xf32, #tpu.memory_space<vmem_shared>>) target_semaphore(%run_scoped3A_195 : memref<!tpu.dma_semaphore, #tpu.memory_space<semaphore_mem>>)
      %dma_wait3A_200 = arith.constant 0 : i32
      %dma_wait3A_201 = tpu.memref_slice %arg11[%add3A_34, %dma_wait3A_200] : memref<10240x32xf32, #tpu.memory_space<vmem_shared>> -> memref<128x32xf32, #tpu.memory_space<vmem_shared>>
      %dma_wait3A_202 = arith.constant 0 : i32
      %dma_wait3A_203 = tpu.memref_slice %arg11[%add3A_34, %dma_wait3A_202] : memref<10240x32xf32, #tpu.memory_space<vmem_shared>> -> memref<128x32xf32, #tpu.memory_space<vmem_shared>>
      tpu.wait_dma2 semaphore(%run_scoped3A_195 : memref<!tpu.dma_semaphore, #tpu.memory_space<semaphore_mem>>) src(%arg8 : memref<128x32xf32, #tpu.memory_space<vmem>>) dst(%dma_wait3A_203 : memref<128x32xf32, #tpu.memory_space<vmem_shared>>)
      tpu.yield
    }) : () -> ()
    %eq3A_35 = arith.constant 0 : i32
    %eq3A_36 = arith.cmpi eq, %arg0, %eq3A_35 : i32
    %convert_element_type3A_37 = arith.extui %eq3A_36 : i1 to i32
    %cond3A_38 = arith.constant 0 : i32
    %cond3A_39 = arith.cmpi ne, %convert_element_type3A_37, %cond3A_38 : i32
    scf.if %cond3A_39 {
      "tpu.region"() ({
        %run_scoped3A_195 = tpu.sem_alloc : memref<!tpu.dma_semaphore, #tpu.memory_space<semaphore_mem>>
        %dma_start3A_196 = arith.constant 0 : i32
        %dma_start3A_197 = tpu.memref_slice %arg10[%add3A_34, %dma_start3A_196] : memref<10240x32xf32, #tpu.memory_space<vmem_shared>> -> memref<128x32xf32, #tpu.memory_space<vmem_shared>>
        %dma_start3A_198 = arith.constant 0 : i32
        %dma_start3A_199 = tpu.memref_slice %arg10[%add3A_34, %dma_start3A_198] : memref<10240x32xf32, #tpu.memory_space<vmem_shared>> -> memref<128x32xf32, #tpu.memory_space<vmem_shared>>
        tpu.enqueue_dma source(%arg8 : memref<128x32xf32, #tpu.memory_space<vmem>>) target(%dma_start3A_199 : memref<128x32xf32, #tpu.memory_space<vmem_shared>>) target_semaphore(%run_scoped3A_195 : memref<!tpu.dma_semaphore, #tpu.memory_space<semaphore_mem>>)
        %dma_wait3A_200 = arith.constant 0 : i32
        %dma_wait3A_201 = tpu.memref_slice %arg10[%add3A_34, %dma_wait3A_200] : memref<10240x32xf32, #tpu.memory_space<vmem_shared>> -> memref<128x32xf32, #tpu.memory_space<vmem_shared>>
        %dma_wait3A_202 = arith.constant 0 : i32
        %dma_wait3A_203 = tpu.memref_slice %arg10[%add3A_34, %dma_wait3A_202] : memref<10240x32xf32, #tpu.memory_space<vmem_shared>> -> memref<128x32xf32, #tpu.memory_space<vmem_shared>>
        tpu.wait_dma2 semaphore(%run_scoped3A_195 : memref<!tpu.dma_semaphore, #tpu.memory_space<semaphore_mem>>) src(%arg8 : memref<128x32xf32, #tpu.memory_space<vmem>>) dst(%dma_wait3A_203 : memref<128x32xf32, #tpu.memory_space<vmem_shared>>)
        tpu.yield
      }) : () -> ()
    } else {
    }
    %ne3A_40 = arith.constant 0 : i32
    %ne3A_41 = arith.cmpi ne, %arg0, %ne3A_40 : i32
    %convert_element_type3A_42 = arith.extui %ne3A_41 : i1 to i32
    %cond3A_43 = arith.constant 0 : i32
    %cond3A_44 = arith.cmpi ne, %convert_element_type3A_42, %cond3A_43 : i32
    scf.if %cond3A_44 {
      "tpu.region"() ({
        %run_scoped3A_195 = tpu.sem_alloc : memref<!tpu.dma_semaphore, #tpu.memory_space<semaphore_mem>>
        %dma_start3A_196 = arith.constant 0 : i32
        %dma_start3A_197 = tpu.memref_slice %arg10[%add3A_34, %dma_start3A_196] : memref<10240x32xf32, #tpu.memory_space<vmem_shared>> -> memref<128x32xf32, #tpu.memory_space<vmem_shared>>
        %dma_start3A_198 = arith.constant 0 : i32
        %dma_start3A_199 = tpu.memref_slice %arg10[%add3A_34, %dma_start3A_198] : memref<10240x32xf32, #tpu.memory_space<vmem_shared>> -> memref<128x32xf32, #tpu.memory_space<vmem_shared>>
        tpu.enqueue_dma source(%arg9 : memref<128x32xf32, #tpu.memory_space<vmem>>) target(%dma_start3A_199 : memref<128x32xf32, #tpu.memory_space<vmem_shared>>) target_semaphore(%run_scoped3A_195 : memref<!tpu.dma_semaphore, #tpu.memory_space<semaphore_mem>>)
        %dma_wait3A_200 = arith.constant 0 : i32
        %dma_wait3A_201 = tpu.memref_slice %arg10[%add3A_34, %dma_wait3A_200] : memref<10240x32xf32, #tpu.memory_space<vmem_shared>> -> memref<128x32xf32, #tpu.memory_space<vmem_shared>>
        %dma_wait3A_202 = arith.constant 0 : i32
        %dma_wait3A_203 = tpu.memref_slice %arg10[%add3A_34, %dma_wait3A_202] : memref<10240x32xf32, #tpu.memory_space<vmem_shared>> -> memref<128x32xf32, #tpu.memory_space<vmem_shared>>
        tpu.wait_dma2 semaphore(%run_scoped3A_195 : memref<!tpu.dma_semaphore, #tpu.memory_space<semaphore_mem>>) src(%arg9 : memref<128x32xf32, #tpu.memory_space<vmem>>) dst(%dma_wait3A_203 : memref<128x32xf32, #tpu.memory_space<vmem_shared>>)
        tpu.yield
      }) : () -> ()
    } else {
    }
    %mul3A_45 = arith.constant 640 : i32
    %mul3A_46 = arith.muli %arg1, %mul3A_45 : i32
    %add3A_47 = arith.constant 384 : i32
    %add3A_48 = arith.addi %mul3A_46, %add3A_47 : i32
    "tpu.region"() ({
      %run_scoped3A_195 = tpu.sem_alloc : memref<!tpu.dma_semaphore, #tpu.memory_space<semaphore_mem>>
      %dma_start3A_196 = arith.constant 0 : i32
      %dma_start3A_197 = tpu.memref_slice %arg2[%add3A_48, %dma_start3A_196] : memref<10240x128xf32, #tpu.memory_space<hbm>> -> memref<128x32xf32, #tpu.memory_space<hbm>>
      %dma_start3A_198 = arith.constant 0 : i32
      %dma_start3A_199 = tpu.memref_slice %arg2[%add3A_48, %dma_start3A_198] : memref<10240x128xf32, #tpu.memory_space<hbm>> -> memref<128x32xf32, #tpu.memory_space<hbm>>
      tpu.enqueue_dma source(%dma_start3A_199 : memref<128x32xf32, #tpu.memory_space<hbm>>) target(%arg8 : memref<128x32xf32, #tpu.memory_space<vmem>>) target_semaphore(%run_scoped3A_195 : memref<!tpu.dma_semaphore, #tpu.memory_space<semaphore_mem>>)
      %dma_wait3A_200 = arith.constant 0 : i32
      %dma_wait3A_201 = tpu.memref_slice %arg2[%add3A_48, %dma_wait3A_200] : memref<10240x128xf32, #tpu.memory_space<hbm>> -> memref<128x32xf32, #tpu.memory_space<hbm>>
      %dma_wait3A_202 = arith.constant 0 : i32
      %dma_wait3A_203 = tpu.memref_slice %arg2[%add3A_48, %dma_wait3A_202] : memref<10240x128xf32, #tpu.memory_space<hbm>> -> memref<128x32xf32, #tpu.memory_space<hbm>>
      tpu.wait_dma2 semaphore(%run_scoped3A_195 : memref<!tpu.dma_semaphore, #tpu.memory_space<semaphore_mem>>) src(%dma_wait3A_203 : memref<128x32xf32, #tpu.memory_space<hbm>>) dst(%arg8 : memref<128x32xf32, #tpu.memory_space<vmem>>)
      tpu.yield
    }) : () -> ()
    "tpu.region"() ({
      %run_scoped3A_195 = tpu.sem_alloc : memref<!tpu.dma_semaphore, #tpu.memory_space<semaphore_mem>>
      %dma_start3A_196 = arith.constant 0 : i32
      %dma_start3A_197 = tpu.memref_slice %arg11[%add3A_48, %dma_start3A_196] : memref<10240x32xf32, #tpu.memory_space<vmem_shared>> -> memref<128x32xf32, #tpu.memory_space<vmem_shared>>
      %dma_start3A_198 = arith.constant 0 : i32
      %dma_start3A_199 = tpu.memref_slice %arg11[%add3A_48, %dma_start3A_198] : memref<10240x32xf32, #tpu.memory_space<vmem_shared>> -> memref<128x32xf32, #tpu.memory_space<vmem_shared>>
      tpu.enqueue_dma source(%arg8 : memref<128x32xf32, #tpu.memory_space<vmem>>) target(%dma_start3A_199 : memref<128x32xf32, #tpu.memory_space<vmem_shared>>) target_semaphore(%run_scoped3A_195 : memref<!tpu.dma_semaphore, #tpu.memory_space<semaphore_mem>>)
      %dma_wait3A_200 = arith.constant 0 : i32
      %dma_wait3A_201 = tpu.memref_slice %arg11[%add3A_48, %dma_wait3A_200] : memref<10240x32xf32, #tpu.memory_space<vmem_shared>> -> memref<128x32xf32, #tpu.memory_space<vmem_shared>>
      %dma_wait3A_202 = arith.constant 0 : i32
      %dma_wait3A_203 = tpu.memref_slice %arg11[%add3A_48, %dma_wait3A_202] : memref<10240x32xf32, #tpu.memory_space<vmem_shared>> -> memref<128x32xf32, #tpu.memory_space<vmem_shared>>
      tpu.wait_dma2 semaphore(%run_scoped3A_195 : memref<!tpu.dma_semaphore, #tpu.memory_space<semaphore_mem>>) src(%arg8 : memref<128x32xf32, #tpu.memory_space<vmem>>) dst(%dma_wait3A_203 : memref<128x32xf32, #tpu.memory_space<vmem_shared>>)
      tpu.yield
    }) : () -> ()
    %eq3A_49 = arith.constant 0 : i32
    %eq3A_50 = arith.cmpi eq, %arg0, %eq3A_49 : i32
    %convert_element_type3A_51 = arith.extui %eq3A_50 : i1 to i32
    %cond3A_52 = arith.constant 0 : i32
    %cond3A_53 = arith.cmpi ne, %convert_element_type3A_51, %cond3A_52 : i32
    scf.if %cond3A_53 {
      "tpu.region"() ({
        %run_scoped3A_195 = tpu.sem_alloc : memref<!tpu.dma_semaphore, #tpu.memory_space<semaphore_mem>>
        %dma_start3A_196 = arith.constant 0 : i32
        %dma_start3A_197 = tpu.memref_slice %arg10[%add3A_48, %dma_start3A_196] : memref<10240x32xf32, #tpu.memory_space<vmem_shared>> -> memref<128x32xf32, #tpu.memory_space<vmem_shared>>
        %dma_start3A_198 = arith.constant 0 : i32
        %dma_start3A_199 = tpu.memref_slice %arg10[%add3A_48, %dma_start3A_198] : memref<10240x32xf32, #tpu.memory_space<vmem_shared>> -> memref<128x32xf32, #tpu.memory_space<vmem_shared>>
        tpu.enqueue_dma source(%arg8 : memref<128x32xf32, #tpu.memory_space<vmem>>) target(%dma_start3A_199 : memref<128x32xf32, #tpu.memory_space<vmem_shared>>) target_semaphore(%run_scoped3A_195 : memref<!tpu.dma_semaphore, #tpu.memory_space<semaphore_mem>>)
        %dma_wait3A_200 = arith.constant 0 : i32
        %dma_wait3A_201 = tpu.memref_slice %arg10[%add3A_48, %dma_wait3A_200] : memref<10240x32xf32, #tpu.memory_space<vmem_shared>> -> memref<128x32xf32, #tpu.memory_space<vmem_shared>>
        %dma_wait3A_202 = arith.constant 0 : i32
        %dma_wait3A_203 = tpu.memref_slice %arg10[%add3A_48, %dma_wait3A_202] : memref<10240x32xf32, #tpu.memory_space<vmem_shared>> -> memref<128x32xf32, #tpu.memory_space<vmem_shared>>
        tpu.wait_dma2 semaphore(%run_scoped3A_195 : memref<!tpu.dma_semaphore, #tpu.memory_space<semaphore_mem>>) src(%arg8 : memref<128x32xf32, #tpu.memory_space<vmem>>) dst(%dma_wait3A_203 : memref<128x32xf32, #tpu.memory_space<vmem_shared>>)
        tpu.yield
      }) : () -> ()
    } else {
    }
    %ne3A_54 = arith.constant 0 : i32
    %ne3A_55 = arith.cmpi ne, %arg0, %ne3A_54 : i32
    %convert_element_type3A_56 = arith.extui %ne3A_55 : i1 to i32
    %cond3A_57 = arith.constant 0 : i32
    %cond3A_58 = arith.cmpi ne, %convert_element_type3A_56, %cond3A_57 : i32
    scf.if %cond3A_58 {
      "tpu.region"() ({
        %run_scoped3A_195 = tpu.sem_alloc : memref<!tpu.dma_semaphore, #tpu.memory_space<semaphore_mem>>
        %dma_start3A_196 = arith.constant 0 : i32
        %dma_start3A_197 = tpu.memref_slice %arg10[%add3A_48, %dma_start3A_196] : memref<10240x32xf32, #tpu.memory_space<vmem_shared>> -> memref<128x32xf32, #tpu.memory_space<vmem_shared>>
        %dma_start3A_198 = arith.constant 0 : i32
        %dma_start3A_199 = tpu.memref_slice %arg10[%add3A_48, %dma_start3A_198] : memref<10240x32xf32, #tpu.memory_space<vmem_shared>> -> memref<128x32xf32, #tpu.memory_space<vmem_shared>>
        tpu.enqueue_dma source(%arg9 : memref<128x32xf32, #tpu.memory_space<vmem>>) target(%dma_start3A_199 : memref<128x32xf32, #tpu.memory_space<vmem_shared>>) target_semaphore(%run_scoped3A_195 : memref<!tpu.dma_semaphore, #tpu.memory_space<semaphore_mem>>)
        %dma_wait3A_200 = arith.constant 0 : i32
        %dma_wait3A_201 = tpu.memref_slice %arg10[%add3A_48, %dma_wait3A_200] : memref<10240x32xf32, #tpu.memory_space<vmem_shared>> -> memref<128x32xf32, #tpu.memory_space<vmem_shared>>
        %dma_wait3A_202 = arith.constant 0 : i32
        %dma_wait3A_203 = tpu.memref_slice %arg10[%add3A_48, %dma_wait3A_202] : memref<10240x32xf32, #tpu.memory_space<vmem_shared>> -> memref<128x32xf32, #tpu.memory_space<vmem_shared>>
        tpu.wait_dma2 semaphore(%run_scoped3A_195 : memref<!tpu.dma_semaphore, #tpu.memory_space<semaphore_mem>>) src(%arg9 : memref<128x32xf32, #tpu.memory_space<vmem>>) dst(%dma_wait3A_203 : memref<128x32xf32, #tpu.memory_space<vmem_shared>>)
        tpu.yield
      }) : () -> ()
    } else {
    }
    %mul3A_59 = arith.constant 640 : i32
    %mul3A_60 = arith.muli %arg1, %mul3A_59 : i32
    %add3A_61 = arith.constant 512 : i32
    %add3A_62 = arith.addi %mul3A_60, %add3A_61 : i32
    "tpu.region"() ({
      %run_scoped3A_195 = tpu.sem_alloc : memref<!tpu.dma_semaphore, #tpu.memory_space<semaphore_mem>>
      %dma_start3A_196 = arith.constant 0 : i32
      %dma_start3A_197 = tpu.memref_slice %arg2[%add3A_62, %dma_start3A_196] : memref<10240x128xf32, #tpu.memory_space<hbm>> -> memref<128x32xf32, #tpu.memory_space<hbm>>
      %dma_start3A_198 = arith.constant 0 : i32
      %dma_start3A_199 = tpu.memref_slice %arg2[%add3A_62, %dma_start3A_198] : memref<10240x128xf32, #tpu.memory_space<hbm>> -> memref<128x32xf32, #tpu.memory_space<hbm>>
      tpu.enqueue_dma source(%dma_start3A_199 : memref<128x32xf32, #tpu.memory_space<hbm>>) target(%arg8 : memref<128x32xf32, #tpu.memory_space<vmem>>) target_semaphore(%run_scoped3A_195 : memref<!tpu.dma_semaphore, #tpu.memory_space<semaphore_mem>>)
      %dma_wait3A_200 = arith.constant 0 : i32
      %dma_wait3A_201 = tpu.memref_slice %arg2[%add3A_62, %dma_wait3A_200] : memref<10240x128xf32, #tpu.memory_space<hbm>> -> memref<128x32xf32, #tpu.memory_space<hbm>>
      %dma_wait3A_202 = arith.constant 0 : i32
      %dma_wait3A_203 = tpu.memref_slice %arg2[%add3A_62, %dma_wait3A_202] : memref<10240x128xf32, #tpu.memory_space<hbm>> -> memref<128x32xf32, #tpu.memory_space<hbm>>
      tpu.wait_dma2 semaphore(%run_scoped3A_195 : memref<!tpu.dma_semaphore, #tpu.memory_space<semaphore_mem>>) src(%dma_wait3A_203 : memref<128x32xf32, #tpu.memory_space<hbm>>) dst(%arg8 : memref<128x32xf32, #tpu.memory_space<vmem>>)
      tpu.yield
    }) : () -> ()
    "tpu.region"() ({
      %run_scoped3A_195 = tpu.sem_alloc : memref<!tpu.dma_semaphore, #tpu.memory_space<semaphore_mem>>
      %dma_start3A_196 = arith.constant 0 : i32
      %dma_start3A_197 = tpu.memref_slice %arg11[%add3A_62, %dma_start3A_196] : memref<10240x32xf32, #tpu.memory_space<vmem_shared>> -> memref<128x32xf32, #tpu.memory_space<vmem_shared>>
      %dma_start3A_198 = arith.constant 0 : i32
      %dma_start3A_199 = tpu.memref_slice %arg11[%add3A_62, %dma_start3A_198] : memref<10240x32xf32, #tpu.memory_space<vmem_shared>> -> memref<128x32xf32, #tpu.memory_space<vmem_shared>>
      tpu.enqueue_dma source(%arg8 : memref<128x32xf32, #tpu.memory_space<vmem>>) target(%dma_start3A_199 : memref<128x32xf32, #tpu.memory_space<vmem_shared>>) target_semaphore(%run_scoped3A_195 : memref<!tpu.dma_semaphore, #tpu.memory_space<semaphore_mem>>)
      %dma_wait3A_200 = arith.constant 0 : i32
      %dma_wait3A_201 = tpu.memref_slice %arg11[%add3A_62, %dma_wait3A_200] : memref<10240x32xf32, #tpu.memory_space<vmem_shared>> -> memref<128x32xf32, #tpu.memory_space<vmem_shared>>
      %dma_wait3A_202 = arith.constant 0 : i32
      %dma_wait3A_203 = tpu.memref_slice %arg11[%add3A_62, %dma_wait3A_202] : memref<10240x32xf32, #tpu.memory_space<vmem_shared>> -> memref<128x32xf32, #tpu.memory_space<vmem_shared>>
      tpu.wait_dma2 semaphore(%run_scoped3A_195 : memref<!tpu.dma_semaphore, #tpu.memory_space<semaphore_mem>>) src(%arg8 : memref<128x32xf32, #tpu.memory_space<vmem>>) dst(%dma_wait3A_203 : memref<128x32xf32, #tpu.memory_space<vmem_shared>>)
      tpu.yield
    }) : () -> ()
    %eq3A_63 = arith.constant 0 : i32
    %eq3A_64 = arith.cmpi eq, %arg0, %eq3A_63 : i32
    %convert_element_type3A_65 = arith.extui %eq3A_64 : i1 to i32
    %cond3A_66 = arith.constant 0 : i32
    %cond3A_67 = arith.cmpi ne, %convert_element_type3A_65, %cond3A_66 : i32
    scf.if %cond3A_67 {
      "tpu.region"() ({
        %run_scoped3A_195 = tpu.sem_alloc : memref<!tpu.dma_semaphore, #tpu.memory_space<semaphore_mem>>
        %dma_start3A_196 = arith.constant 0 : i32
        %dma_start3A_197 = tpu.memref_slice %arg10[%add3A_62, %dma_start3A_196] : memref<10240x32xf32, #tpu.memory_space<vmem_shared>> -> memref<128x32xf32, #tpu.memory_space<vmem_shared>>
        %dma_start3A_198 = arith.constant 0 : i32
        %dma_start3A_199 = tpu.memref_slice %arg10[%add3A_62, %dma_start3A_198] : memref<10240x32xf32, #tpu.memory_space<vmem_shared>> -> memref<128x32xf32, #tpu.memory_space<vmem_shared>>
        tpu.enqueue_dma source(%arg8 : memref<128x32xf32, #tpu.memory_space<vmem>>) target(%dma_start3A_199 : memref<128x32xf32, #tpu.memory_space<vmem_shared>>) target_semaphore(%run_scoped3A_195 : memref<!tpu.dma_semaphore, #tpu.memory_space<semaphore_mem>>)
        %dma_wait3A_200 = arith.constant 0 : i32
        %dma_wait3A_201 = tpu.memref_slice %arg10[%add3A_62, %dma_wait3A_200] : memref<10240x32xf32, #tpu.memory_space<vmem_shared>> -> memref<128x32xf32, #tpu.memory_space<vmem_shared>>
        %dma_wait3A_202 = arith.constant 0 : i32
        %dma_wait3A_203 = tpu.memref_slice %arg10[%add3A_62, %dma_wait3A_202] : memref<10240x32xf32, #tpu.memory_space<vmem_shared>> -> memref<128x32xf32, #tpu.memory_space<vmem_shared>>
        tpu.wait_dma2 semaphore(%run_scoped3A_195 : memref<!tpu.dma_semaphore, #tpu.memory_space<semaphore_mem>>) src(%arg8 : memref<128x32xf32, #tpu.memory_space<vmem>>) dst(%dma_wait3A_203 : memref<128x32xf32, #tpu.memory_space<vmem_shared>>)
        tpu.yield
      }) : () -> ()
    } else {
    }
    %ne3A_68 = arith.constant 0 : i32
    %ne3A_69 = arith.cmpi ne, %arg0, %ne3A_68 : i32
    %convert_element_type3A_70 = arith.extui %ne3A_69 : i1 to i32
    %cond3A_71 = arith.constant 0 : i32
    %cond3A_72 = arith.cmpi ne, %convert_element_type3A_70, %cond3A_71 : i32
    scf.if %cond3A_72 {
      "tpu.region"() ({
        %run_scoped3A_195 = tpu.sem_alloc : memref<!tpu.dma_semaphore, #tpu.memory_space<semaphore_mem>>
        %dma_start3A_196 = arith.constant 0 : i32
        %dma_start3A_197 = tpu.memref_slice %arg10[%add3A_62, %dma_start3A_196] : memref<10240x32xf32, #tpu.memory_space<vmem_shared>> -> memref<128x32xf32, #tpu.memory_space<vmem_shared>>
        %dma_start3A_198 = arith.constant 0 : i32
        %dma_start3A_199 = tpu.memref_slice %arg10[%add3A_62, %dma_start3A_198] : memref<10240x32xf32, #tpu.memory_space<vmem_shared>> -> memref<128x32xf32, #tpu.memory_space<vmem_shared>>
        tpu.enqueue_dma source(%arg9 : memref<128x32xf32, #tpu.memory_space<vmem>>) target(%dma_start3A_199 : memref<128x32xf32, #tpu.memory_space<vmem_shared>>) target_semaphore(%run_scoped3A_195 : memref<!tpu.dma_semaphore, #tpu.memory_space<semaphore_mem>>)
        %dma_wait3A_200 = arith.constant 0 : i32
        %dma_wait3A_201 = tpu.memref_slice %arg10[%add3A_62, %dma_wait3A_200] : memref<10240x32xf32, #tpu.memory_space<vmem_shared>> -> memref<128x32xf32, #tpu.memory_space<vmem_shared>>
        %dma_wait3A_202 = arith.constant 0 : i32
        %dma_wait3A_203 = tpu.memref_slice %arg10[%add3A_62, %dma_wait3A_202] : memref<10240x32xf32, #tpu.memory_space<vmem_shared>> -> memref<128x32xf32, #tpu.memory_space<vmem_shared>>
        tpu.wait_dma2 semaphore(%run_scoped3A_195 : memref<!tpu.dma_semaphore, #tpu.memory_space<semaphore_mem>>) src(%arg9 : memref<128x32xf32, #tpu.memory_space<vmem>>) dst(%dma_wait3A_203 : memref<128x32xf32, #tpu.memory_space<vmem_shared>>)
        tpu.yield
      }) : () -> ()
    } else {
    }
    %run_scoped3A = arith.constant 0 : i32
    "tpu.region"() ({
      %run_scoped3A_195 = tpu.sem_alloc : memref<!tpu.dma_semaphore, #tpu.memory_space<semaphore_mem>>
      %dma_start3A_196 = arith.constant 0 : i32
      %dma_start3A_197 = arith.constant 0 : i32
      %dma_start3A_198 = tpu.memref_slice %arg3[%run_scoped3A, %add3A, %dma_start3A_196, %dma_start3A_197] : memref<2x32x80x128xi32, #tpu.memory_space<hbm>> -> memref<1x1x80x128xi32, #tpu.memory_space<hbm>>
      %dma_start3A_199 = tpu.memref_squeeze %dma_start3A_198 : memref<1x1x80x128xi32, #tpu.memory_space<hbm>> -> memref<80x128xi32, #tpu.memory_space<hbm>>
      %dma_start3A_200 = arith.constant 0 : i32
      %dma_start3A_201 = arith.constant 0 : i32
      %dma_start3A_202 = tpu.memref_slice %arg3[%run_scoped3A, %add3A, %dma_start3A_200, %dma_start3A_201] : memref<2x32x80x128xi32, #tpu.memory_space<hbm>> -> memref<1x1x80x128xi32, #tpu.memory_space<hbm>>
      %dma_start3A_203 = tpu.memref_squeeze %dma_start3A_202 : memref<1x1x80x128xi32, #tpu.memory_space<hbm>> -> memref<80x128xi32, #tpu.memory_space<hbm>>
      tpu.enqueue_dma source(%dma_start3A_203 : memref<80x128xi32, #tpu.memory_space<hbm>>) target(%arg5 : memref<80x128xi32, #tpu.memory_space<vmem>>) target_semaphore(%run_scoped3A_195 : memref<!tpu.dma_semaphore, #tpu.memory_space<semaphore_mem>>)
      %dma_wait3A_204 = arith.constant 0 : i32
      %dma_wait3A_205 = arith.constant 0 : i32
      %dma_wait3A_206 = tpu.memref_slice %arg3[%run_scoped3A, %add3A, %dma_wait3A_204, %dma_wait3A_205] : memref<2x32x80x128xi32, #tpu.memory_space<hbm>> -> memref<1x1x80x128xi32, #tpu.memory_space<hbm>>
      %dma_wait3A_207 = tpu.memref_squeeze %dma_wait3A_206 : memref<1x1x80x128xi32, #tpu.memory_space<hbm>> -> memref<80x128xi32, #tpu.memory_space<hbm>>
      %dma_wait3A_208 = arith.constant 0 : i32
      %dma_wait3A_209 = arith.constant 0 : i32
      %dma_wait3A_210 = tpu.memref_slice %arg3[%run_scoped3A, %add3A, %dma_wait3A_208, %dma_wait3A_209] : memref<2x32x80x128xi32, #tpu.memory_space<hbm>> -> memref<1x1x80x128xi32, #tpu.memory_space<hbm>>
      %dma_wait3A_211 = tpu.memref_squeeze %dma_wait3A_210 : memref<1x1x80x128xi32, #tpu.memory_space<hbm>> -> memref<80x128xi32, #tpu.memory_space<hbm>>
      tpu.wait_dma2 semaphore(%run_scoped3A_195 : memref<!tpu.dma_semaphore, #tpu.memory_space<semaphore_mem>>) src(%dma_wait3A_211 : memref<80x128xi32, #tpu.memory_space<hbm>>) dst(%arg5 : memref<80x128xi32, #tpu.memory_space<vmem>>)
      tpu.yield
    }) : () -> ()
    %run_scoped3A_73 = arith.constant 1 : i32
    "tpu.region"() ({
      %run_scoped3A_195 = tpu.sem_alloc : memref<!tpu.dma_semaphore, #tpu.memory_space<semaphore_mem>>
      %dma_start3A_196 = arith.constant 0 : i32
      %dma_start3A_197 = arith.constant 0 : i32
      %dma_start3A_198 = tpu.memref_slice %arg3[%run_scoped3A_73, %add3A, %dma_start3A_196, %dma_start3A_197] : memref<2x32x80x128xi32, #tpu.memory_space<hbm>> -> memref<1x1x80x128xi32, #tpu.memory_space<hbm>>
      %dma_start3A_199 = tpu.memref_squeeze %dma_start3A_198 : memref<1x1x80x128xi32, #tpu.memory_space<hbm>> -> memref<80x128xi32, #tpu.memory_space<hbm>>
      %dma_start3A_200 = arith.constant 0 : i32
      %dma_start3A_201 = arith.constant 0 : i32
      %dma_start3A_202 = tpu.memref_slice %arg3[%run_scoped3A_73, %add3A, %dma_start3A_200, %dma_start3A_201] : memref<2x32x80x128xi32, #tpu.memory_space<hbm>> -> memref<1x1x80x128xi32, #tpu.memory_space<hbm>>
      %dma_start3A_203 = tpu.memref_squeeze %dma_start3A_202 : memref<1x1x80x128xi32, #tpu.memory_space<hbm>> -> memref<80x128xi32, #tpu.memory_space<hbm>>
      tpu.enqueue_dma source(%dma_start3A_203 : memref<80x128xi32, #tpu.memory_space<hbm>>) target(%arg6 : memref<80x128xi32, #tpu.memory_space<vmem>>) target_semaphore(%run_scoped3A_195 : memref<!tpu.dma_semaphore, #tpu.memory_space<semaphore_mem>>)
      %dma_wait3A_204 = arith.constant 0 : i32
      %dma_wait3A_205 = arith.constant 0 : i32
      %dma_wait3A_206 = tpu.memref_slice %arg3[%run_scoped3A_73, %add3A, %dma_wait3A_204, %dma_wait3A_205] : memref<2x32x80x128xi32, #tpu.memory_space<hbm>> -> memref<1x1x80x128xi32, #tpu.memory_space<hbm>>
      %dma_wait3A_207 = tpu.memref_squeeze %dma_wait3A_206 : memref<1x1x80x128xi32, #tpu.memory_space<hbm>> -> memref<80x128xi32, #tpu.memory_space<hbm>>
      %dma_wait3A_208 = arith.constant 0 : i32
      %dma_wait3A_209 = arith.constant 0 : i32
      %dma_wait3A_210 = tpu.memref_slice %arg3[%run_scoped3A_73, %add3A, %dma_wait3A_208, %dma_wait3A_209] : memref<2x32x80x128xi32, #tpu.memory_space<hbm>> -> memref<1x1x80x128xi32, #tpu.memory_space<hbm>>
      %dma_wait3A_211 = tpu.memref_squeeze %dma_wait3A_210 : memref<1x1x80x128xi32, #tpu.memory_space<hbm>> -> memref<80x128xi32, #tpu.memory_space<hbm>>
      tpu.wait_dma2 semaphore(%run_scoped3A_195 : memref<!tpu.dma_semaphore, #tpu.memory_space<semaphore_mem>>) src(%dma_wait3A_211 : memref<80x128xi32, #tpu.memory_space<hbm>>) dst(%arg6 : memref<80x128xi32, #tpu.memory_space<vmem>>)
      tpu.yield
    }) : () -> ()
    %barrier3A = arith.constant 0 : index
    tpu.barrier barrier_id(%barrier3A)
    %dma_start3A = arith.constant 0 : i32
    %dma_start3A_74 = arith.constant 0 : i32
    %dma_start3A_75 = arith.constant 0 : i32
    %dma_start3A_76 = arith.constant 0 : i32
    %dma_start3A_77 = tpu.memref_slice %arg7[%dma_start3A_74, %dma_start3A_75, %dma_start3A_76] : memref<4x128x32xf32, #tpu.memory_space<vmem>> -> memref<1x128x32xf32, #tpu.memory_space<vmem>>
    %dma_start3A_78 = tpu.memref_squeeze %dma_start3A_77 : memref<1x128x32xf32, #tpu.memory_space<vmem>> -> memref<128x32xf32, #tpu.memory_space<vmem>>
    %dma_start3A_79 = arith.constant 0 : i32
    %dma_start3A_80 = tpu.memref_slice %arg5[%dma_start3A, %dma_start3A_79] : memref<80x128xi32, #tpu.memory_space<vmem>> -> memref<1x128xi32, #tpu.memory_space<vmem>>
    %dma_start3A_81 = tpu.memref_squeeze %dma_start3A_80 : memref<1x128xi32, #tpu.memory_space<vmem>> -> memref<128xi32, #tpu.memory_space<vmem>>
    %dma_start3A_82 = arith.constant 0 : i32
    %dma_start3A_83 = arith.constant 0 : i32
    %dma_start3A_84 = tpu.memref_slice %arg11[%dma_start3A_82, %dma_start3A_83] : memref<10240x32xf32, #tpu.memory_space<vmem_shared>> -> memref<10240x32xf32, #tpu.memory_space<vmem_shared>>
    tpu.enqueue_indirect_dma source(%dma_start3A_84 : memref<10240x32xf32, #tpu.memory_space<vmem_shared>>) target(%dma_start3A_78 : memref<128x32xf32, #tpu.memory_space<vmem>>) offsets(%dma_start3A_81 : memref<128xi32, #tpu.memory_space<vmem>>) semaphore(%arg12 : memref<!tpu.dma_semaphore, #tpu.memory_space<semaphore_mem>>)
    %dma_start3A_85 = arith.constant 1 : i32
    %dma_start3A_86 = arith.constant 1 : i32
    %dma_start3A_87 = arith.constant 0 : i32
    %dma_start3A_88 = arith.constant 0 : i32
    %dma_start3A_89 = tpu.memref_slice %arg7[%dma_start3A_86, %dma_start3A_87, %dma_start3A_88] : memref<4x128x32xf32, #tpu.memory_space<vmem>> -> memref<1x128x32xf32, #tpu.memory_space<vmem>>
    %dma_start3A_90 = tpu.memref_squeeze %dma_start3A_89 : memref<1x128x32xf32, #tpu.memory_space<vmem>> -> memref<128x32xf32, #tpu.memory_space<vmem>>
    %dma_start3A_91 = arith.constant 0 : i32
    %dma_start3A_92 = tpu.memref_slice %arg5[%dma_start3A_85, %dma_start3A_91] : memref<80x128xi32, #tpu.memory_space<vmem>> -> memref<1x128xi32, #tpu.memory_space<vmem>>
    %dma_start3A_93 = tpu.memref_squeeze %dma_start3A_92 : memref<1x128xi32, #tpu.memory_space<vmem>> -> memref<128xi32, #tpu.memory_space<vmem>>
    %dma_start3A_94 = arith.constant 0 : i32
    %dma_start3A_95 = arith.constant 0 : i32
    %dma_start3A_96 = tpu.memref_slice %arg11[%dma_start3A_94, %dma_start3A_95] : memref<10240x32xf32, #tpu.memory_space<vmem_shared>> -> memref<10240x32xf32, #tpu.memory_space<vmem_shared>>
    tpu.enqueue_indirect_dma source(%dma_start3A_96 : memref<10240x32xf32, #tpu.memory_space<vmem_shared>>) target(%dma_start3A_90 : memref<128x32xf32, #tpu.memory_space<vmem>>) offsets(%dma_start3A_93 : memref<128xi32, #tpu.memory_space<vmem>>) semaphore(%arg13 : memref<!tpu.dma_semaphore, #tpu.memory_space<semaphore_mem>>)
    %dma_start3A_97 = arith.constant 2 : i32
    %dma_start3A_98 = arith.constant 2 : i32
    %dma_start3A_99 = arith.constant 0 : i32
    %dma_start3A_100 = arith.constant 0 : i32
    %dma_start3A_101 = tpu.memref_slice %arg7[%dma_start3A_98, %dma_start3A_99, %dma_start3A_100] : memref<4x128x32xf32, #tpu.memory_space<vmem>> -> memref<1x128x32xf32, #tpu.memory_space<vmem>>
    %dma_start3A_102 = tpu.memref_squeeze %dma_start3A_101 : memref<1x128x32xf32, #tpu.memory_space<vmem>> -> memref<128x32xf32, #tpu.memory_space<vmem>>
    %dma_start3A_103 = arith.constant 0 : i32
    %dma_start3A_104 = tpu.memref_slice %arg5[%dma_start3A_97, %dma_start3A_103] : memref<80x128xi32, #tpu.memory_space<vmem>> -> memref<1x128xi32, #tpu.memory_space<vmem>>
    %dma_start3A_105 = tpu.memref_squeeze %dma_start3A_104 : memref<1x128xi32, #tpu.memory_space<vmem>> -> memref<128xi32, #tpu.memory_space<vmem>>
    %dma_start3A_106 = arith.constant 0 : i32
    %dma_start3A_107 = arith.constant 0 : i32
    %dma_start3A_108 = tpu.memref_slice %arg11[%dma_start3A_106, %dma_start3A_107] : memref<10240x32xf32, #tpu.memory_space<vmem_shared>> -> memref<10240x32xf32, #tpu.memory_space<vmem_shared>>
    tpu.enqueue_indirect_dma source(%dma_start3A_108 : memref<10240x32xf32, #tpu.memory_space<vmem_shared>>) target(%dma_start3A_102 : memref<128x32xf32, #tpu.memory_space<vmem>>) offsets(%dma_start3A_105 : memref<128xi32, #tpu.memory_space<vmem>>) semaphore(%arg14 : memref<!tpu.dma_semaphore, #tpu.memory_space<semaphore_mem>>)
    %dma_start3A_109 = arith.constant 3 : i32
    %dma_start3A_110 = arith.constant 3 : i32
    %dma_start3A_111 = arith.constant 0 : i32
    %dma_start3A_112 = arith.constant 0 : i32
    %dma_start3A_113 = tpu.memref_slice %arg7[%dma_start3A_110, %dma_start3A_111, %dma_start3A_112] : memref<4x128x32xf32, #tpu.memory_space<vmem>> -> memref<1x128x32xf32, #tpu.memory_space<vmem>>
    %dma_start3A_114 = tpu.memref_squeeze %dma_start3A_113 : memref<1x128x32xf32, #tpu.memory_space<vmem>> -> memref<128x32xf32, #tpu.memory_space<vmem>>
    %dma_start3A_115 = arith.constant 0 : i32
    %dma_start3A_116 = tpu.memref_slice %arg5[%dma_start3A_109, %dma_start3A_115] : memref<80x128xi32, #tpu.memory_space<vmem>> -> memref<1x128xi32, #tpu.memory_space<vmem>>
    %dma_start3A_117 = tpu.memref_squeeze %dma_start3A_116 : memref<1x128xi32, #tpu.memory_space<vmem>> -> memref<128xi32, #tpu.memory_space<vmem>>
    %dma_start3A_118 = arith.constant 0 : i32
    %dma_start3A_119 = arith.constant 0 : i32
    %dma_start3A_120 = tpu.memref_slice %arg11[%dma_start3A_118, %dma_start3A_119] : memref<10240x32xf32, #tpu.memory_space<vmem_shared>> -> memref<10240x32xf32, #tpu.memory_space<vmem_shared>>
    tpu.enqueue_indirect_dma source(%dma_start3A_120 : memref<10240x32xf32, #tpu.memory_space<vmem_shared>>) target(%dma_start3A_114 : memref<128x32xf32, #tpu.memory_space<vmem>>) offsets(%dma_start3A_117 : memref<128xi32, #tpu.memory_space<vmem>>) semaphore(%arg15 : memref<!tpu.dma_semaphore, #tpu.memory_space<semaphore_mem>>)
    %scan3A_121 = arith.constant 0 : i32
    %scan3A_122 = arith.constant 0 : i32
    %scan3A_123 = arith.constant 20 : i32
    %scan3A_124 = arith.addi %scan3A_122, %scan3A_123 : i32
    %scan3A_125 = arith.constant 1 : i32
    scf.for %scan3A_195 = %scan3A_122 to %scan3A_124 step %scan3A_125  : i32 {
      %mul3A_196 = arith.constant 4 : i32
      %mul3A_197 = arith.muli %mul3A_196, %scan3A_195 : i32
      %add3A_198 = arith.constant 0 : i32
      %add3A_199 = arith.addi %mul3A_197, %add3A_198 : i32
      %dma_wait3A_200 = arith.constant 0 : i32
      %dma_wait3A_201 = arith.constant 0 : i32
      %dma_wait3A_202 = arith.constant 0 : i32
      %dma_wait3A_203 = tpu.memref_slice %arg7[%dma_wait3A_200, %dma_wait3A_201, %dma_wait3A_202] : memref<4x128x32xf32, #tpu.memory_space<vmem>> -> memref<1x128x32xf32, #tpu.memory_space<vmem>>
      %dma_wait3A_204 = tpu.memref_squeeze %dma_wait3A_203 : memref<1x128x32xf32, #tpu.memory_space<vmem>> -> memref<128x32xf32, #tpu.memory_space<vmem>>
      %dma_wait3A_205 = arith.constant 0 : i32
      %dma_wait3A_206 = tpu.memref_slice %arg5[%add3A_199, %dma_wait3A_205] : memref<80x128xi32, #tpu.memory_space<vmem>> -> memref<1x128xi32, #tpu.memory_space<vmem>>
      %dma_wait3A_207 = tpu.memref_squeeze %dma_wait3A_206 : memref<1x128xi32, #tpu.memory_space<vmem>> -> memref<128xi32, #tpu.memory_space<vmem>>
      %dma_wait3A_208 = arith.constant 0 : i32
      %dma_wait3A_209 = arith.constant 0 : i32
      %dma_wait3A_210 = tpu.memref_slice %arg11[%dma_wait3A_208, %dma_wait3A_209] : memref<10240x32xf32, #tpu.memory_space<vmem_shared>> -> memref<10240x32xf32, #tpu.memory_space<vmem_shared>>
      tpu.wait_indirect_dma semaphore(%arg12 : memref<!tpu.dma_semaphore, #tpu.memory_space<semaphore_mem>>) src(%dma_wait3A_210 : memref<10240x32xf32, #tpu.memory_space<vmem_shared>>) dst(%dma_wait3A_204 : memref<128x32xf32, #tpu.memory_space<vmem>>)
      %dma_start3A_211 = arith.constant 0 : i32
      %dma_start3A_212 = arith.constant 0 : i32
      %dma_start3A_213 = arith.constant 0 : i32
      %dma_start3A_214 = tpu.memref_slice %arg7[%dma_start3A_211, %dma_start3A_212, %dma_start3A_213] : memref<4x128x32xf32, #tpu.memory_space<vmem>> -> memref<1x128x32xf32, #tpu.memory_space<vmem>>
      %dma_start3A_215 = tpu.memref_squeeze %dma_start3A_214 : memref<1x128x32xf32, #tpu.memory_space<vmem>> -> memref<128x32xf32, #tpu.memory_space<vmem>>
      %dma_start3A_216 = arith.constant 0 : i32
      %dma_start3A_217 = tpu.memref_slice %arg6[%add3A_199, %dma_start3A_216] : memref<80x128xi32, #tpu.memory_space<vmem>> -> memref<1x128xi32, #tpu.memory_space<vmem>>
      %dma_start3A_218 = tpu.memref_squeeze %dma_start3A_217 : memref<1x128xi32, #tpu.memory_space<vmem>> -> memref<128xi32, #tpu.memory_space<vmem>>
      %dma_start3A_219 = arith.constant 0 : i32
      %dma_start3A_220 = arith.constant 0 : i32
      %dma_start3A_221 = tpu.memref_slice %arg10[%dma_start3A_219, %dma_start3A_220] : memref<10240x32xf32, #tpu.memory_space<vmem_shared>> -> memref<10240x32xf32, #tpu.memory_space<vmem_shared>>
      tpu.enqueue_indirect_dma source(%dma_start3A_215 : memref<128x32xf32, #tpu.memory_space<vmem>>) target(%dma_start3A_221 : memref<10240x32xf32, #tpu.memory_space<vmem_shared>>) offsets(%dma_start3A_218 : memref<128xi32, #tpu.memory_space<vmem>>) semaphore(%arg16 : memref<!tpu.dma_semaphore, #tpu.memory_space<semaphore_mem>>) {add = true}
      %add3A_222 = arith.constant 4 : i32
      %add3A_223 = arith.addi %add3A_199, %add3A_222 : i32
      %lt3A = arith.constant 80 : i32
      %lt3A_224 = arith.cmpi slt, %add3A_223, %lt3A : i32
      %convert_element_type3A_225 = arith.extui %lt3A_224 : i1 to i32
      %cond3A_226 = arith.constant 0 : i32
      %cond3A_227 = arith.cmpi ne, %convert_element_type3A_225, %cond3A_226 : i32
      scf.if %cond3A_227 {
        %dma_wait3A_327 = arith.constant 0 : i32
        %dma_wait3A_328 = arith.constant 0 : i32
        %dma_wait3A_329 = arith.constant 0 : i32
        %dma_wait3A_330 = tpu.memref_slice %arg7[%dma_wait3A_327, %dma_wait3A_328, %dma_wait3A_329] : memref<4x128x32xf32, #tpu.memory_space<vmem>> -> memref<1x128x32xf32, #tpu.memory_space<vmem>>
        %dma_wait3A_331 = tpu.memref_squeeze %dma_wait3A_330 : memref<1x128x32xf32, #tpu.memory_space<vmem>> -> memref<128x32xf32, #tpu.memory_space<vmem>>
        %dma_wait3A_332 = arith.constant 0 : i32
        %dma_wait3A_333 = tpu.memref_slice %arg6[%add3A_199, %dma_wait3A_332] : memref<80x128xi32, #tpu.memory_space<vmem>> -> memref<1x128xi32, #tpu.memory_space<vmem>>
        %dma_wait3A_334 = tpu.memref_squeeze %dma_wait3A_333 : memref<1x128xi32, #tpu.memory_space<vmem>> -> memref<128xi32, #tpu.memory_space<vmem>>
        %dma_wait3A_335 = arith.constant 0 : i32
        %dma_wait3A_336 = arith.constant 0 : i32
        %dma_wait3A_337 = tpu.memref_slice %arg10[%dma_wait3A_335, %dma_wait3A_336] : memref<10240x32xf32, #tpu.memory_space<vmem_shared>> -> memref<10240x32xf32, #tpu.memory_space<vmem_shared>>
        tpu.wait_indirect_dma semaphore(%arg16 : memref<!tpu.dma_semaphore, #tpu.memory_space<semaphore_mem>>) src(%dma_wait3A_331 : memref<128x32xf32, #tpu.memory_space<vmem>>) dst(%dma_wait3A_337 : memref<10240x32xf32, #tpu.memory_space<vmem_shared>>)
        %add3A_338 = arith.constant 4 : i32
        %add3A_339 = arith.addi %add3A_199, %add3A_338 : i32
        %dma_start3A_340 = arith.constant 0 : i32
        %dma_start3A_341 = arith.constant 0 : i32
        %dma_start3A_342 = arith.constant 0 : i32
        %dma_start3A_343 = tpu.memref_slice %arg7[%dma_start3A_340, %dma_start3A_341, %dma_start3A_342] : memref<4x128x32xf32, #tpu.memory_space<vmem>> -> memref<1x128x32xf32, #tpu.memory_space<vmem>>
        %dma_start3A_344 = tpu.memref_squeeze %dma_start3A_343 : memref<1x128x32xf32, #tpu.memory_space<vmem>> -> memref<128x32xf32, #tpu.memory_space<vmem>>
        %dma_start3A_345 = arith.constant 0 : i32
        %dma_start3A_346 = tpu.memref_slice %arg5[%add3A_339, %dma_start3A_345] : memref<80x128xi32, #tpu.memory_space<vmem>> -> memref<1x128xi32, #tpu.memory_space<vmem>>
        %dma_start3A_347 = tpu.memref_squeeze %dma_start3A_346 : memref<1x128xi32, #tpu.memory_space<vmem>> -> memref<128xi32, #tpu.memory_space<vmem>>
        %dma_start3A_348 = arith.constant 0 : i32
        %dma_start3A_349 = arith.constant 0 : i32
        %dma_start3A_350 = tpu.memref_slice %arg11[%dma_start3A_348, %dma_start3A_349] : memref<10240x32xf32, #tpu.memory_space<vmem_shared>> -> memref<10240x32xf32, #tpu.memory_space<vmem_shared>>
        tpu.enqueue_indirect_dma source(%dma_start3A_350 : memref<10240x32xf32, #tpu.memory_space<vmem_shared>>) target(%dma_start3A_344 : memref<128x32xf32, #tpu.memory_space<vmem>>) offsets(%dma_start3A_347 : memref<128xi32, #tpu.memory_space<vmem>>) semaphore(%arg12 : memref<!tpu.dma_semaphore, #tpu.memory_space<semaphore_mem>>)
      } else {
      }
      %mul3A_228 = arith.constant 4 : i32
      %mul3A_229 = arith.muli %mul3A_228, %scan3A_195 : i32
      %add3A_230 = arith.constant 1 : i32
      %add3A_231 = arith.addi %mul3A_229, %add3A_230 : i32
      %dma_wait3A_232 = arith.constant 1 : i32
      %dma_wait3A_233 = arith.constant 0 : i32
      %dma_wait3A_234 = arith.constant 0 : i32
      %dma_wait3A_235 = tpu.memref_slice %arg7[%dma_wait3A_232, %dma_wait3A_233, %dma_wait3A_234] : memref<4x128x32xf32, #tpu.memory_space<vmem>> -> memref<1x128x32xf32, #tpu.memory_space<vmem>>
      %dma_wait3A_236 = tpu.memref_squeeze %dma_wait3A_235 : memref<1x128x32xf32, #tpu.memory_space<vmem>> -> memref<128x32xf32, #tpu.memory_space<vmem>>
      %dma_wait3A_237 = arith.constant 0 : i32
      %dma_wait3A_238 = tpu.memref_slice %arg5[%add3A_231, %dma_wait3A_237] : memref<80x128xi32, #tpu.memory_space<vmem>> -> memref<1x128xi32, #tpu.memory_space<vmem>>
      %dma_wait3A_239 = tpu.memref_squeeze %dma_wait3A_238 : memref<1x128xi32, #tpu.memory_space<vmem>> -> memref<128xi32, #tpu.memory_space<vmem>>
      %dma_wait3A_240 = arith.constant 0 : i32
      %dma_wait3A_241 = arith.constant 0 : i32
      %dma_wait3A_242 = tpu.memref_slice %arg11[%dma_wait3A_240, %dma_wait3A_241] : memref<10240x32xf32, #tpu.memory_space<vmem_shared>> -> memref<10240x32xf32, #tpu.memory_space<vmem_shared>>
      tpu.wait_indirect_dma semaphore(%arg13 : memref<!tpu.dma_semaphore, #tpu.memory_space<semaphore_mem>>) src(%dma_wait3A_242 : memref<10240x32xf32, #tpu.memory_space<vmem_shared>>) dst(%dma_wait3A_236 : memref<128x32xf32, #tpu.memory_space<vmem>>)
      %dma_start3A_243 = arith.constant 1 : i32
      %dma_start3A_244 = arith.constant 0 : i32
      %dma_start3A_245 = arith.constant 0 : i32
      %dma_start3A_246 = tpu.memref_slice %arg7[%dma_start3A_243, %dma_start3A_244, %dma_start3A_245] : memref<4x128x32xf32, #tpu.memory_space<vmem>> -> memref<1x128x32xf32, #tpu.memory_space<vmem>>
      %dma_start3A_247 = tpu.memref_squeeze %dma_start3A_246 : memref<1x128x32xf32, #tpu.memory_space<vmem>> -> memref<128x32xf32, #tpu.memory_space<vmem>>
      %dma_start3A_248 = arith.constant 0 : i32
      %dma_start3A_249 = tpu.memref_slice %arg6[%add3A_231, %dma_start3A_248] : memref<80x128xi32, #tpu.memory_space<vmem>> -> memref<1x128xi32, #tpu.memory_space<vmem>>
      %dma_start3A_250 = tpu.memref_squeeze %dma_start3A_249 : memref<1x128xi32, #tpu.memory_space<vmem>> -> memref<128xi32, #tpu.memory_space<vmem>>
      %dma_start3A_251 = arith.constant 0 : i32
      %dma_start3A_252 = arith.constant 0 : i32
      %dma_start3A_253 = tpu.memref_slice %arg10[%dma_start3A_251, %dma_start3A_252] : memref<10240x32xf32, #tpu.memory_space<vmem_shared>> -> memref<10240x32xf32, #tpu.memory_space<vmem_shared>>
      tpu.enqueue_indirect_dma source(%dma_start3A_247 : memref<128x32xf32, #tpu.memory_space<vmem>>) target(%dma_start3A_253 : memref<10240x32xf32, #tpu.memory_space<vmem_shared>>) offsets(%dma_start3A_250 : memref<128xi32, #tpu.memory_space<vmem>>) semaphore(%arg17 : memref<!tpu.dma_semaphore, #tpu.memory_space<semaphore_mem>>) {add = true}
      %add3A_254 = arith.constant 4 : i32
      %add3A_255 = arith.addi %add3A_231, %add3A_254 : i32
      %lt3A_256 = arith.constant 80 : i32
      %lt3A_257 = arith.cmpi slt, %add3A_255, %lt3A_256 : i32
      %convert_element_type3A_258 = arith.extui %lt3A_257 : i1 to i32
      %cond3A_259 = arith.constant 0 : i32
      %cond3A_260 = arith.cmpi ne, %convert_element_type3A_258, %cond3A_259 : i32
      scf.if %cond3A_260 {
        %dma_wait3A_327 = arith.constant 1 : i32
        %dma_wait3A_328 = arith.constant 0 : i32
        %dma_wait3A_329 = arith.constant 0 : i32
        %dma_wait3A_330 = tpu.memref_slice %arg7[%dma_wait3A_327, %dma_wait3A_328, %dma_wait3A_329] : memref<4x128x32xf32, #tpu.memory_space<vmem>> -> memref<1x128x32xf32, #tpu.memory_space<vmem>>
        %dma_wait3A_331 = tpu.memref_squeeze %dma_wait3A_330 : memref<1x128x32xf32, #tpu.memory_space<vmem>> -> memref<128x32xf32, #tpu.memory_space<vmem>>
        %dma_wait3A_332 = arith.constant 0 : i32
        %dma_wait3A_333 = tpu.memref_slice %arg6[%add3A_231, %dma_wait3A_332] : memref<80x128xi32, #tpu.memory_space<vmem>> -> memref<1x128xi32, #tpu.memory_space<vmem>>
        %dma_wait3A_334 = tpu.memref_squeeze %dma_wait3A_333 : memref<1x128xi32, #tpu.memory_space<vmem>> -> memref<128xi32, #tpu.memory_space<vmem>>
        %dma_wait3A_335 = arith.constant 0 : i32
        %dma_wait3A_336 = arith.constant 0 : i32
        %dma_wait3A_337 = tpu.memref_slice %arg10[%dma_wait3A_335, %dma_wait3A_336] : memref<10240x32xf32, #tpu.memory_space<vmem_shared>> -> memref<10240x32xf32, #tpu.memory_space<vmem_shared>>
        tpu.wait_indirect_dma semaphore(%arg17 : memref<!tpu.dma_semaphore, #tpu.memory_space<semaphore_mem>>) src(%dma_wait3A_331 : memref<128x32xf32, #tpu.memory_space<vmem>>) dst(%dma_wait3A_337 : memref<10240x32xf32, #tpu.memory_space<vmem_shared>>)
        %add3A_338 = arith.constant 4 : i32
        %add3A_339 = arith.addi %add3A_231, %add3A_338 : i32
        %dma_start3A_340 = arith.constant 1 : i32
        %dma_start3A_341 = arith.constant 0 : i32
        %dma_start3A_342 = arith.constant 0 : i32
        %dma_start3A_343 = tpu.memref_slice %arg7[%dma_start3A_340, %dma_start3A_341, %dma_start3A_342] : memref<4x128x32xf32, #tpu.memory_space<vmem>> -> memref<1x128x32xf32, #tpu.memory_space<vmem>>
        %dma_start3A_344 = tpu.memref_squeeze %dma_start3A_343 : memref<1x128x32xf32, #tpu.memory_space<vmem>> -> memref<128x32xf32, #tpu.memory_space<vmem>>
        %dma_start3A_345 = arith.constant 0 : i32
        %dma_start3A_346 = tpu.memref_slice %arg5[%add3A_339, %dma_start3A_345] : memref<80x128xi32, #tpu.memory_space<vmem>> -> memref<1x128xi32, #tpu.memory_space<vmem>>
        %dma_start3A_347 = tpu.memref_squeeze %dma_start3A_346 : memref<1x128xi32, #tpu.memory_space<vmem>> -> memref<128xi32, #tpu.memory_space<vmem>>
        %dma_start3A_348 = arith.constant 0 : i32
        %dma_start3A_349 = arith.constant 0 : i32
        %dma_start3A_350 = tpu.memref_slice %arg11[%dma_start3A_348, %dma_start3A_349] : memref<10240x32xf32, #tpu.memory_space<vmem_shared>> -> memref<10240x32xf32, #tpu.memory_space<vmem_shared>>
        tpu.enqueue_indirect_dma source(%dma_start3A_350 : memref<10240x32xf32, #tpu.memory_space<vmem_shared>>) target(%dma_start3A_344 : memref<128x32xf32, #tpu.memory_space<vmem>>) offsets(%dma_start3A_347 : memref<128xi32, #tpu.memory_space<vmem>>) semaphore(%arg13 : memref<!tpu.dma_semaphore, #tpu.memory_space<semaphore_mem>>)
      } else {
      }
      %mul3A_261 = arith.constant 4 : i32
      %mul3A_262 = arith.muli %mul3A_261, %scan3A_195 : i32
      %add3A_263 = arith.constant 2 : i32
      %add3A_264 = arith.addi %mul3A_262, %add3A_263 : i32
      %dma_wait3A_265 = arith.constant 2 : i32
      %dma_wait3A_266 = arith.constant 0 : i32
      %dma_wait3A_267 = arith.constant 0 : i32
      %dma_wait3A_268 = tpu.memref_slice %arg7[%dma_wait3A_265, %dma_wait3A_266, %dma_wait3A_267] : memref<4x128x32xf32, #tpu.memory_space<vmem>> -> memref<1x128x32xf32, #tpu.memory_space<vmem>>
      %dma_wait3A_269 = tpu.memref_squeeze %dma_wait3A_268 : memref<1x128x32xf32, #tpu.memory_space<vmem>> -> memref<128x32xf32, #tpu.memory_space<vmem>>
      %dma_wait3A_270 = arith.constant 0 : i32
      %dma_wait3A_271 = tpu.memref_slice %arg5[%add3A_264, %dma_wait3A_270] : memref<80x128xi32, #tpu.memory_space<vmem>> -> memref<1x128xi32, #tpu.memory_space<vmem>>
      %dma_wait3A_272 = tpu.memref_squeeze %dma_wait3A_271 : memref<1x128xi32, #tpu.memory_space<vmem>> -> memref<128xi32, #tpu.memory_space<vmem>>
      %dma_wait3A_273 = arith.constant 0 : i32
      %dma_wait3A_274 = arith.constant 0 : i32
      %dma_wait3A_275 = tpu.memref_slice %arg11[%dma_wait3A_273, %dma_wait3A_274] : memref<10240x32xf32, #tpu.memory_space<vmem_shared>> -> memref<10240x32xf32, #tpu.memory_space<vmem_shared>>
      tpu.wait_indirect_dma semaphore(%arg14 : memref<!tpu.dma_semaphore, #tpu.memory_space<semaphore_mem>>) src(%dma_wait3A_275 : memref<10240x32xf32, #tpu.memory_space<vmem_shared>>) dst(%dma_wait3A_269 : memref<128x32xf32, #tpu.memory_space<vmem>>)
      %dma_start3A_276 = arith.constant 2 : i32
      %dma_start3A_277 = arith.constant 0 : i32
      %dma_start3A_278 = arith.constant 0 : i32
      %dma_start3A_279 = tpu.memref_slice %arg7[%dma_start3A_276, %dma_start3A_277, %dma_start3A_278] : memref<4x128x32xf32, #tpu.memory_space<vmem>> -> memref<1x128x32xf32, #tpu.memory_space<vmem>>
      %dma_start3A_280 = tpu.memref_squeeze %dma_start3A_279 : memref<1x128x32xf32, #tpu.memory_space<vmem>> -> memref<128x32xf32, #tpu.memory_space<vmem>>
      %dma_start3A_281 = arith.constant 0 : i32
      %dma_start3A_282 = tpu.memref_slice %arg6[%add3A_264, %dma_start3A_281] : memref<80x128xi32, #tpu.memory_space<vmem>> -> memref<1x128xi32, #tpu.memory_space<vmem>>
      %dma_start3A_283 = tpu.memref_squeeze %dma_start3A_282 : memref<1x128xi32, #tpu.memory_space<vmem>> -> memref<128xi32, #tpu.memory_space<vmem>>
      %dma_start3A_284 = arith.constant 0 : i32
      %dma_start3A_285 = arith.constant 0 : i32
      %dma_start3A_286 = tpu.memref_slice %arg10[%dma_start3A_284, %dma_start3A_285] : memref<10240x32xf32, #tpu.memory_space<vmem_shared>> -> memref<10240x32xf32, #tpu.memory_space<vmem_shared>>
      tpu.enqueue_indirect_dma source(%dma_start3A_280 : memref<128x32xf32, #tpu.memory_space<vmem>>) target(%dma_start3A_286 : memref<10240x32xf32, #tpu.memory_space<vmem_shared>>) offsets(%dma_start3A_283 : memref<128xi32, #tpu.memory_space<vmem>>) semaphore(%arg18 : memref<!tpu.dma_semaphore, #tpu.memory_space<semaphore_mem>>) {add = true}
      %add3A_287 = arith.constant 4 : i32
      %add3A_288 = arith.addi %add3A_264, %add3A_287 : i32
      %lt3A_289 = arith.constant 80 : i32
      %lt3A_290 = arith.cmpi slt, %add3A_288, %lt3A_289 : i32
      %convert_element_type3A_291 = arith.extui %lt3A_290 : i1 to i32
      %cond3A_292 = arith.constant 0 : i32
      %cond3A_293 = arith.cmpi ne, %convert_element_type3A_291, %cond3A_292 : i32
      scf.if %cond3A_293 {
        %dma_wait3A_327 = arith.constant 2 : i32
        %dma_wait3A_328 = arith.constant 0 : i32
        %dma_wait3A_329 = arith.constant 0 : i32
        %dma_wait3A_330 = tpu.memref_slice %arg7[%dma_wait3A_327, %dma_wait3A_328, %dma_wait3A_329] : memref<4x128x32xf32, #tpu.memory_space<vmem>> -> memref<1x128x32xf32, #tpu.memory_space<vmem>>
        %dma_wait3A_331 = tpu.memref_squeeze %dma_wait3A_330 : memref<1x128x32xf32, #tpu.memory_space<vmem>> -> memref<128x32xf32, #tpu.memory_space<vmem>>
        %dma_wait3A_332 = arith.constant 0 : i32
        %dma_wait3A_333 = tpu.memref_slice %arg6[%add3A_264, %dma_wait3A_332] : memref<80x128xi32, #tpu.memory_space<vmem>> -> memref<1x128xi32, #tpu.memory_space<vmem>>
        %dma_wait3A_334 = tpu.memref_squeeze %dma_wait3A_333 : memref<1x128xi32, #tpu.memory_space<vmem>> -> memref<128xi32, #tpu.memory_space<vmem>>
        %dma_wait3A_335 = arith.constant 0 : i32
        %dma_wait3A_336 = arith.constant 0 : i32
        %dma_wait3A_337 = tpu.memref_slice %arg10[%dma_wait3A_335, %dma_wait3A_336] : memref<10240x32xf32, #tpu.memory_space<vmem_shared>> -> memref<10240x32xf32, #tpu.memory_space<vmem_shared>>
        tpu.wait_indirect_dma semaphore(%arg18 : memref<!tpu.dma_semaphore, #tpu.memory_space<semaphore_mem>>) src(%dma_wait3A_331 : memref<128x32xf32, #tpu.memory_space<vmem>>) dst(%dma_wait3A_337 : memref<10240x32xf32, #tpu.memory_space<vmem_shared>>)
        %add3A_338 = arith.constant 4 : i32
        %add3A_339 = arith.addi %add3A_264, %add3A_338 : i32
        %dma_start3A_340 = arith.constant 2 : i32
        %dma_start3A_341 = arith.constant 0 : i32
        %dma_start3A_342 = arith.constant 0 : i32
        %dma_start3A_343 = tpu.memref_slice %arg7[%dma_start3A_340, %dma_start3A_341, %dma_start3A_342] : memref<4x128x32xf32, #tpu.memory_space<vmem>> -> memref<1x128x32xf32, #tpu.memory_space<vmem>>
        %dma_start3A_344 = tpu.memref_squeeze %dma_start3A_343 : memref<1x128x32xf32, #tpu.memory_space<vmem>> -> memref<128x32xf32, #tpu.memory_space<vmem>>
        %dma_start3A_345 = arith.constant 0 : i32
        %dma_start3A_346 = tpu.memref_slice %arg5[%add3A_339, %dma_start3A_345] : memref<80x128xi32, #tpu.memory_space<vmem>> -> memref<1x128xi32, #tpu.memory_space<vmem>>
        %dma_start3A_347 = tpu.memref_squeeze %dma_start3A_346 : memref<1x128xi32, #tpu.memory_space<vmem>> -> memref<128xi32, #tpu.memory_space<vmem>>
        %dma_start3A_348 = arith.constant 0 : i32
        %dma_start3A_349 = arith.constant 0 : i32
        %dma_start3A_350 = tpu.memref_slice %arg11[%dma_start3A_348, %dma_start3A_349] : memref<10240x32xf32, #tpu.memory_space<vmem_shared>> -> memref<10240x32xf32, #tpu.memory_space<vmem_shared>>
        tpu.enqueue_indirect_dma source(%dma_start3A_350 : memref<10240x32xf32, #tpu.memory_space<vmem_shared>>) target(%dma_start3A_344 : memref<128x32xf32, #tpu.memory_space<vmem>>) offsets(%dma_start3A_347 : memref<128xi32, #tpu.memory_space<vmem>>) semaphore(%arg14 : memref<!tpu.dma_semaphore, #tpu.memory_space<semaphore_mem>>)
      } else {
      }
      %mul3A_294 = arith.constant 4 : i32
      %mul3A_295 = arith.muli %mul3A_294, %scan3A_195 : i32
      %add3A_296 = arith.constant 3 : i32
      %add3A_297 = arith.addi %mul3A_295, %add3A_296 : i32
      %dma_wait3A_298 = arith.constant 3 : i32
      %dma_wait3A_299 = arith.constant 0 : i32
      %dma_wait3A_300 = arith.constant 0 : i32
      %dma_wait3A_301 = tpu.memref_slice %arg7[%dma_wait3A_298, %dma_wait3A_299, %dma_wait3A_300] : memref<4x128x32xf32, #tpu.memory_space<vmem>> -> memref<1x128x32xf32, #tpu.memory_space<vmem>>
      %dma_wait3A_302 = tpu.memref_squeeze %dma_wait3A_301 : memref<1x128x32xf32, #tpu.memory_space<vmem>> -> memref<128x32xf32, #tpu.memory_space<vmem>>
      %dma_wait3A_303 = arith.constant 0 : i32
      %dma_wait3A_304 = tpu.memref_slice %arg5[%add3A_297, %dma_wait3A_303] : memref<80x128xi32, #tpu.memory_space<vmem>> -> memref<1x128xi32, #tpu.memory_space<vmem>>
      %dma_wait3A_305 = tpu.memref_squeeze %dma_wait3A_304 : memref<1x128xi32, #tpu.memory_space<vmem>> -> memref<128xi32, #tpu.memory_space<vmem>>
      %dma_wait3A_306 = arith.constant 0 : i32
      %dma_wait3A_307 = arith.constant 0 : i32
      %dma_wait3A_308 = tpu.memref_slice %arg11[%dma_wait3A_306, %dma_wait3A_307] : memref<10240x32xf32, #tpu.memory_space<vmem_shared>> -> memref<10240x32xf32, #tpu.memory_space<vmem_shared>>
      tpu.wait_indirect_dma semaphore(%arg15 : memref<!tpu.dma_semaphore, #tpu.memory_space<semaphore_mem>>) src(%dma_wait3A_308 : memref<10240x32xf32, #tpu.memory_space<vmem_shared>>) dst(%dma_wait3A_302 : memref<128x32xf32, #tpu.memory_space<vmem>>)
      %dma_start3A_309 = arith.constant 3 : i32
      %dma_start3A_310 = arith.constant 0 : i32
      %dma_start3A_311 = arith.constant 0 : i32
      %dma_start3A_312 = tpu.memref_slice %arg7[%dma_start3A_309, %dma_start3A_310, %dma_start3A_311] : memref<4x128x32xf32, #tpu.memory_space<vmem>> -> memref<1x128x32xf32, #tpu.memory_space<vmem>>
      %dma_start3A_313 = tpu.memref_squeeze %dma_start3A_312 : memref<1x128x32xf32, #tpu.memory_space<vmem>> -> memref<128x32xf32, #tpu.memory_space<vmem>>
      %dma_start3A_314 = arith.constant 0 : i32
      %dma_start3A_315 = tpu.memref_slice %arg6[%add3A_297, %dma_start3A_314] : memref<80x128xi32, #tpu.memory_space<vmem>> -> memref<1x128xi32, #tpu.memory_space<vmem>>
      %dma_start3A_316 = tpu.memref_squeeze %dma_start3A_315 : memref<1x128xi32, #tpu.memory_space<vmem>> -> memref<128xi32, #tpu.memory_space<vmem>>
      %dma_start3A_317 = arith.constant 0 : i32
      %dma_start3A_318 = arith.constant 0 : i32
      %dma_start3A_319 = tpu.memref_slice %arg10[%dma_start3A_317, %dma_start3A_318] : memref<10240x32xf32, #tpu.memory_space<vmem_shared>> -> memref<10240x32xf32, #tpu.memory_space<vmem_shared>>
      tpu.enqueue_indirect_dma source(%dma_start3A_313 : memref<128x32xf32, #tpu.memory_space<vmem>>) target(%dma_start3A_319 : memref<10240x32xf32, #tpu.memory_space<vmem_shared>>) offsets(%dma_start3A_316 : memref<128xi32, #tpu.memory_space<vmem>>) semaphore(%arg19 : memref<!tpu.dma_semaphore, #tpu.memory_space<semaphore_mem>>) {add = true}
      %add3A_320 = arith.constant 4 : i32
      %add3A_321 = arith.addi %add3A_297, %add3A_320 : i32
      %lt3A_322 = arith.constant 80 : i32
      %lt3A_323 = arith.cmpi slt, %add3A_321, %lt3A_322 : i32
      %convert_element_type3A_324 = arith.extui %lt3A_323 : i1 to i32
      %cond3A_325 = arith.constant 0 : i32
      %cond3A_326 = arith.cmpi ne, %convert_element_type3A_324, %cond3A_325 : i32
      scf.if %cond3A_326 {
        %dma_wait3A_327 = arith.constant 3 : i32
        %dma_wait3A_328 = arith.constant 0 : i32
        %dma_wait3A_329 = arith.constant 0 : i32
        %dma_wait3A_330 = tpu.memref_slice %arg7[%dma_wait3A_327, %dma_wait3A_328, %dma_wait3A_329] : memref<4x128x32xf32, #tpu.memory_space<vmem>> -> memref<1x128x32xf32, #tpu.memory_space<vmem>>
        %dma_wait3A_331 = tpu.memref_squeeze %dma_wait3A_330 : memref<1x128x32xf32, #tpu.memory_space<vmem>> -> memref<128x32xf32, #tpu.memory_space<vmem>>
        %dma_wait3A_332 = arith.constant 0 : i32
        %dma_wait3A_333 = tpu.memref_slice %arg6[%add3A_297, %dma_wait3A_332] : memref<80x128xi32, #tpu.memory_space<vmem>> -> memref<1x128xi32, #tpu.memory_space<vmem>>
        %dma_wait3A_334 = tpu.memref_squeeze %dma_wait3A_333 : memref<1x128xi32, #tpu.memory_space<vmem>> -> memref<128xi32, #tpu.memory_space<vmem>>
        %dma_wait3A_335 = arith.constant 0 : i32
        %dma_wait3A_336 = arith.constant 0 : i32
        %dma_wait3A_337 = tpu.memref_slice %arg10[%dma_wait3A_335, %dma_wait3A_336] : memref<10240x32xf32, #tpu.memory_space<vmem_shared>> -> memref<10240x32xf32, #tpu.memory_space<vmem_shared>>
        tpu.wait_indirect_dma semaphore(%arg19 : memref<!tpu.dma_semaphore, #tpu.memory_space<semaphore_mem>>) src(%dma_wait3A_331 : memref<128x32xf32, #tpu.memory_space<vmem>>) dst(%dma_wait3A_337 : memref<10240x32xf32, #tpu.memory_space<vmem_shared>>)
        %add3A_338 = arith.constant 4 : i32
        %add3A_339 = arith.addi %add3A_297, %add3A_338 : i32
        %dma_start3A_340 = arith.constant 3 : i32
        %dma_start3A_341 = arith.constant 0 : i32
        %dma_start3A_342 = arith.constant 0 : i32
        %dma_start3A_343 = tpu.memref_slice %arg7[%dma_start3A_340, %dma_start3A_341, %dma_start3A_342] : memref<4x128x32xf32, #tpu.memory_space<vmem>> -> memref<1x128x32xf32, #tpu.memory_space<vmem>>
        %dma_start3A_344 = tpu.memref_squeeze %dma_start3A_343 : memref<1x128x32xf32, #tpu.memory_space<vmem>> -> memref<128x32xf32, #tpu.memory_space<vmem>>
        %dma_start3A_345 = arith.constant 0 : i32
        %dma_start3A_346 = tpu.memref_slice %arg5[%add3A_339, %dma_start3A_345] : memref<80x128xi32, #tpu.memory_space<vmem>> -> memref<1x128xi32, #tpu.memory_space<vmem>>
        %dma_start3A_347 = tpu.memref_squeeze %dma_start3A_346 : memref<1x128xi32, #tpu.memory_space<vmem>> -> memref<128xi32, #tpu.memory_space<vmem>>
        %dma_start3A_348 = arith.constant 0 : i32
        %dma_start3A_349 = arith.constant 0 : i32
        %dma_start3A_350 = tpu.memref_slice %arg11[%dma_start3A_348, %dma_start3A_349] : memref<10240x32xf32, #tpu.memory_space<vmem_shared>> -> memref<10240x32xf32, #tpu.memory_space<vmem_shared>>
        tpu.enqueue_indirect_dma source(%dma_start3A_350 : memref<10240x32xf32, #tpu.memory_space<vmem_shared>>) target(%dma_start3A_344 : memref<128x32xf32, #tpu.memory_space<vmem>>) offsets(%dma_start3A_347 : memref<128xi32, #tpu.memory_space<vmem>>) semaphore(%arg15 : memref<!tpu.dma_semaphore, #tpu.memory_space<semaphore_mem>>)
      } else {
      }
    }
    %scan3A_126 = arith.constant 20 : i32
    %dma_wait3A = arith.constant 0 : i32
    %dma_wait3A_127 = arith.constant 76 : i32
    %dma_wait3A_128 = arith.constant 0 : i32
    %dma_wait3A_129 = arith.constant 0 : i32
    %dma_wait3A_130 = tpu.memref_slice %arg7[%dma_wait3A, %dma_wait3A_128, %dma_wait3A_129] : memref<4x128x32xf32, #tpu.memory_space<vmem>> -> memref<1x128x32xf32, #tpu.memory_space<vmem>>
    %dma_wait3A_131 = tpu.memref_squeeze %dma_wait3A_130 : memref<1x128x32xf32, #tpu.memory_space<vmem>> -> memref<128x32xf32, #tpu.memory_space<vmem>>
    %dma_wait3A_132 = arith.constant 0 : i32
    %dma_wait3A_133 = tpu.memref_slice %arg6[%dma_wait3A_127, %dma_wait3A_132] : memref<80x128xi32, #tpu.memory_space<vmem>> -> memref<1x128xi32, #tpu.memory_space<vmem>>
    %dma_wait3A_134 = tpu.memref_squeeze %dma_wait3A_133 : memref<1x128xi32, #tpu.memory_space<vmem>> -> memref<128xi32, #tpu.memory_space<vmem>>
    %dma_wait3A_135 = arith.constant 0 : i32
    %dma_wait3A_136 = arith.constant 0 : i32
    %dma_wait3A_137 = tpu.memref_slice %arg10[%dma_wait3A_135, %dma_wait3A_136] : memref<10240x32xf32, #tpu.memory_space<vmem_shared>> -> memref<10240x32xf32, #tpu.memory_space<vmem_shared>>
    tpu.wait_indirect_dma semaphore(%arg16 : memref<!tpu.dma_semaphore, #tpu.memory_space<semaphore_mem>>) src(%dma_wait3A_131 : memref<128x32xf32, #tpu.memory_space<vmem>>) dst(%dma_wait3A_137 : memref<10240x32xf32, #tpu.memory_space<vmem_shared>>)
    %dma_wait3A_138 = arith.constant 1 : i32
    %dma_wait3A_139 = arith.constant 77 : i32
    %dma_wait3A_140 = arith.constant 0 : i32
    %dma_wait3A_141 = arith.constant 0 : i32
    %dma_wait3A_142 = tpu.memref_slice %arg7[%dma_wait3A_138, %dma_wait3A_140, %dma_wait3A_141] : memref<4x128x32xf32, #tpu.memory_space<vmem>> -> memref<1x128x32xf32, #tpu.memory_space<vmem>>
    %dma_wait3A_143 = tpu.memref_squeeze %dma_wait3A_142 : memref<1x128x32xf32, #tpu.memory_space<vmem>> -> memref<128x32xf32, #tpu.memory_space<vmem>>
    %dma_wait3A_144 = arith.constant 0 : i32
    %dma_wait3A_145 = tpu.memref_slice %arg6[%dma_wait3A_139, %dma_wait3A_144] : memref<80x128xi32, #tpu.memory_space<vmem>> -> memref<1x128xi32, #tpu.memory_space<vmem>>
    %dma_wait3A_146 = tpu.memref_squeeze %dma_wait3A_145 : memref<1x128xi32, #tpu.memory_space<vmem>> -> memref<128xi32, #tpu.memory_space<vmem>>
    %dma_wait3A_147 = arith.constant 0 : i32
    %dma_wait3A_148 = arith.constant 0 : i32
    %dma_wait3A_149 = tpu.memref_slice %arg10[%dma_wait3A_147, %dma_wait3A_148] : memref<10240x32xf32, #tpu.memory_space<vmem_shared>> -> memref<10240x32xf32, #tpu.memory_space<vmem_shared>>
    tpu.wait_indirect_dma semaphore(%arg17 : memref<!tpu.dma_semaphore, #tpu.memory_space<semaphore_mem>>) src(%dma_wait3A_143 : memref<128x32xf32, #tpu.memory_space<vmem>>) dst(%dma_wait3A_149 : memref<10240x32xf32, #tpu.memory_space<vmem_shared>>)
    %dma_wait3A_150 = arith.constant 2 : i32
    %dma_wait3A_151 = arith.constant 78 : i32
    %dma_wait3A_152 = arith.constant 0 : i32
    %dma_wait3A_153 = arith.constant 0 : i32
    %dma_wait3A_154 = tpu.memref_slice %arg7[%dma_wait3A_150, %dma_wait3A_152, %dma_wait3A_153] : memref<4x128x32xf32, #tpu.memory_space<vmem>> -> memref<1x128x32xf32, #tpu.memory_space<vmem>>
    %dma_wait3A_155 = tpu.memref_squeeze %dma_wait3A_154 : memref<1x128x32xf32, #tpu.memory_space<vmem>> -> memref<128x32xf32, #tpu.memory_space<vmem>>
    %dma_wait3A_156 = arith.constant 0 : i32
    %dma_wait3A_157 = tpu.memref_slice %arg6[%dma_wait3A_151, %dma_wait3A_156] : memref<80x128xi32, #tpu.memory_space<vmem>> -> memref<1x128xi32, #tpu.memory_space<vmem>>
    %dma_wait3A_158 = tpu.memref_squeeze %dma_wait3A_157 : memref<1x128xi32, #tpu.memory_space<vmem>> -> memref<128xi32, #tpu.memory_space<vmem>>
    %dma_wait3A_159 = arith.constant 0 : i32
    %dma_wait3A_160 = arith.constant 0 : i32
    %dma_wait3A_161 = tpu.memref_slice %arg10[%dma_wait3A_159, %dma_wait3A_160] : memref<10240x32xf32, #tpu.memory_space<vmem_shared>> -> memref<10240x32xf32, #tpu.memory_space<vmem_shared>>
    tpu.wait_indirect_dma semaphore(%arg18 : memref<!tpu.dma_semaphore, #tpu.memory_space<semaphore_mem>>) src(%dma_wait3A_155 : memref<128x32xf32, #tpu.memory_space<vmem>>) dst(%dma_wait3A_161 : memref<10240x32xf32, #tpu.memory_space<vmem_shared>>)
    %dma_wait3A_162 = arith.constant 3 : i32
    %dma_wait3A_163 = arith.constant 79 : i32
    %dma_wait3A_164 = arith.constant 0 : i32
    %dma_wait3A_165 = arith.constant 0 : i32
    %dma_wait3A_166 = tpu.memref_slice %arg7[%dma_wait3A_162, %dma_wait3A_164, %dma_wait3A_165] : memref<4x128x32xf32, #tpu.memory_space<vmem>> -> memref<1x128x32xf32, #tpu.memory_space<vmem>>
    %dma_wait3A_167 = tpu.memref_squeeze %dma_wait3A_166 : memref<1x128x32xf32, #tpu.memory_space<vmem>> -> memref<128x32xf32, #tpu.memory_space<vmem>>
    %dma_wait3A_168 = arith.constant 0 : i32
    %dma_wait3A_169 = tpu.memref_slice %arg6[%dma_wait3A_163, %dma_wait3A_168] : memref<80x128xi32, #tpu.memory_space<vmem>> -> memref<1x128xi32, #tpu.memory_space<vmem>>
    %dma_wait3A_170 = tpu.memref_squeeze %dma_wait3A_169 : memref<1x128xi32, #tpu.memory_space<vmem>> -> memref<128xi32, #tpu.memory_space<vmem>>
    %dma_wait3A_171 = arith.constant 0 : i32
    %dma_wait3A_172 = arith.constant 0 : i32
    %dma_wait3A_173 = tpu.memref_slice %arg10[%dma_wait3A_171, %dma_wait3A_172] : memref<10240x32xf32, #tpu.memory_space<vmem_shared>> -> memref<10240x32xf32, #tpu.memory_space<vmem_shared>>
    tpu.wait_indirect_dma semaphore(%arg19 : memref<!tpu.dma_semaphore, #tpu.memory_space<semaphore_mem>>) src(%dma_wait3A_167 : memref<128x32xf32, #tpu.memory_space<vmem>>) dst(%dma_wait3A_173 : memref<10240x32xf32, #tpu.memory_space<vmem_shared>>)
    %barrier3A_174 = arith.constant 0 : index
    tpu.barrier barrier_id(%barrier3A_174)
    %mul3A_175 = arith.constant 640 : i32
    %mul3A_176 = arith.muli %arg1, %mul3A_175 : i32
    %add3A_177 = arith.constant 0 : i32
    %add3A_178 = arith.addi %mul3A_176, %add3A_177 : i32
    "tpu.region"() ({
      %run_scoped3A_195 = tpu.sem_alloc : memref<!tpu.dma_semaphore, #tpu.memory_space<semaphore_mem>>
      %dma_start3A_196 = arith.constant 0 : i32
      %dma_start3A_197 = tpu.memref_slice %arg4[%arg0, %add3A_178, %dma_start3A_196] : memref<2x10240x128xf32, #tpu.memory_space<hbm>> -> memref<1x128x32xf32, #tpu.memory_space<hbm>>
      %dma_start3A_198 = tpu.memref_squeeze %dma_start3A_197 : memref<1x128x32xf32, #tpu.memory_space<hbm>> -> memref<128x32xf32, #tpu.memory_space<hbm>>
      %dma_start3A_199 = arith.constant 0 : i32
      %dma_start3A_200 = tpu.memref_slice %arg10[%add3A_178, %dma_start3A_199] : memref<10240x32xf32, #tpu.memory_space<vmem_shared>> -> memref<128x32xf32, #tpu.memory_space<vmem_shared>>
      tpu.enqueue_dma source(%dma_start3A_200 : memref<128x32xf32, #tpu.memory_space<vmem_shared>>) target(%dma_start3A_198 : memref<128x32xf32, #tpu.memory_space<hbm>>) target_semaphore(%run_scoped3A_195 : memref<!tpu.dma_semaphore, #tpu.memory_space<semaphore_mem>>)
      %dma_wait3A_201 = arith.constant 0 : i32
      %dma_wait3A_202 = tpu.memref_slice %arg4[%arg0, %add3A_178, %dma_wait3A_201] : memref<2x10240x128xf32, #tpu.memory_space<hbm>> -> memref<1x128x32xf32, #tpu.memory_space<hbm>>
      %dma_wait3A_203 = tpu.memref_squeeze %dma_wait3A_202 : memref<1x128x32xf32, #tpu.memory_space<hbm>> -> memref<128x32xf32, #tpu.memory_space<hbm>>
      %dma_wait3A_204 = arith.constant 0 : i32
      %dma_wait3A_205 = tpu.memref_slice %arg10[%add3A_178, %dma_wait3A_204] : memref<10240x32xf32, #tpu.memory_space<vmem_shared>> -> memref<128x32xf32, #tpu.memory_space<vmem_shared>>
      tpu.wait_dma2 semaphore(%run_scoped3A_195 : memref<!tpu.dma_semaphore, #tpu.memory_space<semaphore_mem>>) src(%dma_wait3A_205 : memref<128x32xf32, #tpu.memory_space<vmem_shared>>) dst(%dma_wait3A_203 : memref<128x32xf32, #tpu.memory_space<hbm>>)
      tpu.yield
    }) : () -> ()
    %mul3A_179 = arith.constant 640 : i32
    %mul3A_180 = arith.muli %arg1, %mul3A_179 : i32
    %add3A_181 = arith.constant 128 : i32
    %add3A_182 = arith.addi %mul3A_180, %add3A_181 : i32
    "tpu.region"() ({
      %run_scoped3A_195 = tpu.sem_alloc : memref<!tpu.dma_semaphore, #tpu.memory_space<semaphore_mem>>
      %dma_start3A_196 = arith.constant 0 : i32
      %dma_start3A_197 = tpu.memref_slice %arg4[%arg0, %add3A_182, %dma_start3A_196] : memref<2x10240x128xf32, #tpu.memory_space<hbm>> -> memref<1x128x32xf32, #tpu.memory_space<hbm>>
      %dma_start3A_198 = tpu.memref_squeeze %dma_start3A_197 : memref<1x128x32xf32, #tpu.memory_space<hbm>> -> memref<128x32xf32, #tpu.memory_space<hbm>>
      %dma_start3A_199 = arith.constant 0 : i32
      %dma_start3A_200 = tpu.memref_slice %arg10[%add3A_182, %dma_start3A_199] : memref<10240x32xf32, #tpu.memory_space<vmem_shared>> -> memref<128x32xf32, #tpu.memory_space<vmem_shared>>
      tpu.enqueue_dma source(%dma_start3A_200 : memref<128x32xf32, #tpu.memory_space<vmem_shared>>) target(%dma_start3A_198 : memref<128x32xf32, #tpu.memory_space<hbm>>) target_semaphore(%run_scoped3A_195 : memref<!tpu.dma_semaphore, #tpu.memory_space<semaphore_mem>>)
      %dma_wait3A_201 = arith.constant 0 : i32
      %dma_wait3A_202 = tpu.memref_slice %arg4[%arg0, %add3A_182, %dma_wait3A_201] : memref<2x10240x128xf32, #tpu.memory_space<hbm>> -> memref<1x128x32xf32, #tpu.memory_space<hbm>>
      %dma_wait3A_203 = tpu.memref_squeeze %dma_wait3A_202 : memref<1x128x32xf32, #tpu.memory_space<hbm>> -> memref<128x32xf32, #tpu.memory_space<hbm>>
      %dma_wait3A_204 = arith.constant 0 : i32
      %dma_wait3A_205 = tpu.memref_slice %arg10[%add3A_182, %dma_wait3A_204] : memref<10240x32xf32, #tpu.memory_space<vmem_shared>> -> memref<128x32xf32, #tpu.memory_space<vmem_shared>>
      tpu.wait_dma2 semaphore(%run_scoped3A_195 : memref<!tpu.dma_semaphore, #tpu.memory_space<semaphore_mem>>) src(%dma_wait3A_205 : memref<128x32xf32, #tpu.memory_space<vmem_shared>>) dst(%dma_wait3A_203 : memref<128x32xf32, #tpu.memory_space<hbm>>)
      tpu.yield
    }) : () -> ()
    %mul3A_183 = arith.constant 640 : i32
    %mul3A_184 = arith.muli %arg1, %mul3A_183 : i32
    %add3A_185 = arith.constant 256 : i32
    %add3A_186 = arith.addi %mul3A_184, %add3A_185 : i32
    "tpu.region"() ({
      %run_scoped3A_195 = tpu.sem_alloc : memref<!tpu.dma_semaphore, #tpu.memory_space<semaphore_mem>>
      %dma_start3A_196 = arith.constant 0 : i32
      %dma_start3A_197 = tpu.memref_slice %arg4[%arg0, %add3A_186, %dma_start3A_196] : memref<2x10240x128xf32, #tpu.memory_space<hbm>> -> memref<1x128x32xf32, #tpu.memory_space<hbm>>
      %dma_start3A_198 = tpu.memref_squeeze %dma_start3A_197 : memref<1x128x32xf32, #tpu.memory_space<hbm>> -> memref<128x32xf32, #tpu.memory_space<hbm>>
      %dma_start3A_199 = arith.constant 0 : i32
      %dma_start3A_200 = tpu.memref_slice %arg10[%add3A_186, %dma_start3A_199] : memref<10240x32xf32, #tpu.memory_space<vmem_shared>> -> memref<128x32xf32, #tpu.memory_space<vmem_shared>>
      tpu.enqueue_dma source(%dma_start3A_200 : memref<128x32xf32, #tpu.memory_space<vmem_shared>>) target(%dma_start3A_198 : memref<128x32xf32, #tpu.memory_space<hbm>>) target_semaphore(%run_scoped3A_195 : memref<!tpu.dma_semaphore, #tpu.memory_space<semaphore_mem>>)
      %dma_wait3A_201 = arith.constant 0 : i32
      %dma_wait3A_202 = tpu.memref_slice %arg4[%arg0, %add3A_186, %dma_wait3A_201] : memref<2x10240x128xf32, #tpu.memory_space<hbm>> -> memref<1x128x32xf32, #tpu.memory_space<hbm>>
      %dma_wait3A_203 = tpu.memref_squeeze %dma_wait3A_202 : memref<1x128x32xf32, #tpu.memory_space<hbm>> -> memref<128x32xf32, #tpu.memory_space<hbm>>
      %dma_wait3A_204 = arith.constant 0 : i32
      %dma_wait3A_205 = tpu.memref_slice %arg10[%add3A_186, %dma_wait3A_204] : memref<10240x32xf32, #tpu.memory_space<vmem_shared>> -> memref<128x32xf32, #tpu.memory_space<vmem_shared>>
      tpu.wait_dma2 semaphore(%run_scoped3A_195 : memref<!tpu.dma_semaphore, #tpu.memory_space<semaphore_mem>>) src(%dma_wait3A_205 : memref<128x32xf32, #tpu.memory_space<vmem_shared>>) dst(%dma_wait3A_203 : memref<128x32xf32, #tpu.memory_space<hbm>>)
      tpu.yield
    }) : () -> ()
    %mul3A_187 = arith.constant 640 : i32
    %mul3A_188 = arith.muli %arg1, %mul3A_187 : i32
    %add3A_189 = arith.constant 384 : i32
    %add3A_190 = arith.addi %mul3A_188, %add3A_189 : i32
    "tpu.region"() ({
      %run_scoped3A_195 = tpu.sem_alloc : memref<!tpu.dma_semaphore, #tpu.memory_space<semaphore_mem>>
      %dma_start3A_196 = arith.constant 0 : i32
      %dma_start3A_197 = tpu.memref_slice %arg4[%arg0, %add3A_190, %dma_start3A_196] : memref<2x10240x128xf32, #tpu.memory_space<hbm>> -> memref<1x128x32xf32, #tpu.memory_space<hbm>>
      %dma_start3A_198 = tpu.memref_squeeze %dma_start3A_197 : memref<1x128x32xf32, #tpu.memory_space<hbm>> -> memref<128x32xf32, #tpu.memory_space<hbm>>
      %dma_start3A_199 = arith.constant 0 : i32
      %dma_start3A_200 = tpu.memref_slice %arg10[%add3A_190, %dma_start3A_199] : memref<10240x32xf32, #tpu.memory_space<vmem_shared>> -> memref<128x32xf32, #tpu.memory_space<vmem_shared>>
      tpu.enqueue_dma source(%dma_start3A_200 : memref<128x32xf32, #tpu.memory_space<vmem_shared>>) target(%dma_start3A_198 : memref<128x32xf32, #tpu.memory_space<hbm>>) target_semaphore(%run_scoped3A_195 : memref<!tpu.dma_semaphore, #tpu.memory_space<semaphore_mem>>)
      %dma_wait3A_201 = arith.constant 0 : i32
      %dma_wait3A_202 = tpu.memref_slice %arg4[%arg0, %add3A_190, %dma_wait3A_201] : memref<2x10240x128xf32, #tpu.memory_space<hbm>> -> memref<1x128x32xf32, #tpu.memory_space<hbm>>
      %dma_wait3A_203 = tpu.memref_squeeze %dma_wait3A_202 : memref<1x128x32xf32, #tpu.memory_space<hbm>> -> memref<128x32xf32, #tpu.memory_space<hbm>>
      %dma_wait3A_204 = arith.constant 0 : i32
      %dma_wait3A_205 = tpu.memref_slice %arg10[%add3A_190, %dma_wait3A_204] : memref<10240x32xf32, #tpu.memory_space<vmem_shared>> -> memref<128x32xf32, #tpu.memory_space<vmem_shared>>
      tpu.wait_dma2 semaphore(%run_scoped3A_195 : memref<!tpu.dma_semaphore, #tpu.memory_space<semaphore_mem>>) src(%dma_wait3A_205 : memref<128x32xf32, #tpu.memory_space<vmem_shared>>) dst(%dma_wait3A_203 : memref<128x32xf32, #tpu.memory_space<hbm>>)
      tpu.yield
    }) : () -> ()
    %mul3A_191 = arith.constant 640 : i32
    %mul3A_192 = arith.muli %arg1, %mul3A_191 : i32
    %add3A_193 = arith.constant 512 : i32
    %add3A_194 = arith.addi %mul3A_192, %add3A_193 : i32
    "tpu.region"() ({
      %run_scoped3A_195 = tpu.sem_alloc : memref<!tpu.dma_semaphore, #tpu.memory_space<semaphore_mem>>
      %dma_start3A_196 = arith.constant 0 : i32
      %dma_start3A_197 = tpu.memref_slice %arg4[%arg0, %add3A_194, %dma_start3A_196] : memref<2x10240x128xf32, #tpu.memory_space<hbm>> -> memref<1x128x32xf32, #tpu.memory_space<hbm>>
      %dma_start3A_198 = tpu.memref_squeeze %dma_start3A_197 : memref<1x128x32xf32, #tpu.memory_space<hbm>> -> memref<128x32xf32, #tpu.memory_space<hbm>>
      %dma_start3A_199 = arith.constant 0 : i32
      %dma_start3A_200 = tpu.memref_slice %arg10[%add3A_194, %dma_start3A_199] : memref<10240x32xf32, #tpu.memory_space<vmem_shared>> -> memref<128x32xf32, #tpu.memory_space<vmem_shared>>
      tpu.enqueue_dma source(%dma_start3A_200 : memref<128x32xf32, #tpu.memory_space<vmem_shared>>) target(%dma_start3A_198 : memref<128x32xf32, #tpu.memory_space<hbm>>) target_semaphore(%run_scoped3A_195 : memref<!tpu.dma_semaphore, #tpu.memory_space<semaphore_mem>>)
      %dma_wait3A_201 = arith.constant 0 : i32
      %dma_wait3A_202 = tpu.memref_slice %arg4[%arg0, %add3A_194, %dma_wait3A_201] : memref<2x10240x128xf32, #tpu.memory_space<hbm>> -> memref<1x128x32xf32, #tpu.memory_space<hbm>>
      %dma_wait3A_203 = tpu.memref_squeeze %dma_wait3A_202 : memref<1x128x32xf32, #tpu.memory_space<hbm>> -> memref<128x32xf32, #tpu.memory_space<hbm>>
      %dma_wait3A_204 = arith.constant 0 : i32
      %dma_wait3A_205 = tpu.memref_slice %arg10[%add3A_194, %dma_wait3A_204] : memref<10240x32xf32, #tpu.memory_space<vmem_shared>> -> memref<128x32xf32, #tpu.memory_space<vmem_shared>>
      tpu.wait_dma2 semaphore(%run_scoped3A_195 : memref<!tpu.dma_semaphore, #tpu.memory_space<semaphore_mem>>) src(%dma_wait3A_205 : memref<128x32xf32, #tpu.memory_space<vmem_shared>>) dst(%dma_wait3A_203 : memref<128x32xf32, #tpu.memory_space<hbm>>)
      tpu.yield
    }) : () -> ()
    return
  }
}

module attributes {stable_mosaic.version = 14 : i64} {
  func.func @body(%arg0: memref<10000x128xf32, #tpu.memory_space<vmem>>, %arg1: memref<128x32xf32, #tpu.memory_space<vmem>>, %arg2: memref<2x10240x128xf32, #tpu.memory_space<vmem>>, %arg3: memref<10240x128xf32, #tpu.memory_space<vmem>>, %arg4: memref<10000x1xf32, #tpu.memory_space<vmem>>) attributes {dimension_semantics = [], scalar_prefetch = 0 : i64, scratch_operands = 0 : i64, tpu.core_type = #tpu.core_type<tc>} {
    %get3A = arith.constant 0 : index
    %get3A_0 = arith.constant 0 : index
    %get3A_1 = arith.constant 0 : index
    %get3A_2 = vector.load %arg2[%get3A, %get3A_0, %get3A_1] : memref<2x10240x128xf32, #tpu.memory_space<vmem>>, vector<1x10000x1xf32>
    %get3A_3 = vector.shape_cast %get3A_2 : vector<1x10000x1xf32> to vector<10000x1xf32>
    %get3A_4 = arith.constant 1 : index
    %get3A_5 = arith.constant 0 : index
    %get3A_6 = arith.constant 0 : index
    %get3A_7 = vector.load %arg2[%get3A_4, %get3A_5, %get3A_6] : memref<2x10240x128xf32, #tpu.memory_space<vmem>>, vector<1x10000x1xf32>
    %get3A_8 = vector.shape_cast %get3A_7 : vector<1x10000x1xf32> to vector<10000x1xf32>
    %add3A = arith.addf %get3A_3, %get3A_8 : vector<10000x1xf32>
    %add3A_9 = arith.constant 1.000000e+00 : f32
    %add3A_10 = vector.broadcast %add3A_9 : f32 to vector<10000x1xf32>
    %add3A_11 = arith.addf %add3A, %add3A_10 : vector<10000x1xf32>
    %rsqrt3A = math.rsqrt %add3A_11 : vector<10000x1xf32>
    %get3A_12 = arith.constant 0 : index
    %get3A_13 = arith.constant 0 : index
    %get3A_14 = vector.load %arg0[%get3A_12, %get3A_13] : memref<10000x128xf32, #tpu.memory_space<vmem>>, vector<10000x128xf32>
    %get3A_15 = arith.constant 0 : index
    %get3A_16 = arith.constant 0 : index
    %get3A_17 = vector.load %arg1[%get3A_15, %get3A_16] : memref<128x32xf32, #tpu.memory_space<vmem>>, vector<128x32xf32>
    %dot_general3A = arith.constant dense<0.000000e+00> : vector<10000x32xf32>
    %dot_general3A_18 = tpu.matmul %get3A_14, %get3A_17, %dot_general3A {dimension_numbers = #tpu.dot_dimension_numbers<[1], [0], [0], [1], [0, 0, 1, 1], [], []>, transpose_lhs_hint = false} : vector<10000x128xf32>, vector<128x32xf32>, vector<10000x32xf32> -> vector<10000x32xf32>
    %mul3A = vector.broadcast %rsqrt3A : vector<10000x1xf32> to vector<10000x32xf32>
    %mul3A_19 = arith.mulf %dot_general3A_18, %mul3A : vector<10000x32xf32>
    %broadcast_in_dim3A = arith.constant 0.000000e+00 : f32
    %broadcast_in_dim3A_20 = vector.broadcast %broadcast_in_dim3A : f32 to vector<10000x96xf32>
    %concatenate3A = tpu.concatenate %mul3A_19, %broadcast_in_dim3A_20 in 1 : vector<10000x32xf32>, vector<10000x96xf32> -> vector<10000x128xf32>
    %swap3A = arith.constant 0 : index
    %swap3A_21 = arith.constant 0 : index
    %swap3A_22 = vector.load %arg3[%swap3A, %swap3A_21] : memref<10240x128xf32, #tpu.memory_space<vmem>>, vector<10000x128xf32>
    tpu.vector_store %arg3[%swap3A, %swap3A_21], %concatenate3A {strides = array<i32>} : memref<10240x128xf32, #tpu.memory_space<vmem>>, vector<10000x128xf32>,
    %broadcast_in_dim3A_23 = arith.constant 0.000000e+00 : f32
    %broadcast_in_dim3A_24 = vector.broadcast %broadcast_in_dim3A_23 : f32 to vector<240x128xf32>
    %swap3A_25 = arith.constant 10000 : index
    %swap3A_26 = arith.constant 0 : index
    %swap3A_27 = vector.load %arg3[%swap3A_25, %swap3A_26] : memref<10240x128xf32, #tpu.memory_space<vmem>>, vector<240x128xf32>
    tpu.vector_store %arg3[%swap3A_25, %swap3A_26], %broadcast_in_dim3A_24 {strides = array<i32>} : memref<10240x128xf32, #tpu.memory_space<vmem>>, vector<240x128xf32>,
    %swap3A_28 = arith.constant 0 : index
    %swap3A_29 = arith.constant 0 : index
    %swap3A_30 = vector.load %arg4[%swap3A_28, %swap3A_29] : memref<10000x1xf32, #tpu.memory_space<vmem>>, vector<10000x1xf32>
    tpu.vector_store %arg4[%swap3A_28, %swap3A_29], %rsqrt3A {strides = array<i32>} : memref<10000x1xf32, #tpu.memory_space<vmem>>, vector<10000x1xf32>,
    return
  }
}

module attributes {stable_mosaic.version = 14 : i64} {
  func.func @body(%arg0: memref<2x10240x128xf32, #tpu.memory_space<vmem>>, %arg1: memref<10000x1xf32, #tpu.memory_space<vmem>>, %arg2: memref<1x32xf32, #tpu.memory_space<vmem>>, %arg3: memref<1x32xf32, #tpu.memory_space<vmem>>, %arg4: memref<1x32xf32, #tpu.memory_space<vmem>>, %arg5: memref<32x32xf32, #tpu.memory_space<vmem>>, %arg6: memref<10240x128xf32, #tpu.memory_space<vmem>>) attributes {dimension_semantics = [], scalar_prefetch = 0 : i64, scratch_operands = 0 : i64, tpu.core_type = #tpu.core_type<tc>} {
    %get3A = arith.constant 0 : index
    %get3A_0 = arith.constant 0 : index
    %get3A_1 = vector.load %arg1[%get3A, %get3A_0] : memref<10000x1xf32, #tpu.memory_space<vmem>>, vector<10000x1xf32>
    %get3A_2 = arith.constant 0 : index
    %get3A_3 = arith.constant 0 : index
    %get3A_4 = arith.constant 0 : index
    %get3A_5 = vector.load %arg0[%get3A_2, %get3A_3, %get3A_4] : memref<2x10240x128xf32, #tpu.memory_space<vmem>>, vector<1x10000x32xf32>
    %get3A_6 = vector.shape_cast %get3A_5 : vector<1x10000x32xf32> to vector<10000x32xf32>
    %get3A_7 = arith.constant 1 : index
    %get3A_8 = arith.constant 0 : index
    %get3A_9 = arith.constant 0 : index
    %get3A_10 = vector.load %arg0[%get3A_7, %get3A_8, %get3A_9] : memref<2x10240x128xf32, #tpu.memory_space<vmem>>, vector<1x10000x32xf32>
    %get3A_11 = vector.shape_cast %get3A_10 : vector<1x10000x32xf32> to vector<10000x32xf32>
    %add3A = arith.addf %get3A_6, %get3A_11 : vector<10000x32xf32>
    %mul3A = vector.broadcast %get3A_1 : vector<10000x1xf32> to vector<10000x32xf32>
    %mul3A_12 = arith.mulf %add3A, %mul3A : vector<10000x32xf32>
    %get3A_13 = arith.constant 0 : index
    %get3A_14 = arith.constant 0 : index
    %get3A_15 = vector.load %arg2[%get3A_13, %get3A_14] : memref<1x32xf32, #tpu.memory_space<vmem>>, vector<1x32xf32>
    %add3A_16 = vector.broadcast %get3A_15 : vector<1x32xf32> to vector<10000x32xf32>
    %add3A_17 = arith.addf %mul3A_12, %add3A_16 : vector<10000x32xf32>
    %reduce_sum3A = arith.constant dense<0.000000e+00> : vector<32xf32>
    %reduce_sum3A_18 = vector.multi_reduction <add>, %add3A_17, %reduce_sum3A [0] : vector<10000x32xf32> to vector<32xf32>
    %broadcast_in_dim3A = vector.shape_cast %reduce_sum3A_18 : vector<32xf32> to vector<1x32xf32>
    %div3A = arith.constant 1.000000e+04 : f32
    %div3A_19 = vector.broadcast %div3A : f32 to vector<1x32xf32>
    %div3A_20 = arith.divf %broadcast_in_dim3A, %div3A_19 : vector<1x32xf32>
    %sub3A = vector.broadcast %div3A_20 : vector<1x32xf32> to vector<10000x32xf32>
    %sub3A_21 = arith.subf %add3A_17, %sub3A : vector<10000x32xf32>
    %mul3A_22 = arith.mulf %sub3A_21, %sub3A_21 : vector<10000x32xf32>
    %reduce_sum3A_23 = arith.constant dense<0.000000e+00> : vector<32xf32>
    %reduce_sum3A_24 = vector.multi_reduction <add>, %mul3A_22, %reduce_sum3A_23 [0] : vector<10000x32xf32> to vector<32xf32>
    %broadcast_in_dim3A_25 = vector.shape_cast %reduce_sum3A_24 : vector<32xf32> to vector<1x32xf32>
    %div3A_26 = arith.constant 1.000000e+04 : f32
    %div3A_27 = vector.broadcast %div3A_26 : f32 to vector<1x32xf32>
    %div3A_28 = arith.divf %broadcast_in_dim3A_25, %div3A_27 : vector<1x32xf32>
    %get3A_29 = arith.constant 0 : index
    %get3A_30 = arith.constant 0 : index
    %get3A_31 = vector.load %arg3[%get3A_29, %get3A_30] : memref<1x32xf32, #tpu.memory_space<vmem>>, vector<1x32xf32>
    %mul3A_32 = vector.broadcast %get3A_31 : vector<1x32xf32> to vector<10000x32xf32>
    %mul3A_33 = arith.mulf %mul3A_32, %sub3A_21 : vector<10000x32xf32>
    %add3A_34 = arith.constant 9.99999974E-6 : f32
    %add3A_35 = vector.broadcast %add3A_34 : f32 to vector<1x32xf32>
    %add3A_36 = arith.addf %div3A_28, %add3A_35 : vector<1x32xf32>
    %rsqrt3A = math.rsqrt %add3A_36 : vector<1x32xf32>
    %mul3A_37 = vector.broadcast %rsqrt3A : vector<1x32xf32> to vector<10000x32xf32>
    %mul3A_38 = arith.mulf %mul3A_33, %mul3A_37 : vector<10000x32xf32>
    %get3A_39 = arith.constant 0 : index
    %get3A_40 = arith.constant 0 : index
    %get3A_41 = vector.load %arg4[%get3A_39, %get3A_40] : memref<1x32xf32, #tpu.memory_space<vmem>>, vector<1x32xf32>
    %add3A_42 = vector.broadcast %get3A_41 : vector<1x32xf32> to vector<10000x32xf32>
    %add3A_43 = arith.addf %mul3A_38, %add3A_42 : vector<10000x32xf32>
    %max3A = arith.constant 0.000000e+00 : f32
    %max3A_44 = vector.broadcast %max3A : f32 to vector<10000x32xf32>
    %max3A_45 = arith.maximumf %add3A_43, %max3A_44 : vector<10000x32xf32>
    %get3A_46 = arith.constant 0 : index
    %get3A_47 = arith.constant 0 : index
    %get3A_48 = vector.load %arg5[%get3A_46, %get3A_47] : memref<32x32xf32, #tpu.memory_space<vmem>>, vector<32x32xf32>
    %dot_general3A = arith.constant dense<0.000000e+00> : vector<10000x32xf32>
    %dot_general3A_49 = tpu.matmul %max3A_45, %get3A_48, %dot_general3A {dimension_numbers = #tpu.dot_dimension_numbers<[1], [0], [0], [1], [0, 0, 1, 1], [], []>, transpose_lhs_hint = false} : vector<10000x32xf32>, vector<32x32xf32>, vector<10000x32xf32> -> vector<10000x32xf32>
    %mul3A_50 = vector.broadcast %get3A_1 : vector<10000x1xf32> to vector<10000x32xf32>
    %mul3A_51 = arith.mulf %dot_general3A_49, %mul3A_50 : vector<10000x32xf32>
    %broadcast_in_dim3A_52 = arith.constant 0.000000e+00 : f32
    %broadcast_in_dim3A_53 = vector.broadcast %broadcast_in_dim3A_52 : f32 to vector<10000x96xf32>
    %concatenate3A = tpu.concatenate %mul3A_51, %broadcast_in_dim3A_53 in 1 : vector<10000x32xf32>, vector<10000x96xf32> -> vector<10000x128xf32>
    %swap3A = arith.constant 0 : index
    %swap3A_54 = arith.constant 0 : index
    %swap3A_55 = vector.load %arg6[%swap3A, %swap3A_54] : memref<10240x128xf32, #tpu.memory_space<vmem>>, vector<10000x128xf32>
    tpu.vector_store %arg6[%swap3A, %swap3A_54], %concatenate3A {strides = array<i32>} : memref<10240x128xf32, #tpu.memory_space<vmem>>, vector<10000x128xf32>,
    %broadcast_in_dim3A_56 = arith.constant 0.000000e+00 : f32
    %broadcast_in_dim3A_57 = vector.broadcast %broadcast_in_dim3A_56 : f32 to vector<240x128xf32>
    %swap3A_58 = arith.constant 10000 : index
    %swap3A_59 = arith.constant 0 : index
    %swap3A_60 = vector.load %arg6[%swap3A_58, %swap3A_59] : memref<10240x128xf32, #tpu.memory_space<vmem>>, vector<240x128xf32>
    tpu.vector_store %arg6[%swap3A_58, %swap3A_59], %broadcast_in_dim3A_57 {strides = array<i32>} : memref<10240x128xf32, #tpu.memory_space<vmem>>, vector<240x128xf32>,
    return
  }
}

module attributes {stable_mosaic.version = 14 : i64} {
  func.func @body(%arg0: memref<2x10240x128xf32, #tpu.memory_space<vmem>>, %arg1: memref<10000x1xf32, #tpu.memory_space<vmem>>, %arg2: memref<1x32xf32, #tpu.memory_space<vmem>>, %arg3: memref<10000x32xf32, #tpu.memory_space<vmem>>) attributes {dimension_semantics = [], scalar_prefetch = 0 : i64, scratch_operands = 0 : i64, tpu.core_type = #tpu.core_type<tc>} {
    %get3A = arith.constant 0 : index
    %get3A_0 = arith.constant 0 : index
    %get3A_1 = arith.constant 0 : index
    %get3A_2 = vector.load %arg0[%get3A, %get3A_0, %get3A_1] : memref<2x10240x128xf32, #tpu.memory_space<vmem>>, vector<1x10000x32xf32>
    %get3A_3 = vector.shape_cast %get3A_2 : vector<1x10000x32xf32> to vector<10000x32xf32>
    %get3A_4 = arith.constant 1 : index
    %get3A_5 = arith.constant 0 : index
    %get3A_6 = arith.constant 0 : index
    %get3A_7 = vector.load %arg0[%get3A_4, %get3A_5, %get3A_6] : memref<2x10240x128xf32, #tpu.memory_space<vmem>>, vector<1x10000x32xf32>
    %get3A_8 = vector.shape_cast %get3A_7 : vector<1x10000x32xf32> to vector<10000x32xf32>
    %add3A = arith.addf %get3A_3, %get3A_8 : vector<10000x32xf32>
    %get3A_9 = arith.constant 0 : index
    %get3A_10 = arith.constant 0 : index
    %get3A_11 = vector.load %arg1[%get3A_9, %get3A_10] : memref<10000x1xf32, #tpu.memory_space<vmem>>, vector<10000x1xf32>
    %mul3A = vector.broadcast %get3A_11 : vector<10000x1xf32> to vector<10000x32xf32>
    %mul3A_12 = arith.mulf %add3A, %mul3A : vector<10000x32xf32>
    %get3A_13 = arith.constant 0 : index
    %get3A_14 = arith.constant 0 : index
    %get3A_15 = vector.load %arg2[%get3A_13, %get3A_14] : memref<1x32xf32, #tpu.memory_space<vmem>>, vector<1x32xf32>
    %add3A_16 = vector.broadcast %get3A_15 : vector<1x32xf32> to vector<10000x32xf32>
    %add3A_17 = arith.addf %mul3A_12, %add3A_16 : vector<10000x32xf32>
    %swap3A = arith.constant 0 : index
    %swap3A_18 = arith.constant 0 : index
    %swap3A_19 = vector.load %arg3[%swap3A, %swap3A_18] : memref<10000x32xf32, #tpu.memory_space<vmem>>, vector<10000x32xf32>
    tpu.vector_store %arg3[%swap3A, %swap3A_18], %add3A_17 {strides = array<i32>} : memref<10000x32xf32, #tpu.memory_space<vmem>>, vector<10000x32xf32>,
    return
  }
}

</mosaic_0001>

<sc_bundles>
// kernel: kernel.11.cloned.1.call-start
scs
__scs_entry_jumppad:
0x0: {  	(pc) =	sbr.rel $0x88, $3  }
0x1: {  	(tag) =	ssettag $0x0;
	lr =	simm.s32 $0x1  }
0x2: {  	[smem:$0x3F99] =	sst lr;
	_ =	strace $0xD0000000  }
0x3: {  	_ = 	snop  }
0x4: {  	_ = 	snop  }
0x5: {  	_ = 	snop  }
0x6: {  	_ = 	snop  }
0x7: {  	_ = 	snop  }
__scs_overlays_trampoline_lowered:
0x8: {  	[smem:$0x3FA8] =	sst s0  }
0x9: {  	[smem:$0x3FA9] =	sst s1  }
0xa: {  	[smem:$0x3FAA] =	sst s2  }
0xb: {  	[smem:$0x3FAB] =	sst s3  }
0xc: {  	[smem:$0x3FAC] =	sst s4  }
0xd: {  	[smem:$0x3FAD] =	sst s5  }
0xe: {  	[smem:$0x3FAE] =	sst s6  }
0xf: {  	[smem:$0x3FAF] =	sst s7  }
0x10: {  	[smem:$0x3FB0] =	sst s8  }
0x11: {  	[smem:$0x3FB1] =	sst s9;
	s0 =	simm.s32 @!p0 $0x0  }
0x12: {  	s1 =	sld [smem:$0x3F97];
	s0 =	simm.s32 @p0 $0x1  }
0x13: {  	[smem:$0x3FB2] =	sst s0;
	s0 =	simm.s32 @!p1 $0x0  }
0x14: {  	s2 =	sld [smem:$0x3F96];
	s0 =	simm.s32 @p1 $0x1  }
0x15: {  	[smem:$0x3FB3] =	sst s0;
	s0 =	simm.s32 @!p2 $0x0  }
0x16: {  	s3 =	sld [smem:$0x3FDB];
	s0 =	simm.s32 @p2 $0x1  }
0x17: {  	s4 =	simm.s32 $0x1BF5;
	[smem:$0x3FB5] =	sst s0  }
0x18: {  	s0 =	sld [smem:$0x3F98];
	_ =	swait.ge [sflag:s4], $0x0  }
0x19: {  	s7 =	sld [smem:$0x3F99]  }
0x1a: {  	s8 =	sadd.s32 $0xFFFFE003, lr  }
0x1b: {  	s9 =	sadd.s32 $0xFFFFFEF7, lr;
	s5 =	simm.s32 $0xFFFFFFFF;
	p2 =	slt.u32 s8, $0xFFFFF086  }
0x1c: {  	p1 =	slt.u32 s9, $0xF7A;
	s5 =	simm.s32 @!p2 $0x0  }
0x1d: {  	s5 =	simm.s32 @p1 $0x1;
	p0 =	seq.s32 s7, s2  }
0x1e: {  	s7 =	smul.u32 @!p0 $0xF7A, s2;
	p2 =	seq.s32 @!p0 s5, $0x0  }
0x1f: {  	s9 =	smul.u32 $0xF7A, s1;
	s8 =	simm.s32 @!p0 $0x1BF5;
	p2 =	por !p2, p0  }
0x20: {  	[sflag:s8] =	ssyncset.s32 @!p0 $0xFFFFF086;
	s6 =	sadd.s32 @!p0 s3, s7;
	s7 =	simm.s32 @!p0 $0x108  }
0x21: {  	s3 =	sadd.s32 s3, s9;
	s6 =	sadd.s32 @!p0 $0x88, s6;
	s7 =	simm.s32 @p2 $0x1082  }
0x22: {  	[simem:s7], [sflag:s8] =	dma.local @!p0 [hbm:s6], $0xF7A  }
0x23: {  	s9 =	sor.u32 $0xD0000000, s2;
	s6 =	simm.s32 $0x108;
	_ =	swait.ge @!p0 [sflag:s8], $0x0  }
0x24: {  	s3 =	sadd.s32 $0x88, s3;
	s6 =	simm.s32 @!p1 $0x1082;
	[sflag:s4] =	ssyncset.s32 $0xFFFFF086  }
0x25: {  	[simem:s6], [sflag:s4] =	dma.local [hbm:s3], $0xF7A  }
0x26: {  	[smem:$0x3F99] =	sst s1;
	(tag) =	ssettag s2;
	_ =	strace s9  }
0x27: {  	s1 =	sld [smem:$0x3FA9]  }
0x28: {  	s2 =	sld [smem:$0x3FAA]  }
0x29: {  	s4 =	sld [smem:$0x3FAC]  }
0x2a: {  	p0 =	seq.s32 s5, $0x0;
	s5 =	sld [smem:$0x3FAD]  }
0x2b: {  	s6 =	sld [smem:$0x3FAE]  }
0x2c: {  	s7 =	sld [smem:$0x3FAF]  }
0x2d: {  	s3 =	simm.s32 $0x108;
	s8 =	sld [smem:$0x3FB0]  }
0x2e: {  	s3 =	simm.s32 @!p0 $0x1082;
	s9 =	sld [smem:$0x3FB1]  }
0x2f: {  	lr =	sadd.s32 s0, s3;
	s0 =	sld [smem:$0x3FA8]  }
0x30: {  	s3 =	sld [smem:$0x3FAB]  }
0x31: {  	[smem:$0x3FB4] =	sst s10  }
0x32: {  	s10 =	sld [smem:$0x3FB2];
	_ =	sdelay $0x3  }
0x33: {  	p0 =	seq.s32 s10, $0x1;
	s10 =	sld [smem:$0x3FB4];
	_ =	sdelay $0x3  }
0x34: {  	[smem:$0x3FB4] =	sst s10  }
0x35: {  	s10 =	sld [smem:$0x3FB3];
	_ =	sdelay $0x3  }
0x36: {  	p1 =	seq.s32 s10, $0x1;
	s10 =	sld [smem:$0x3FB4];
	_ =	sdelay $0x3  }
0x37: {  	[smem:$0x3FB4] =	sst s10  }
0x38: {  	s10 =	sld [smem:$0x3FB5]  }
0x39: {  	_ = 	snop;
	(pc) =	sbr.ind lr, $3  }
0x3a: {  	_ = 	snop  }
0x3b: {  	_ = 	snop  }
0x3c: {  	p2 =	seq.s32 s10, $0x1;
	s10 =	sld [smem:$0x3FB4]  }
0x3d: {  	_ =	shalt  }
0x3e: {  	_ =	shalt  }
0x3f: {  	_ =	shalt  }
0x40: {  	_ =	shalt  }
0x41: {  	_ =	shalt  }
0x42: {  	_ =	shalt  }
0x43: {  	_ =	shalt  }
0x44: {  	_ =	shalt  }
0x45: {  	_ =	shalt  }
0x46: {  	_ =	shalt  }
0x47: {  	_ =	shalt  }
0x48: {  	_ =	shalt  }
0x49: {  	_ =	shalt  }
0x4a: {  	_ =	shalt  }
0x4b: {  	_ =	shalt  }
0x4c: {  	_ =	shalt  }
0x4d: {  	_ =	shalt  }
0x4e: {  	_ =	shalt  }
0x4f: {  	_ =	shalt  }
0x50: {  	_ =	shalt  }
0x51: {  	_ =	shalt  }
0x52: {  	_ =	shalt  }
0x53: {  	_ =	shalt  }
0x54: {  	_ =	shalt  }
0x55: {  	_ =	shalt  }
0x56: {  	_ =	shalt  }
0x57: {  	_ =	shalt  }
0x58: {  	_ =	shalt  }
0x59: {  	_ =	shalt  }
0x5a: {  	_ =	shalt  }
0x5b: {  	_ =	shalt  }
0x5c: {  	_ =	shalt  }
0x5d: {  	_ =	shalt  }
0x5e: {  	_ =	shalt  }
0x5f: {  	_ =	shalt  }
0x60: {  	_ =	shalt  }
0x61: {  	_ =	shalt  }
0x62: {  	_ =	shalt  }
0x63: {  	_ =	shalt  }
0x64: {  	_ =	shalt  }
0x65: {  	_ =	shalt  }
0x66: {  	_ =	shalt  }
0x67: {  	_ =	shalt  }
0x68: {  	_ =	shalt  }
0x69: {  	_ =	shalt  }
0x6a: {  	_ =	shalt  }
0x6b: {  	_ =	shalt  }
0x6c: {  	_ =	shalt  }
0x6d: {  	_ =	shalt  }
0x6e: {  	_ =	shalt  }
0x6f: {  	_ =	shalt  }
0x70: {  	_ =	shalt  }
0x71: {  	_ =	shalt  }
0x72: {  	_ =	shalt  }
0x73: {  	_ =	shalt  }
0x74: {  	_ =	shalt  }
0x75: {  	_ =	shalt  }
0x76: {  	_ =	shalt  }
0x77: {  	_ =	shalt  }
0x78: {  	_ =	shalt  }
0x79: {  	_ =	shalt  }
0x7a: {  	_ =	shalt  }
0x7b: {  	_ =	shalt  }
0x7c: {  	_ =	shalt  }
0x7d: {  	_ =	shalt  }
0x7e: {  	_ =	shalt  }
0x7f: {  	_ =	shalt  }
0x80: {  	_ =	shalt  }
0x81: {  	_ =	shalt  }
0x82: {  	_ =	shalt  }
0x83: {  	_ =	shalt  }
0x84: {  	_ =	shalt  }
0x85: {  	_ =	shalt  }
0x86: {  	_ =	shalt  }
0x87: {  	_ =	shalt  }
.Lfunc_end0:
.L_simem_size_0:
called_computation.1_lowered:
.L_overlay_start_0:
0x88: {  	s2 =	sld [smem:$0x3FD9]  }
0x89: {  	s3 =	sld [smem:$0x3FFE];
	_ =	sdelay $0x1  }
0x8a: {  	s1 =	srdreg.scid  }
0x8b: {  	s0 =	sand.u32 $0x1, s1  }
0x8c: {  	s16 =	sshll.u32 s0, $0xA;
	s2 =	sadd.s32 s3, s2  }
0x8d: {  	s2 =	sadd.s32 s2, s16  }
0x8e: {  	[smem:$0x3FC0] =	sst s2  }
0x8f: {  	_ = 	snop  }
0x90: {  	(tm) =	ssettm $0x1  }
0x91: {  	s17 =	sld [smem:$0x3FFB];
	_ =	sdelay $0x3  }
0x92: {  	_ =	strace s17  }
0x93: {  	s2 =	sld [smem:$0x3FFC];
	_ =	sdelay $0x3  }
0x94: {  	_ =	strace s2  }
0x95: {  	s2 =	sld [smem:$0x3FFD];
	_ =	sdelay $0x3  }
0x96: {  	_ =	strace s2  }
0x97: {  	_ =	strace $0x8FFFFFFF  }
0x98: {  	s18 =	sld [smem:$0x3FDB];
	_ =	sdelay $0x1  }
0x99: {  	s19 =	simm.s32 $_scs_section_size  }
0x9a: {  	s4 =	simm.s32 $_size__tile_overlayer_lowered;
	s5 =	simm.s32 $_tile_overlayer_lowered  }
0x9b: {  	s22 =	simm.s32 $0x1BFF;
	s21 =	sshll.u32 s5, $0x1;
	s2 =	sadd.s32 s19, s18  }
0x9c: {  	s6 =	simm.s32 $0x0;
	s20 =	sshll.u32 s4, $0x1;
	s4 =	sadd.s32 s21, s2  }
0x9d: {  	[timem:s6], [sflag:s22] =	dma.local [hbm:s4], s20  }
0x9e: {  	_ =	swait.ge [sflag:s22], s20  }
0x9f: {  	s3 =	ssub.s32 $0x0, s20;
	[sflag:s22] =	ssyncset.done $0x0  }
0xa0: {  	[sflag:s22] =	ssyncadd.s32 s3;
	_ =	sdelay $0x1  }
0xa1: {  	s23 =	simm.s32 $0x1B8B  }
0xa2: {  	_ =	swait.ge [sflag:s23], $0x1  }
0xa3: {  	[sflag:s23] =	ssyncset.done $0x0  }
0xa4: {  	s25 =	simm.s32 $0x1B8E;
	s24 =	sld [smem:$0x3FFE];
	[sflag:s23] =	ssyncadd.s32 $0xFFFFFFFF  }
0xa5: {  	s26 =	simm.s32 $execute0_lowered;
	[smem:$0x3FD2] =	sst s25  }
0xa6: {  	s4 =	sshll.u32 s26, $0x1;
	_ =	strace $0x80000049;
	[dreg:$0x1] =	wrdreg $0xFFFFFFFF  }
0xa7: {  	s28 =	simm.s32 $_size_execute0_lowered;
	s2 =	sadd.s32 s2, s4;
	[dreg:$0x0] =	wrdreg $0x0  }
0xa8: {  	s4 =	sshll.u32 s28, $0x1;
	[dreg:$0x2] =	wrdreg s2  }
0xa9: {  	[dreg:$0x3] =	wrdreg s4  }
0xaa: {  	[dreg:$0x4] =	wrdreg $0xC0  }
0xab: {  	_ =	task [dreg:s6], $0x5FFFF  }
0xac: {  	[dreg:$0x1] =	wrdreg $0xFFFFFFFF  }
0xad: {  	[dreg:$0x0] =	wrdreg $0x60  }
0xae: {  	[dreg:$0x2] =	wrdreg s24  }
0xaf: {  	[dreg:$0x3] =	wrdreg $0x100000  }
0xb0: {  	[dreg:$0x4] =	wrdreg $0xB0000  }
0xb1: {  	[dreg:$0x5] =	wrdreg $0x9  }
0xb2: {  	_ =	task.clear_ibuf [dreg:s6], $0x6FFFF;
	_ =	strace $0x90000049  }
0xb3: {  	s29 =	simm.s32 $0x9;
	_ =	strace $0x8000004B  }
0xb4: {  	_ =	swait.ge [sflag:s29], $0x1  }
0xb5: {  	[sflag:s29] =	ssyncadd.s32 $0xFFFFFFFF  }
0xb6: {  	_ =	strace $0x9000004B  }
0xb7: {  	_ =	sfence  }
0xb8: {  	s30 =	sld [smem:$0x0];
	_ =	sdelay $0x2  }
0xb9: {  	s31 =	sshll.u32 s1, $0xD;
	s1 =	sshrl.u32 s1, $0x2  }
0xba: {  	s3 =	sand.u32 $0x4000, s31;
	s1 =	sadd.s32 s1, s30  }
0xbb: {  	s0 =	sor.u32 s3, s0;
	s1 =	sshll.u32 s1, $0x11  }
0xbc: {  	s0 =	sor.u32 s1, s0  }
0xbd: {  	s0 =	sadd.s32 $0x8F2B, s0  }
0xbe: {  	[sflag:s0] =	ssyncadd.remote.s32 $0x1  }
0xbf: {  	_ =	sfence.sel $0xFFFF  }
0xc0: {  	[dreg:$0x0] =	wrdreg $0xFFFFFFFF;
	(pc) =	sbr.abs _section_cstart, $3  }
0xc1: {  	[dreg:$0x1] =	wrdreg $0xFFFFFFFF  }
0xc2: {  	_ =	task.clear_ibuf [dreg:s6], $0x2FFFF;
	_ =	strace $0x9FFFFFFF  }
0xc3: {  	(tm) =	ssettm $0x7FFFFFFF  }
tec
execute0_lowered:
.L_overlay_start_1:
0x0: {  	(tag) =	ssettag $0x1  }
0x1: {  	s0 =	rddreg [dreg:$0x0];
	s1 =	srdreg.scid  }
0x2: {  	s11 =	stileid.u32;
	s2 =	rddreg [dreg:$0x1]  }
0x3: {  	s3 =	rddreg [dreg:$0x2];
	s30 =	simm.s32 $0x9000;
	s8 =	smul.u32 $0x14000, s11  }
0x4: {  	s1 =	sand.u32 $0x1, s1;
	s4 =	sshll.u32 s11, $0x1;
	s9 =	smul.u32 $0x5000, s11  }
0x5: {  	s31 =	simm.s32 $0x20;
	s11 =	smul.u32 $0x280, s11;
	s5 =	sor.u32 s1, s4  }
0x6: {  	s7 =	ssub.s32 $0x2, s1;
	p0 =	seq.s32 s1, $0x0;
	s1 =	smul.u32 $0x140000, s1  }
0x7: {  	s6 =	sadd.s32 $0x16A00, s0;
	s4 =	simm.s32 $0x0;
	s5 =	smul.u32 $0x2800, s5  }
0x8: {  	[smem:$0x7FF] =	sst s4;
	s10 =	sshrl.u32 s7, $0x1;
	s12 =	sshrl.u32 s8, $0x3  }
0x9: {  	s19 =	sadd.s32 s9, s2;
	s20 =	sadd.s32 $0x80, s11;
	s14 =	sadd.s32 $0x100, s11  }
0xa: {  	s16 =	sadd.s32 $0x180, s11;
	s11 =	sadd.s32 $0x200, s11;
	_ =	strace $0x8000004A  }
0xb: {  	s13 =	ssub.s32 s7, s10;
	s18 =	sadd.s32 s6, s12;
	[dreg:$0x5] =	wrdreg s19  }
0xc: {  	s7 =	sadd.s32 s9, s3;
	s21 =	sshll.u32 s20, $0x7;
	s22 =	sshll.u32 s20, $0x4  }
0xd: {  	s9 =	sshll.u32 s20, $0x5;
	s24 =	sshll.u32 s14, $0x7;
	s15 =	sshll.u32 s14, $0x4  }
0xe: {  	s14 =	sshll.u32 s14, $0x5;
	s25 =	sshll.u32 s16, $0x4;
	s17 =	sshll.u32 s16, $0x7  }
0xf: {  	s26 =	sshll.u32 s11, $0x4;
	s8 =	sadd.s32 s8, s1;
	s19 =	sshll.u32 s16, $0x5  }
0x10: {  	s16 =	simm.s32 $0x3;
	s5 =	sshrl.u32 s5, $0x3;
	[dreg:$0x4] =	wrdreg s18  }
0x11: {  	s10 =	sadd.s32 s6, s22;
	s23 =	sadd.s32 s9, s2;
	s15 =	sadd.s32 s6, s15  }
0x12: {  	s12 =	sadd.s32 s1, s21;
	s17 =	sadd.s32 s1, s17;
	s18 =	sadd.s32 s14, s2  }
0x13: {  	s8 =	sshrl.u32 s8, $0x3;
	s29 =	smax.u32 s13, $0x1;
	[dreg:$0x6] =	wrdreg s10  }
0x14: {  	s13 =	simm.s32 $0x2;
	s5 =	sadd.s32 s5, s0;
	[dreg:$0x7] =	wrdreg s23  }
0x15: {  	s0 =	sadd.s32 $0x3EA00, s0;
	s10 =	sadd.s32 s9, s3;
	[dreg:$0x8] =	wrdreg s15  }
0x16: {  	s15 =	sadd.s32 s6, s25;
	s6 =	sadd.s32 s6, s26;
	s9 =	sadd.s32 s1, s24  }
0x17: {  	[dreg:$0xb] =	wrdreg s18;
	s12 =	sshrl.u32 s12, $0x3;
	s22 =	sshrl.u32 s17, $0x3  }
0x18: {  	s24 =	sadd.s32 s19, s2;
	s17 =	simm.s32 $0x7;
	[dreg:$0x9] =	wrdreg s15  }
0x19: {  	s18 =	simm.s32 $0x4;
	[dreg:$0xa] =	wrdreg s6;
	s15 =	sshll.u32 s11, $0x7  }
0x1a: {  	s11 =	sshll.u32 s11, $0x5;
	s8 =	sadd.s32 s0, s8;
	s20 =	sadd.s32 s0, s12  }
0x1b: {  	s21 =	sshrl.u32 s9, $0x3;
	s23 =	sadd.s32 s0, s22;
	[dreg:$0x11] =	wrdreg s24  }
0x1c: {  	s22 =	sadd.s32 s19, s3;
	s26 =	sadd.s32 $0x2A00, s5;
	s28 =	sadd.s32 $0xCA00, s5  }
0x1d: {  	s5 =	simm.s32 $0x5000;
	s6 =	simm.s32 $0x6000;
	s9 =	simm.s32 $0x8000  }
0x1e: {  	s12 =	simm.s32 $0x5;
	s19 =	simm.s32 $0x8;
	[dreg:$0xc] =	wrdreg s8  }
0x1f: {  	s1 =	sadd.s32 s1, s15;
	s15 =	sadd.s32 s14, s3;
	[dreg:$0xd] =	wrdreg s20  }
0x20: {  	s8 =	sadd.s32 s0, s21;
	[dreg:$0xf] =	wrdreg s23;
	s25 =	sadd.s32 s11, s2  }
0x21: {  	s24 =	sadd.s32 s11, s3;
	[dreg:$0x13] =	wrdreg s26;
	s26 =	simm.s32 $0x9000  }
0x22: {  	s11 =	simm.s32 $0x1;
	s14 =	simm.s32 $0x6;
	[dreg:$0xe] =	wrdreg s8  }
0x23: {  	s20 =	simm.s32 $0x10;
	s1 =	sshrl.u32 s1, $0x3;
	[dreg:$0x12] =	wrdreg s25  }
0x24: {  	s26 =	simm.s32 @!p0 $0xA000;
	s8 =	simm.s32 $0x7000;
	s0 =	sadd.s32 s0, s1  }
0x25: {  	v0 =	vimm.f32 $0.0e+00;
	s1 =	simm.s32 $0x80;
	[dreg:$0x10] =	wrdreg s0;
	s0 =	simm.s32 $0x9  }
.LBB2_1:
0x26: {  	s21 =	simm.s32 $0x80;
	s23 =	simm.s32 $0x0  }
.LBB2_2:
0x27: {  	p0 =	sne.s32 s21, $0x3F80;
	[tilespmem:s23+$0xA000] =	vst v0;
	s25 =	smov.u32 s21;
	s21 =	sadd.s32 $0x80, s21  }
.Ltmp0:
0x28: {  	[tilespmem:s23+$0xA010] =	vst v0;
	(pc) =	sbr.rel @p0 .LBB2_2-.Ltmp0, $2  }
0x29: {  	_ =	sdelay $0x2  }
0x2a: {  	s23 =	sshra.s32 s25, $0x2  }
0x2b: {  	[tilespmem:s23+$0xA000] =	vst v0  }
0x2c: {  	[tilespmem:s23+$0xA010] =	vst v0;
	s21 =	rddreg [dreg:$0x4]  }
0x2d: {  	[tilespmem:s30], [sflag:$0x9] =	stream.strided.gather [hbm4b:s21+s31], $0x1000, s1, s31, $0x38;
	[tilespmem:$0x15000] =	vst v63  }
0x2e: {  	_ =	swait.ge [sflag:s0], $0x1000  }
0x2f: {  	[sflag:s0] =	ssyncset.done $0x0  }
0x30: {  	s23 =	rddreg [dreg:$0x5];
	[sflag:s0] =	ssyncadd.s32 $0xFFFFF000  }
0x31: {  	[spmem:s23] =	stream.linear.scatter [tilespmem:s30], [sflag:$0x9], $0x1000, $0x38;
	[tilespmem:$0x15000] =	vst v63  }
0x32: {  	_ =	swait.ge [sflag:s0], $0x1000  }
0x33: {  	[sflag:s0] =	ssyncset.done $0x0  }
0x34: {  	[sflag:s0] =	ssyncadd.s32 $0xFFFFF000  }
0x35: {  	[spmem:s7] =	stream.linear.scatter [tilespmem:s26], [sflag:$0x9], $0x1000, $0x38;
	[tilespmem:$0x15000] =	vst v63  }
0x36: {  	_ =	swait.ge [sflag:s0], $0x1000  }
0x37: {  	[sflag:s0] =	ssyncset.done $0x0  }
0x38: {  	s25 =	rddreg [dreg:$0x6];
	[sflag:s0] =	ssyncadd.s32 $0xFFFFF000  }
0x39: {  	[tilespmem:s30], [sflag:$0x9] =	stream.strided.gather [hbm4b:s25+s31], $0x1000, s1, s31, $0x38;
	[tilespmem:$0x15000] =	vst v63  }
0x3a: {  	_ =	swait.ge [sflag:s0], $0x1000  }
0x3b: {  	[sflag:s0] =	ssyncset.done $0x0  }
0x3c: {  	s23 =	rddreg [dreg:$0x7];
	[sflag:s0] =	ssyncadd.s32 $0xFFFFF000  }
0x3d: {  	[spmem:s23] =	stream.linear.scatter [tilespmem:s30], [sflag:$0x9], $0x1000, $0x38;
	[tilespmem:$0x15000] =	vst v63  }
0x3e: {  	_ =	swait.ge [sflag:s0], $0x1000  }
0x3f: {  	[sflag:s0] =	ssyncset.done $0x0  }
0x40: {  	[sflag:s0] =	ssyncadd.s32 $0xFFFFF000  }
0x41: {  	[spmem:s10] =	stream.linear.scatter [tilespmem:s26], [sflag:$0x9], $0x1000, $0x38;
	[tilespmem:$0x15000] =	vst v63  }
0x42: {  	_ =	swait.ge [sflag:s0], $0x1000  }
0x43: {  	[sflag:s0] =	ssyncset.done $0x0  }
0x44: {  	s25 =	rddreg [dreg:$0x8];
	[sflag:s0] =	ssyncadd.s32 $0xFFFFF000  }
0x45: {  	[tilespmem:s30], [sflag:$0x9] =	stream.strided.gather [hbm4b:s25+s31], $0x1000, s1, s31, $0x38;
	[tilespmem:$0x15000] =	vst v63  }
0x46: {  	_ =	swait.ge [sflag:s0], $0x1000  }
0x47: {  	[sflag:s0] =	ssyncset.done $0x0  }
0x48: {  	s23 =	rddreg [dreg:$0xb];
	[sflag:s0] =	ssyncadd.s32 $0xFFFFF000  }
0x49: {  	[spmem:s23] =	stream.linear.scatter [tilespmem:s30], [sflag:$0x9], $0x1000, $0x38;
	[tilespmem:$0x15000] =	vst v63  }
0x4a: {  	_ =	swait.ge [sflag:s0], $0x1000  }
0x4b: {  	[sflag:s0] =	ssyncset.done $0x0  }
0x4c: {  	[sflag:s0] =	ssyncadd.s32 $0xFFFFF000  }
0x4d: {  	[spmem:s15] =	stream.linear.scatter [tilespmem:s26], [sflag:$0x9], $0x1000, $0x38;
	[tilespmem:$0x15000] =	vst v63  }
0x4e: {  	_ =	swait.ge [sflag:s0], $0x1000  }
0x4f: {  	[sflag:s0] =	ssyncset.done $0x0  }
0x50: {  	s25 =	rddreg [dreg:$0x9];
	[sflag:s0] =	ssyncadd.s32 $0xFFFFF000  }
0x51: {  	[tilespmem:s30], [sflag:$0x9] =	stream.strided.gather [hbm4b:s25+s31], $0x1000, s1, s31, $0x38;
	[tilespmem:$0x15000] =	vst v63  }
0x52: {  	_ =	swait.ge [sflag:s0], $0x1000  }
0x53: {  	[sflag:s0] =	ssyncset.done $0x0  }
0x54: {  	s23 =	rddreg [dreg:$0x11];
	[sflag:s0] =	ssyncadd.s32 $0xFFFFF000  }
0x55: {  	[spmem:s23] =	stream.linear.scatter [tilespmem:s30], [sflag:$0x9], $0x1000, $0x38;
	[tilespmem:$0x15000] =	vst v63  }
0x56: {  	_ =	swait.ge [sflag:s0], $0x1000  }
0x57: {  	[sflag:s0] =	ssyncset.done $0x0  }
0x58: {  	[sflag:s0] =	ssyncadd.s32 $0xFFFFF000  }
0x59: {  	[spmem:s22] =	stream.linear.scatter [tilespmem:s26], [sflag:$0x9], $0x1000, $0x38;
	[tilespmem:$0x15000] =	vst v63  }
0x5a: {  	_ =	swait.ge [sflag:s0], $0x1000  }
0x5b: {  	[sflag:s0] =	ssyncset.done $0x0  }
0x5c: {  	s25 =	rddreg [dreg:$0xa];
	[sflag:s0] =	ssyncadd.s32 $0xFFFFF000  }
0x5d: {  	[tilespmem:s30], [sflag:$0x9] =	stream.strided.gather [hbm4b:s25+s31], $0x1000, s1, s31, $0x38;
	[tilespmem:$0x15000] =	vst v63  }
0x5e: {  	_ =	swait.ge [sflag:s0], $0x1000  }
0x5f: {  	[sflag:s0] =	ssyncset.done $0x0  }
0x60: {  	s23 =	rddreg [dreg:$0x12];
	[sflag:s0] =	ssyncadd.s32 $0xFFFFF000  }
0x61: {  	[spmem:s23] =	stream.linear.scatter [tilespmem:s30], [sflag:$0x9], $0x1000, $0x38;
	[tilespmem:$0x15000] =	vst v63  }
0x62: {  	_ =	swait.ge [sflag:s0], $0x1000  }
0x63: {  	[sflag:s0] =	ssyncset.done $0x0  }
0x64: {  	[sflag:s0] =	ssyncadd.s32 $0xFFFFF000  }
0x65: {  	[spmem:s24] =	stream.linear.scatter [tilespmem:s26], [sflag:$0x9], $0x1000, $0x38;
	[tilespmem:$0x15000] =	vst v63  }
0x66: {  	_ =	swait.ge [sflag:s0], $0x1000  }
0x67: {  	[sflag:s0] =	ssyncset.done $0x0  }
0x68: {  	s21 =	simm.s32 $0x0;
	s25 =	rddreg [dreg:$0x13];
	[sflag:s0] =	ssyncadd.s32 $0xFFFFF000  }
0x69: {  	[tilespmem:s21], [sflag:$0x9] =	stream.linear.gather [hbm4b:s25+s21], $0x2800, $0x38;
	[tilespmem:$0x15000] =	vst v63  }
0x6a: {  	_ =	swait.ge [sflag:s0], $0x2800  }
0x6b: {  	[sflag:s0] =	ssyncset.done $0x0  }
0x6c: {  	s25 =	simm.s32 $0x2800;
	[sflag:s0] =	ssyncadd.s32 $0xFFFFD800  }
0x6d: {  	[tilespmem:s25], [sflag:$0x9] =	stream.linear.gather [hbm4b:s28+s21], $0x2800, $0x38;
	[tilespmem:$0x15000] =	vst v63  }
0x6e: {  	_ =	swait.ge [sflag:s0], $0x2800  }
0x6f: {  	[sflag:s0] =	ssyncset.done $0x0  }
0x70: {  	[sflag:s0] =	ssyncadd.s32 $0xFFFFD800  }
0x71: {  	[bflag:$0x0] =	sbarrier.arrive $0xFFFF  }
0x72: {  	[tilespmem:s5], [sflag:$0x1] =	stream.indirect.gather [spmem:s2], $0x20, s21, s1, $0xb8;
	[tilespmem:$0x15000] =	vst v63  }
0x73: {  	_ = 	snop  }
0x74: {  	[tilespmem:s6], [sflag:$0x2] =	stream.indirect.gather [spmem:s2], $0x20, s1, s1, $0xb8;
	[tilespmem:$0x15000] =	vst v63  }
0x75: {  	s25 =	simm.s32 $0x100  }
0x76: {  	[tilespmem:s8], [sflag:$0x3] =	stream.indirect.gather [spmem:s2], $0x20, s25, s1, $0xb8;
	[tilespmem:$0x15000] =	vst v63  }
0x77: {  	s23 =	simm.s32 $0x180  }
0x78: {  	[tilespmem:s9], [sflag:$0x4] =	stream.indirect.gather [spmem:s2], $0x20, s23, s1, $0xb8;
	[tilespmem:$0x15000] =	vst v63  }
0x79: {  	_ =	swait.ge [sflag:s11], $0x1000  }
0x7a: {  	[sflag:s11] =	ssyncset.done $0x0  }
0x7b: {  	s25 =	simm.s32 $0x2800;
	[sflag:s11] =	ssyncadd.s32 $0xFFFFF000  }
0x7c: {  	[spmem:s3] =	stream.indirect.scatter.add.f32 [tilespmem:s5], [sflag:$0x5], $0x20, s25, s1, $0xb8;
	[tilespmem:$0x15000] =	vst v63  }
0x7d: {  	_ =	swait.ge [sflag:s12], $0x1000  }
0x7e: {  	[sflag:s12] =	ssyncset.done $0x0  }
0x7f: {  	s23 =	simm.s32 $0x200;
	[sflag:s12] =	ssyncadd.s32 $0xFFFFF000  }
0x80: {  	[tilespmem:s5], [sflag:$0x1] =	stream.indirect.gather [spmem:s2], $0x20, s23, s1, $0xb8;
	[tilespmem:$0x15000] =	vst v63  }
0x81: {  	_ =	swait.ge [sflag:s13], $0x1000  }
0x82: {  	[sflag:s13] =	ssyncset.done $0x0  }
0x83: {  	s25 =	simm.s32 $0x2880;
	[sflag:s13] =	ssyncadd.s32 $0xFFFFF000  }
0x84: {  	[spmem:s3] =	stream.indirect.scatter.add.f32 [tilespmem:s6], [sflag:$0x6], $0x20, s25, s1, $0xb8;
	[tilespmem:$0x15000] =	vst v63  }
0x85: {  	_ =	swait.ge [sflag:s14], $0x1000  }
0x86: {  	[sflag:s14] =	ssyncset.done $0x0  }
0x87: {  	s23 =	simm.s32 $0x280;
	[sflag:s14] =	ssyncadd.s32 $0xFFFFF000  }
0x88: {  	[tilespmem:s6], [sflag:$0x2] =	stream.indirect.gather [spmem:s2], $0x20, s23, s1, $0xb8;
	[tilespmem:$0x15000] =	vst v63  }
0x89: {  	_ =	swait.ge [sflag:s16], $0x1000  }
0x8a: {  	[sflag:s16] =	ssyncset.done $0x0  }
0x8b: {  	s25 =	simm.s32 $0x2900;
	[sflag:s16] =	ssyncadd.s32 $0xFFFFF000  }
0x8c: {  	[spmem:s3] =	stream.indirect.scatter.add.f32 [tilespmem:s8], [sflag:$0x7], $0x20, s25, s1, $0xb8;
	[tilespmem:$0x15000] =	vst v63  }
0x8d: {  	_ =	swait.ge [sflag:s17], $0x1000  }
0x8e: {  	[sflag:s17] =	ssyncset.done $0x0  }
0x8f: {  	s23 =	simm.s32 $0x300;
	[sflag:s17] =	ssyncadd.s32 $0xFFFFF000  }
0x90: {  	[tilespmem:s8], [sflag:$0x3] =	stream.indirect.gather [spmem:s2], $0x20, s23, s1, $0xb8;
	[tilespmem:$0x15000] =	vst v63  }
0x91: {  	_ =	swait.ge [sflag:s18], $0x1000  }
0x92: {  	[sflag:s18] =	ssyncset.done $0x0  }
0x93: {  	s25 =	simm.s32 $0x2980;
	[sflag:s18] =	ssyncadd.s32 $0xFFFFF000  }
0x94: {  	[spmem:s3] =	stream.indirect.scatter.add.f32 [tilespmem:s9], [sflag:$0x8], $0x20, s25, s1, $0xb8;
	[tilespmem:$0x15000] =	vst v63  }
0x95: {  	_ =	swait.ge [sflag:s19], $0x1000  }
0x96: {  	[sflag:s19] =	ssyncset.done $0x0  }
0x97: {  	s21 =	simm.s32 $0x800;
	s23 =	simm.s32 $0x380;
	[sflag:s19] =	ssyncadd.s32 $0xFFFFF000  }
.LBB2_4:
0x98: {  	[tilespmem:s9], [sflag:$0x4] =	stream.indirect.gather [spmem:s2], $0x20, s23, s1, $0xb8;
	[tilespmem:$0x15000] =	vst v63  }
0x99: {  	s23 =	smov.u32 s21  }
0x9a: {  	p0 =	sne.s32 s21, $0x9000;
	s21 =	sadd.s32 $0x800, s21;
	_ =	swait.ge [sflag:s11], $0x1000  }
0x9b: {  	s23 =	sshra.s32 s23, $0x2;
	[sflag:s11] =	ssyncset.done $0x0  }
0x9c: {  	s25 =	sadd.s32 $0x2800, s23;
	[sflag:s11] =	ssyncadd.s32 $0xFFFFF000  }
0x9d: {  	[spmem:s3] =	stream.indirect.scatter.add.f32 [tilespmem:s5], [sflag:$0x5], $0x20, s25, s1, $0xb8;
	[tilespmem:$0x15000] =	vst v63  }
0x9e: {  	_ =	swait.ge [sflag:s12], $0x1000  }
0x9f: {  	[sflag:s12] =	ssyncset.done $0x0  }
0xa0: {  	s25 =	sadd.s32 $0x200, s23;
	[sflag:s12] =	ssyncadd.s32 $0xFFFFF000  }
0xa1: {  	[tilespmem:s5], [sflag:$0x1] =	stream.indirect.gather [spmem:s2], $0x20, s25, s1, $0xb8;
	[tilespmem:$0x15000] =	vst v63  }
0xa2: {  	_ =	swait.ge [sflag:s13], $0x1000  }
0xa3: {  	[sflag:s13] =	ssyncset.done $0x0  }
0xa4: {  	s25 =	sadd.s32 $0x2880, s23;
	[sflag:s13] =	ssyncadd.s32 $0xFFFFF000  }
0xa5: {  	[spmem:s3] =	stream.indirect.scatter.add.f32 [tilespmem:s6], [sflag:$0x6], $0x20, s25, s1, $0xb8;
	[tilespmem:$0x15000] =	vst v63  }
0xa6: {  	_ =	swait.ge [sflag:s14], $0x1000  }
0xa7: {  	[sflag:s14] =	ssyncset.done $0x0  }
0xa8: {  	s25 =	sadd.s32 $0x280, s23;
	[sflag:s14] =	ssyncadd.s32 $0xFFFFF000  }
0xa9: {  	[tilespmem:s6], [sflag:$0x2] =	stream.indirect.gather [spmem:s2], $0x20, s25, s1, $0xb8;
	[tilespmem:$0x15000] =	vst v63  }
0xaa: {  	_ =	swait.ge [sflag:s16], $0x1000  }
0xab: {  	[sflag:s16] =	ssyncset.done $0x0  }
0xac: {  	s25 =	sadd.s32 $0x2900, s23;
	[sflag:s16] =	ssyncadd.s32 $0xFFFFF000  }
0xad: {  	[spmem:s3] =	stream.indirect.scatter.add.f32 [tilespmem:s8], [sflag:$0x7], $0x20, s25, s1, $0xb8;
	[tilespmem:$0x15000] =	vst v63  }
0xae: {  	_ =	swait.ge [sflag:s17], $0x1000  }
0xaf: {  	[sflag:s17] =	ssyncset.done $0x0  }
0xb0: {  	s25 =	sadd.s32 $0x300, s23;
	[sflag:s17] =	ssyncadd.s32 $0xFFFFF000  }
0xb1: {  	[tilespmem:s8], [sflag:$0x3] =	stream.indirect.gather [spmem:s2], $0x20, s25, s1, $0xb8;
	[tilespmem:$0x15000] =	vst v63  }
0xb2: {  	_ =	swait.ge [sflag:s18], $0x1000  }
0xb3: {  	[sflag:s18] =	ssyncset.done $0x0  }
.Ltmp1:
0xb4: {  	s25 =	sadd.s32 $0x2980, s23;
	[sflag:s18] =	ssyncadd.s32 $0xFFFFF000;
	(pc) =	sbr.rel @p0 .LBB2_4-.Ltmp1, $4  }
0xb5: {  	[spmem:s3] =	stream.indirect.scatter.add.f32 [tilespmem:s9], [sflag:$0x8], $0x20, s25, s1, $0xb8;
	[tilespmem:$0x15000] =	vst v63  }
0xb6: {  	_ =	swait.ge [sflag:s19], $0x1000  }
0xb7: {  	[sflag:s19] =	ssyncset.done $0x0  }
0xb8: {  	s23 =	sadd.s32 $0x380, s23;
	[sflag:s19] =	ssyncadd.s32 $0xFFFFF000  }
0xb9: {  	[tilespmem:s9], [sflag:$0x4] =	stream.indirect.gather [spmem:s2], $0x20, s23, s1, $0xb8;
	[tilespmem:$0x15000] =	vst v63  }
0xba: {  	_ =	swait.ge [sflag:s11], $0x1000  }
0xbb: {  	[sflag:s11] =	ssyncset.done $0x0  }
0xbc: {  	s21 =	simm.s32 $0x4E00;
	[sflag:s11] =	ssyncadd.s32 $0xFFFFF000  }
0xbd: {  	[spmem:s3] =	stream.indirect.scatter.add.f32 [tilespmem:s5], [sflag:$0x5], $0x20, s21, s1, $0xb8;
	[tilespmem:$0x15000] =	vst v63  }
0xbe: {  	_ =	swait.ge [sflag:s13], $0x1000  }
0xbf: {  	[sflag:s13] =	ssyncset.done $0x0  }
0xc0: {  	s23 =	simm.s32 $0x4E80;
	[sflag:s13] =	ssyncadd.s32 $0xFFFFF000  }
0xc1: {  	[spmem:s3] =	stream.indirect.scatter.add.f32 [tilespmem:s6], [sflag:$0x6], $0x20, s23, s1, $0xb8;
	[tilespmem:$0x15000] =	vst v63  }
0xc2: {  	_ =	swait.ge [sflag:s16], $0x1000  }
0xc3: {  	[sflag:s16] =	ssyncset.done $0x0  }
0xc4: {  	s25 =	simm.s32 $0x4F00;
	[sflag:s16] =	ssyncadd.s32 $0xFFFFF000  }
0xc5: {  	[spmem:s3] =	stream.indirect.scatter.add.f32 [tilespmem:s8], [sflag:$0x7], $0x20, s25, s1, $0xb8;
	[tilespmem:$0x15000] =	vst v63  }
0xc6: {  	_ =	swait.ge [sflag:s18], $0x1000  }
0xc7: {  	[sflag:s18] =	ssyncset.done $0x0  }
0xc8: {  	s23 =	simm.s32 $0x4F80;
	[sflag:s18] =	ssyncadd.s32 $0xFFFFF000  }
0xc9: {  	[spmem:s3] =	stream.indirect.scatter.add.f32 [tilespmem:s9], [sflag:$0x8], $0x20, s23, s1, $0xb8;
	[tilespmem:$0x15000] =	vst v63  }
0xca: {  	_ =	swait.ge [sflag:s12], $0x1000  }
0xcb: {  	[sflag:s12] =	ssyncset.done $0x0  }
0xcc: {  	[sflag:s12] =	ssyncadd.s32 $0xFFFFF000  }
0xcd: {  	_ =	swait.ge [sflag:s14], $0x1000  }
0xce: {  	[sflag:s14] =	ssyncset.done $0x0  }
0xcf: {  	[sflag:s14] =	ssyncadd.s32 $0xFFFFF000  }
0xd0: {  	_ =	swait.ge [sflag:s17], $0x1000  }
0xd1: {  	[sflag:s17] =	ssyncset.done $0x0  }
0xd2: {  	[sflag:s17] =	ssyncadd.s32 $0xFFFFF000  }
0xd3: {  	_ =	swait.ge [sflag:s19], $0x1000  }
0xd4: {  	[sflag:s19] =	ssyncset.done $0x0  }
0xd5: {  	s25 =	stileid.u32;
	[sflag:s19] =	ssyncadd.s32 $0xFFFFF000  }
0xd6: {  	s21 =	sshll.u32 s25, $0x6;
	[bflag:$0x0] =	sbarrier.arrive $0xFFFF  }
0xd7: {  	s21 =	sor.u32 $0x1C09, s21;
	s23 =	sshrl.u32 s7, $0x3;
	s25 =	rddreg [dreg:$0xc]  }
0xd8: {  	[hbm:s25@s20], [sflag:s21] =	dma.strided [spmem:s23@s18], $0x200, s11, $0x4   }
0xd9: {  	_ =	swait.ge [sflag:s0], $0x200  }
0xda: {  	[sflag:s0] =	ssyncset.done $0x0  }
0xdb: {  	s23 =	sshrl.u32 s10, $0x3;
	s25 =	rddreg [dreg:$0xd];
	[sflag:s0] =	ssyncadd.s32 $0xFFFFFE00  }
0xdc: {  	[hbm:s25@s20], [sflag:s21] =	dma.strided [spmem:s23@s18], $0x200, s11, $0x4   }
0xdd: {  	_ =	swait.ge [sflag:s0], $0x200  }
0xde: {  	[sflag:s0] =	ssyncset.done $0x0  }
0xdf: {  	s23 =	sshrl.u32 s15, $0x3;
	s25 =	rddreg [dreg:$0xe];
	[sflag:s0] =	ssyncadd.s32 $0xFFFFFE00  }
0xe0: {  	[hbm:s25@s20], [sflag:s21] =	dma.strided [spmem:s23@s18], $0x200, s11, $0x4   }
0xe1: {  	_ =	swait.ge [sflag:s0], $0x200  }
0xe2: {  	[sflag:s0] =	ssyncset.done $0x0  }
0xe3: {  	s23 =	sshrl.u32 s22, $0x3;
	s25 =	rddreg [dreg:$0xf];
	[sflag:s0] =	ssyncadd.s32 $0xFFFFFE00  }
0xe4: {  	[hbm:s25@s20], [sflag:s21] =	dma.strided [spmem:s23@s18], $0x200, s11, $0x4   }
0xe5: {  	s4 =	sadd.s32 $0x1, s4;
	_ =	swait.ge [sflag:s0], $0x200  }
0xe6: {  	p0 =	sne.s32 s4, s29;
	s23 =	sshrl.u32 s24, $0x3;
	[sflag:s0] =	ssyncset.done $0x0  }
.Ltmp2:
0xe7: {  	s25 =	rddreg [dreg:$0x10];
	[sflag:s0] =	ssyncadd.s32 $0xFFFFFE00;
	(pc) =	sbr.rel @p0 .LBB2_1-.Ltmp2, $4  }
0xe8: {  	[hbm:s25@s20], [sflag:s21] =	dma.strided [spmem:s23@s18], $0x200, s11, $0x4   }
0xe9: {  	_ =	swait.ge [sflag:s0], $0x200  }
0xea: {  	[sflag:s0] =	ssyncset.done $0x0  }
0xeb: {  	[sflag:s0] =	ssyncadd.s32 $0xFFFFFE00  }
0xec: {  	_ =	sfence.sel $0x180000  }
0xed: {  	[bflag:$0x0] =	sbarrier.arrive $0xFFFF  }
0xee: {  	_ =	strace $0x9000004A  }
0xef: {  	s0 =	stileid.u32;
	[bflag:$0x2] =	sbarrier.arrive $0xFFFF  }
0xf0: {  	p0 =	sne.s32 s0, $0x0;
	s0 =	rddreg [dreg:$0x3]  }
0xf1: {  	s0 =	sadd.s32 @!p0 $0x100000, s0  }
0xf2: {  	[sflag:s0] =	ssyncadd.tile.s32 @!p0 $0x1;
	_ =	shalt  }
.Lfunc_end2:
_tile_overlayer_lowered:
.L_overlay_start_2:
0xf3: {  	(tag) =	ssettag $0x2  }
0xf4: {  	s0 =	rddreg [dreg:$0x0];
	s2 =	stileid.u32  }
0xf5: {  	s1 =	rddreg [dreg:$0x1];
	p0 =	sne.s32 s2, $0x0  }
0xf6: {  	s3 =	rddreg [dreg:$0x2];
	[bflag:$0x3] =	sbarrier.arrive $0xFFFF;
	s2 =	simm.s32 @!p0 $0x1C09  }
0xf7: {  	[timem:s3], [sflag:s2] =	dma.local @!p0 [hbm:s0], s1  }
0xf8: {  	s0 =	simm.s32 @!p0 $0x9  }
0xf9: {  	_ =	swait.ge @!p0 [sflag:s0], s1  }
0xfa: {  	s1 =	ssub.s32 @!p0 $0x0, s1;
	[sflag:s0] =	ssyncset.done @!p0 $0x0  }
0xfb: {  	[sflag:s0] =	ssyncadd.s32 @!p0 s1  }
0xfc: {  	[bflag:$0x3] =	sbarrier.arrive $0xFFFF  }
0xfd: {  	_ =	shalt  }

// kernel: kernel.14.cloned.1.call-start
scs
__scs_entry_jumppad:
0x0: {  	(pc) =	sbr.rel $0x88, $3  }
0x1: {  	(tag) =	ssettag $0x0;
	lr =	simm.s32 $0x1  }
0x2: {  	[smem:$0x3F99] =	sst lr;
	_ =	strace $0xD0000000  }
0x3: {  	_ = 	snop  }
0x4: {  	_ = 	snop  }
0x5: {  	_ = 	snop  }
0x6: {  	_ = 	snop  }
0x7: {  	_ = 	snop  }
__scs_overlays_trampoline_lowered:
0x8: {  	[smem:$0x3FA8] =	sst s0  }
0x9: {  	[smem:$0x3FA9] =	sst s1  }
0xa: {  	[smem:$0x3FAA] =	sst s2  }
0xb: {  	[smem:$0x3FAB] =	sst s3  }
0xc: {  	[smem:$0x3FAC] =	sst s4  }
0xd: {  	[smem:$0x3FAD] =	sst s5  }
0xe: {  	[smem:$0x3FAE] =	sst s6  }
0xf: {  	[smem:$0x3FAF] =	sst s7  }
0x10: {  	[smem:$0x3FB0] =	sst s8  }
0x11: {  	[smem:$0x3FB1] =	sst s9;
	s0 =	simm.s32 @!p0 $0x0  }
0x12: {  	s1 =	sld [smem:$0x3F97];
	s0 =	simm.s32 @p0 $0x1  }
0x13: {  	[smem:$0x3FB2] =	sst s0;
	s0 =	simm.s32 @!p1 $0x0  }
0x14: {  	s2 =	sld [smem:$0x3F96];
	s0 =	simm.s32 @p1 $0x1  }
0x15: {  	[smem:$0x3FB3] =	sst s0;
	s0 =	simm.s32 @!p2 $0x0  }
0x16: {  	s3 =	sld [smem:$0x3FDB];
	s0 =	simm.s32 @p2 $0x1  }
0x17: {  	s4 =	simm.s32 $0x1BF5;
	[smem:$0x3FB5] =	sst s0  }
0x18: {  	s0 =	sld [smem:$0x3F98];
	_ =	swait.ge [sflag:s4], $0x0  }
0x19: {  	s7 =	sld [smem:$0x3F99]  }
0x1a: {  	s8 =	sadd.s32 $0xFFFFE003, lr  }
0x1b: {  	s9 =	sadd.s32 $0xFFFFFEF7, lr;
	s5 =	simm.s32 $0xFFFFFFFF;
	p2 =	slt.u32 s8, $0xFFFFF086  }
0x1c: {  	p1 =	slt.u32 s9, $0xF7A;
	s5 =	simm.s32 @!p2 $0x0  }
0x1d: {  	s5 =	simm.s32 @p1 $0x1;
	p0 =	seq.s32 s7, s2  }
0x1e: {  	s7 =	smul.u32 @!p0 $0xF7A, s2;
	p2 =	seq.s32 @!p0 s5, $0x0  }
0x1f: {  	s9 =	smul.u32 $0xF7A, s1;
	s8 =	simm.s32 @!p0 $0x1BF5;
	p2 =	por !p2, p0  }
0x20: {  	[sflag:s8] =	ssyncset.s32 @!p0 $0xFFFFF086;
	s6 =	sadd.s32 @!p0 s3, s7;
	s7 =	simm.s32 @!p0 $0x108  }
0x21: {  	s3 =	sadd.s32 s3, s9;
	s6 =	sadd.s32 @!p0 $0x88, s6;
	s7 =	simm.s32 @p2 $0x1082  }
0x22: {  	[simem:s7], [sflag:s8] =	dma.local @!p0 [hbm:s6], $0xF7A  }
0x23: {  	s9 =	sor.u32 $0xD0000000, s2;
	s6 =	simm.s32 $0x108;
	_ =	swait.ge @!p0 [sflag:s8], $0x0  }
0x24: {  	s3 =	sadd.s32 $0x88, s3;
	s6 =	simm.s32 @!p1 $0x1082;
	[sflag:s4] =	ssyncset.s32 $0xFFFFF086  }
0x25: {  	[simem:s6], [sflag:s4] =	dma.local [hbm:s3], $0xF7A  }
0x26: {  	[smem:$0x3F99] =	sst s1;
	(tag) =	ssettag s2;
	_ =	strace s9  }
0x27: {  	s1 =	sld [smem:$0x3FA9]  }
0x28: {  	s2 =	sld [smem:$0x3FAA]  }
0x29: {  	s4 =	sld [smem:$0x3FAC]  }
0x2a: {  	p0 =	seq.s32 s5, $0x0;
	s5 =	sld [smem:$0x3FAD]  }
0x2b: {  	s6 =	sld [smem:$0x3FAE]  }
0x2c: {  	s7 =	sld [smem:$0x3FAF]  }
0x2d: {  	s3 =	simm.s32 $0x108;
	s8 =	sld [smem:$0x3FB0]  }
0x2e: {  	s3 =	simm.s32 @!p0 $0x1082;
	s9 =	sld [smem:$0x3FB1]  }
0x2f: {  	lr =	sadd.s32 s0, s3;
	s0 =	sld [smem:$0x3FA8]  }
0x30: {  	s3 =	sld [smem:$0x3FAB]  }
0x31: {  	[smem:$0x3FB4] =	sst s10  }
0x32: {  	s10 =	sld [smem:$0x3FB2];
	_ =	sdelay $0x3  }
0x33: {  	p0 =	seq.s32 s10, $0x1;
	s10 =	sld [smem:$0x3FB4];
	_ =	sdelay $0x3  }
0x34: {  	[smem:$0x3FB4] =	sst s10  }
0x35: {  	s10 =	sld [smem:$0x3FB3];
	_ =	sdelay $0x3  }
0x36: {  	p1 =	seq.s32 s10, $0x1;
	s10 =	sld [smem:$0x3FB4];
	_ =	sdelay $0x3  }
0x37: {  	[smem:$0x3FB4] =	sst s10  }
0x38: {  	s10 =	sld [smem:$0x3FB5]  }
0x39: {  	_ = 	snop;
	(pc) =	sbr.ind lr, $3  }
0x3a: {  	_ = 	snop  }
0x3b: {  	_ = 	snop  }
0x3c: {  	p2 =	seq.s32 s10, $0x1;
	s10 =	sld [smem:$0x3FB4]  }
0x3d: {  	_ =	shalt  }
0x3e: {  	_ =	shalt  }
0x3f: {  	_ =	shalt  }
0x40: {  	_ =	shalt  }
0x41: {  	_ =	shalt  }
0x42: {  	_ =	shalt  }
0x43: {  	_ =	shalt  }
0x44: {  	_ =	shalt  }
0x45: {  	_ =	shalt  }
0x46: {  	_ =	shalt  }
0x47: {  	_ =	shalt  }
0x48: {  	_ =	shalt  }
0x49: {  	_ =	shalt  }
0x4a: {  	_ =	shalt  }
0x4b: {  	_ =	shalt  }
0x4c: {  	_ =	shalt  }
0x4d: {  	_ =	shalt  }
0x4e: {  	_ =	shalt  }
0x4f: {  	_ =	shalt  }
0x50: {  	_ =	shalt  }
0x51: {  	_ =	shalt  }
0x52: {  	_ =	shalt  }
0x53: {  	_ =	shalt  }
0x54: {  	_ =	shalt  }
0x55: {  	_ =	shalt  }
0x56: {  	_ =	shalt  }
0x57: {  	_ =	shalt  }
0x58: {  	_ =	shalt  }
0x59: {  	_ =	shalt  }
0x5a: {  	_ =	shalt  }
0x5b: {  	_ =	shalt  }
0x5c: {  	_ =	shalt  }
0x5d: {  	_ =	shalt  }
0x5e: {  	_ =	shalt  }
0x5f: {  	_ =	shalt  }
0x60: {  	_ =	shalt  }
0x61: {  	_ =	shalt  }
0x62: {  	_ =	shalt  }
0x63: {  	_ =	shalt  }
0x64: {  	_ =	shalt  }
0x65: {  	_ =	shalt  }
0x66: {  	_ =	shalt  }
0x67: {  	_ =	shalt  }
0x68: {  	_ =	shalt  }
0x69: {  	_ =	shalt  }
0x6a: {  	_ =	shalt  }
0x6b: {  	_ =	shalt  }
0x6c: {  	_ =	shalt  }
0x6d: {  	_ =	shalt  }
0x6e: {  	_ =	shalt  }
0x6f: {  	_ =	shalt  }
0x70: {  	_ =	shalt  }
0x71: {  	_ =	shalt  }
0x72: {  	_ =	shalt  }
0x73: {  	_ =	shalt  }
0x74: {  	_ =	shalt  }
0x75: {  	_ =	shalt  }
0x76: {  	_ =	shalt  }
0x77: {  	_ =	shalt  }
0x78: {  	_ =	shalt  }
0x79: {  	_ =	shalt  }
0x7a: {  	_ =	shalt  }
0x7b: {  	_ =	shalt  }
0x7c: {  	_ =	shalt  }
0x7d: {  	_ =	shalt  }
0x7e: {  	_ =	shalt  }
0x7f: {  	_ =	shalt  }
0x80: {  	_ =	shalt  }
0x81: {  	_ =	shalt  }
0x82: {  	_ =	shalt  }
0x83: {  	_ =	shalt  }
0x84: {  	_ =	shalt  }
0x85: {  	_ =	shalt  }
0x86: {  	_ =	shalt  }
0x87: {  	_ =	shalt  }
.Lfunc_end0:
.L_simem_size_0:
called_computation.2_lowered:
.L_overlay_start_0:
0x88: {  	s2 =	sld [smem:$0x3FD9]  }
0x89: {  	s3 =	sld [smem:$0x3FFE];
	_ =	sdelay $0x1  }
0x8a: {  	s1 =	srdreg.scid  }
0x8b: {  	s0 =	sand.u32 $0x1, s1  }
0x8c: {  	s16 =	sshll.u32 s0, $0xA;
	s2 =	sadd.s32 s3, s2  }
0x8d: {  	s2 =	sadd.s32 s2, s16  }
0x8e: {  	[smem:$0x3FC0] =	sst s2  }
0x8f: {  	_ = 	snop  }
0x90: {  	(tm) =	ssettm $0x1  }
0x91: {  	s17 =	sld [smem:$0x3FFB];
	_ =	sdelay $0x3  }
0x92: {  	_ =	strace s17  }
0x93: {  	s2 =	sld [smem:$0x3FFC];
	_ =	sdelay $0x3  }
0x94: {  	_ =	strace s2  }
0x95: {  	s2 =	sld [smem:$0x3FFD];
	_ =	sdelay $0x3  }
0x96: {  	_ =	strace s2  }
0x97: {  	_ =	strace $0x8FFFFFFF  }
0x98: {  	s18 =	sld [smem:$0x3FDB];
	_ =	sdelay $0x1  }
0x99: {  	s19 =	simm.s32 $_scs_section_size  }
0x9a: {  	s4 =	simm.s32 $_size__tile_overlayer_lowered;
	s5 =	simm.s32 $_tile_overlayer_lowered  }
0x9b: {  	s22 =	simm.s32 $0x1BFF;
	s21 =	sshll.u32 s5, $0x1;
	s2 =	sadd.s32 s19, s18  }
0x9c: {  	s6 =	simm.s32 $0x0;
	s20 =	sshll.u32 s4, $0x1;
	s4 =	sadd.s32 s21, s2  }
0x9d: {  	[timem:s6], [sflag:s22] =	dma.local [hbm:s4], s20  }
0x9e: {  	_ =	swait.ge [sflag:s22], s20  }
0x9f: {  	s3 =	ssub.s32 $0x0, s20;
	[sflag:s22] =	ssyncset.done $0x0  }
0xa0: {  	[sflag:s22] =	ssyncadd.s32 s3;
	_ =	sdelay $0x1  }
0xa1: {  	s23 =	simm.s32 $0x1B8B  }
0xa2: {  	_ =	swait.ge [sflag:s23], $0x1  }
0xa3: {  	[sflag:s23] =	ssyncset.done $0x0  }
0xa4: {  	s25 =	simm.s32 $0x1B8E;
	s24 =	sld [smem:$0x3FFE];
	[sflag:s23] =	ssyncadd.s32 $0xFFFFFFFF  }
0xa5: {  	s26 =	simm.s32 $execute0_lowered;
	[smem:$0x3FD2] =	sst s25  }
0xa6: {  	s4 =	sshll.u32 s26, $0x1;
	_ =	strace $0x8000004C;
	[dreg:$0x1] =	wrdreg $0xFFFFFFFF  }
0xa7: {  	s28 =	simm.s32 $_size_execute0_lowered;
	s2 =	sadd.s32 s2, s4;
	[dreg:$0x0] =	wrdreg $0x0  }
0xa8: {  	s4 =	sshll.u32 s28, $0x1;
	[dreg:$0x2] =	wrdreg s2  }
0xa9: {  	[dreg:$0x3] =	wrdreg s4  }
0xaa: {  	[dreg:$0x4] =	wrdreg $0xC0  }
0xab: {  	_ =	task [dreg:s6], $0x5FFFF  }
0xac: {  	[dreg:$0x1] =	wrdreg $0xFFFFFFFF  }
0xad: {  	[dreg:$0x0] =	wrdreg $0x60  }
0xae: {  	[dreg:$0x2] =	wrdreg s24  }
0xaf: {  	[dreg:$0x3] =	wrdreg $0x100000  }
0xb0: {  	[dreg:$0x4] =	wrdreg $0xB0000  }
0xb1: {  	[dreg:$0x5] =	wrdreg $0x9  }
0xb2: {  	_ =	task.clear_ibuf [dreg:s6], $0x6FFFF;
	_ =	strace $0x9000004C  }
0xb3: {  	s29 =	simm.s32 $0x9;
	_ =	strace $0x8000004E  }
0xb4: {  	_ =	swait.ge [sflag:s29], $0x1  }
0xb5: {  	[sflag:s29] =	ssyncadd.s32 $0xFFFFFFFF  }
0xb6: {  	_ =	strace $0x9000004E  }
0xb7: {  	_ =	sfence  }
0xb8: {  	s30 =	sld [smem:$0x0];
	_ =	sdelay $0x2  }
0xb9: {  	s31 =	sshll.u32 s1, $0xD;
	s1 =	sshrl.u32 s1, $0x2  }
0xba: {  	s3 =	sand.u32 $0x4000, s31;
	s1 =	sadd.s32 s1, s30  }
0xbb: {  	s0 =	sor.u32 s3, s0;
	s1 =	sshll.u32 s1, $0x11  }
0xbc: {  	s0 =	sor.u32 s1, s0  }
0xbd: {  	s0 =	sadd.s32 $0x8F2B, s0  }
0xbe: {  	[sflag:s0] =	ssyncadd.remote.s32 $0x1  }
0xbf: {  	_ =	sfence.sel $0xFFFF  }
0xc0: {  	[dreg:$0x0] =	wrdreg $0xFFFFFFFF;
	(pc) =	sbr.abs _section_cstart, $3  }
0xc1: {  	[dreg:$0x1] =	wrdreg $0xFFFFFFFF  }
0xc2: {  	_ =	task.clear_ibuf [dreg:s6], $0x2FFFF;
	_ =	strace $0x9FFFFFFF  }
0xc3: {  	(tm) =	ssettm $0x7FFFFFFF  }
tec
execute0_lowered:
.L_overlay_start_1:
0x0: {  	(tag) =	ssettag $0x1  }
0x1: {  	s0 =	rddreg [dreg:$0x0];
	s1 =	srdreg.scid  }
0x2: {  	s11 =	stileid.u32;
	s2 =	rddreg [dreg:$0x1]  }
0x3: {  	s3 =	rddreg [dreg:$0x2];
	s30 =	simm.s32 $0x9000;
	s8 =	smul.u32 $0x14000, s11  }
0x4: {  	s1 =	sand.u32 $0x1, s1;
	s4 =	sshll.u32 s11, $0x1;
	s9 =	smul.u32 $0x5000, s11  }
0x5: {  	s31 =	simm.s32 $0x20;
	s11 =	smul.u32 $0x280, s11;
	s5 =	sor.u32 s1, s4  }
0x6: {  	s7 =	ssub.s32 $0x2, s1;
	p0 =	seq.s32 s1, $0x0;
	s1 =	smul.u32 $0x140000, s1  }
0x7: {  	s6 =	sadd.s32 $0x16A00, s0;
	s4 =	simm.s32 $0x0;
	s5 =	smul.u32 $0x2800, s5  }
0x8: {  	[smem:$0x7FF] =	sst s4;
	s10 =	sshrl.u32 s7, $0x1;
	s12 =	sshrl.u32 s8, $0x3  }
0x9: {  	s19 =	sadd.s32 s9, s2;
	s20 =	sadd.s32 $0x80, s11;
	s14 =	sadd.s32 $0x100, s11  }
0xa: {  	s16 =	sadd.s32 $0x180, s11;
	s11 =	sadd.s32 $0x200, s11;
	_ =	strace $0x8000004D  }
0xb: {  	s13 =	ssub.s32 s7, s10;
	s18 =	sadd.s32 s6, s12;
	[dreg:$0x5] =	wrdreg s19  }
0xc: {  	s7 =	sadd.s32 s9, s3;
	s21 =	sshll.u32 s20, $0x7;
	s22 =	sshll.u32 s20, $0x4  }
0xd: {  	s9 =	sshll.u32 s20, $0x5;
	s24 =	sshll.u32 s14, $0x7;
	s15 =	sshll.u32 s14, $0x4  }
0xe: {  	s14 =	sshll.u32 s14, $0x5;
	s25 =	sshll.u32 s16, $0x4;
	s17 =	sshll.u32 s16, $0x7  }
0xf: {  	s26 =	sshll.u32 s11, $0x4;
	s8 =	sadd.s32 s8, s1;
	s19 =	sshll.u32 s16, $0x5  }
0x10: {  	s16 =	simm.s32 $0x3;
	s5 =	sshrl.u32 s5, $0x3;
	[dreg:$0x4] =	wrdreg s18  }
0x11: {  	s10 =	sadd.s32 s6, s22;
	s23 =	sadd.s32 s9, s2;
	s15 =	sadd.s32 s6, s15  }
0x12: {  	s12 =	sadd.s32 s1, s21;
	s17 =	sadd.s32 s1, s17;
	s18 =	sadd.s32 s14, s2  }
0x13: {  	s8 =	sshrl.u32 s8, $0x3;
	s29 =	smax.u32 s13, $0x1;
	[dreg:$0x6] =	wrdreg s10  }
0x14: {  	s13 =	simm.s32 $0x2;
	s5 =	sadd.s32 s5, s0;
	[dreg:$0x7] =	wrdreg s23  }
0x15: {  	s0 =	sadd.s32 $0x3EA00, s0;
	s10 =	sadd.s32 s9, s3;
	[dreg:$0x8] =	wrdreg s15  }
0x16: {  	s15 =	sadd.s32 s6, s25;
	s6 =	sadd.s32 s6, s26;
	s9 =	sadd.s32 s1, s24  }
0x17: {  	[dreg:$0xb] =	wrdreg s18;
	s12 =	sshrl.u32 s12, $0x3;
	s22 =	sshrl.u32 s17, $0x3  }
0x18: {  	s24 =	sadd.s32 s19, s2;
	s17 =	simm.s32 $0x7;
	[dreg:$0x9] =	wrdreg s15  }
0x19: {  	s18 =	simm.s32 $0x4;
	[dreg:$0xa] =	wrdreg s6;
	s15 =	sshll.u32 s11, $0x7  }
0x1a: {  	s11 =	sshll.u32 s11, $0x5;
	s8 =	sadd.s32 s0, s8;
	s20 =	sadd.s32 s0, s12  }
0x1b: {  	s21 =	sshrl.u32 s9, $0x3;
	s23 =	sadd.s32 s0, s22;
	[dreg:$0x11] =	wrdreg s24  }
0x1c: {  	s22 =	sadd.s32 s19, s3;
	s26 =	sadd.s32 $0x2A00, s5;
	s28 =	sadd.s32 $0xCA00, s5  }
0x1d: {  	s5 =	simm.s32 $0x5000;
	s6 =	simm.s32 $0x6000;
	s9 =	simm.s32 $0x8000  }
0x1e: {  	s12 =	simm.s32 $0x5;
	s19 =	simm.s32 $0x8;
	[dreg:$0xc] =	wrdreg s8  }
0x1f: {  	s1 =	sadd.s32 s1, s15;
	s15 =	sadd.s32 s14, s3;
	[dreg:$0xd] =	wrdreg s20  }
0x20: {  	s8 =	sadd.s32 s0, s21;
	[dreg:$0xf] =	wrdreg s23;
	s25 =	sadd.s32 s11, s2  }
0x21: {  	s24 =	sadd.s32 s11, s3;
	[dreg:$0x13] =	wrdreg s26;
	s26 =	simm.s32 $0x9000  }
0x22: {  	s11 =	simm.s32 $0x1;
	s14 =	simm.s32 $0x6;
	[dreg:$0xe] =	wrdreg s8  }
0x23: {  	s20 =	simm.s32 $0x10;
	s1 =	sshrl.u32 s1, $0x3;
	[dreg:$0x12] =	wrdreg s25  }
0x24: {  	s26 =	simm.s32 @!p0 $0xA000;
	s8 =	simm.s32 $0x7000;
	s0 =	sadd.s32 s0, s1  }
0x25: {  	v0 =	vimm.f32 $0.0e+00;
	s1 =	simm.s32 $0x80;
	[dreg:$0x10] =	wrdreg s0;
	s0 =	simm.s32 $0x9  }
.LBB2_1:
0x26: {  	s21 =	simm.s32 $0x80;
	s23 =	simm.s32 $0x0  }
.LBB2_2:
0x27: {  	p0 =	sne.s32 s21, $0x3F80;
	[tilespmem:s23+$0xA000] =	vst v0;
	s25 =	smov.u32 s21;
	s21 =	sadd.s32 $0x80, s21  }
.Ltmp0:
0x28: {  	[tilespmem:s23+$0xA010] =	vst v0;
	(pc) =	sbr.rel @p0 .LBB2_2-.Ltmp0, $2  }
0x29: {  	_ =	sdelay $0x2  }
0x2a: {  	s23 =	sshra.s32 s25, $0x2  }
0x2b: {  	[tilespmem:s23+$0xA000] =	vst v0  }
0x2c: {  	[tilespmem:s23+$0xA010] =	vst v0;
	s21 =	rddreg [dreg:$0x4]  }
0x2d: {  	[tilespmem:s30], [sflag:$0x9] =	stream.strided.gather [hbm4b:s21+s31], $0x1000, s1, s31, $0x38;
	[tilespmem:$0x15000] =	vst v63  }
0x2e: {  	_ =	swait.ge [sflag:s0], $0x1000  }
0x2f: {  	[sflag:s0] =	ssyncset.done $0x0  }
0x30: {  	s23 =	rddreg [dreg:$0x5];
	[sflag:s0] =	ssyncadd.s32 $0xFFFFF000  }
0x31: {  	[spmem:s23] =	stream.linear.scatter [tilespmem:s30], [sflag:$0x9], $0x1000, $0x38;
	[tilespmem:$0x15000] =	vst v63  }
0x32: {  	_ =	swait.ge [sflag:s0], $0x1000  }
0x33: {  	[sflag:s0] =	ssyncset.done $0x0  }
0x34: {  	[sflag:s0] =	ssyncadd.s32 $0xFFFFF000  }
0x35: {  	[spmem:s7] =	stream.linear.scatter [tilespmem:s26], [sflag:$0x9], $0x1000, $0x38;
	[tilespmem:$0x15000] =	vst v63  }
0x36: {  	_ =	swait.ge [sflag:s0], $0x1000  }
0x37: {  	[sflag:s0] =	ssyncset.done $0x0  }
0x38: {  	s25 =	rddreg [dreg:$0x6];
	[sflag:s0] =	ssyncadd.s32 $0xFFFFF000  }
0x39: {  	[tilespmem:s30], [sflag:$0x9] =	stream.strided.gather [hbm4b:s25+s31], $0x1000, s1, s31, $0x38;
	[tilespmem:$0x15000] =	vst v63  }
0x3a: {  	_ =	swait.ge [sflag:s0], $0x1000  }
0x3b: {  	[sflag:s0] =	ssyncset.done $0x0  }
0x3c: {  	s23 =	rddreg [dreg:$0x7];
	[sflag:s0] =	ssyncadd.s32 $0xFFFFF000  }
0x3d: {  	[spmem:s23] =	stream.linear.scatter [tilespmem:s30], [sflag:$0x9], $0x1000, $0x38;
	[tilespmem:$0x15000] =	vst v63  }
0x3e: {  	_ =	swait.ge [sflag:s0], $0x1000  }
0x3f: {  	[sflag:s0] =	ssyncset.done $0x0  }
0x40: {  	[sflag:s0] =	ssyncadd.s32 $0xFFFFF000  }
0x41: {  	[spmem:s10] =	stream.linear.scatter [tilespmem:s26], [sflag:$0x9], $0x1000, $0x38;
	[tilespmem:$0x15000] =	vst v63  }
0x42: {  	_ =	swait.ge [sflag:s0], $0x1000  }
0x43: {  	[sflag:s0] =	ssyncset.done $0x0  }
0x44: {  	s25 =	rddreg [dreg:$0x8];
	[sflag:s0] =	ssyncadd.s32 $0xFFFFF000  }
0x45: {  	[tilespmem:s30], [sflag:$0x9] =	stream.strided.gather [hbm4b:s25+s31], $0x1000, s1, s31, $0x38;
	[tilespmem:$0x15000] =	vst v63  }
0x46: {  	_ =	swait.ge [sflag:s0], $0x1000  }
0x47: {  	[sflag:s0] =	ssyncset.done $0x0  }
0x48: {  	s23 =	rddreg [dreg:$0xb];
	[sflag:s0] =	ssyncadd.s32 $0xFFFFF000  }
0x49: {  	[spmem:s23] =	stream.linear.scatter [tilespmem:s30], [sflag:$0x9], $0x1000, $0x38;
	[tilespmem:$0x15000] =	vst v63  }
0x4a: {  	_ =	swait.ge [sflag:s0], $0x1000  }
0x4b: {  	[sflag:s0] =	ssyncset.done $0x0  }
0x4c: {  	[sflag:s0] =	ssyncadd.s32 $0xFFFFF000  }
0x4d: {  	[spmem:s15] =	stream.linear.scatter [tilespmem:s26], [sflag:$0x9], $0x1000, $0x38;
	[tilespmem:$0x15000] =	vst v63  }
0x4e: {  	_ =	swait.ge [sflag:s0], $0x1000  }
0x4f: {  	[sflag:s0] =	ssyncset.done $0x0  }
0x50: {  	s25 =	rddreg [dreg:$0x9];
	[sflag:s0] =	ssyncadd.s32 $0xFFFFF000  }
0x51: {  	[tilespmem:s30], [sflag:$0x9] =	stream.strided.gather [hbm4b:s25+s31], $0x1000, s1, s31, $0x38;
	[tilespmem:$0x15000] =	vst v63  }
0x52: {  	_ =	swait.ge [sflag:s0], $0x1000  }
0x53: {  	[sflag:s0] =	ssyncset.done $0x0  }
0x54: {  	s23 =	rddreg [dreg:$0x11];
	[sflag:s0] =	ssyncadd.s32 $0xFFFFF000  }
0x55: {  	[spmem:s23] =	stream.linear.scatter [tilespmem:s30], [sflag:$0x9], $0x1000, $0x38;
	[tilespmem:$0x15000] =	vst v63  }
0x56: {  	_ =	swait.ge [sflag:s0], $0x1000  }
0x57: {  	[sflag:s0] =	ssyncset.done $0x0  }
0x58: {  	[sflag:s0] =	ssyncadd.s32 $0xFFFFF000  }
0x59: {  	[spmem:s22] =	stream.linear.scatter [tilespmem:s26], [sflag:$0x9], $0x1000, $0x38;
	[tilespmem:$0x15000] =	vst v63  }
0x5a: {  	_ =	swait.ge [sflag:s0], $0x1000  }
0x5b: {  	[sflag:s0] =	ssyncset.done $0x0  }
0x5c: {  	s25 =	rddreg [dreg:$0xa];
	[sflag:s0] =	ssyncadd.s32 $0xFFFFF000  }
0x5d: {  	[tilespmem:s30], [sflag:$0x9] =	stream.strided.gather [hbm4b:s25+s31], $0x1000, s1, s31, $0x38;
	[tilespmem:$0x15000] =	vst v63  }
0x5e: {  	_ =	swait.ge [sflag:s0], $0x1000  }
0x5f: {  	[sflag:s0] =	ssyncset.done $0x0  }
0x60: {  	s23 =	rddreg [dreg:$0x12];
	[sflag:s0] =	ssyncadd.s32 $0xFFFFF000  }
0x61: {  	[spmem:s23] =	stream.linear.scatter [tilespmem:s30], [sflag:$0x9], $0x1000, $0x38;
	[tilespmem:$0x15000] =	vst v63  }
0x62: {  	_ =	swait.ge [sflag:s0], $0x1000  }
0x63: {  	[sflag:s0] =	ssyncset.done $0x0  }
0x64: {  	[sflag:s0] =	ssyncadd.s32 $0xFFFFF000  }
0x65: {  	[spmem:s24] =	stream.linear.scatter [tilespmem:s26], [sflag:$0x9], $0x1000, $0x38;
	[tilespmem:$0x15000] =	vst v63  }
0x66: {  	_ =	swait.ge [sflag:s0], $0x1000  }
0x67: {  	[sflag:s0] =	ssyncset.done $0x0  }
0x68: {  	s21 =	simm.s32 $0x0;
	s25 =	rddreg [dreg:$0x13];
	[sflag:s0] =	ssyncadd.s32 $0xFFFFF000  }
0x69: {  	[tilespmem:s21], [sflag:$0x9] =	stream.linear.gather [hbm4b:s25+s21], $0x2800, $0x38;
	[tilespmem:$0x15000] =	vst v63  }
0x6a: {  	_ =	swait.ge [sflag:s0], $0x2800  }
0x6b: {  	[sflag:s0] =	ssyncset.done $0x0  }
0x6c: {  	s25 =	simm.s32 $0x2800;
	[sflag:s0] =	ssyncadd.s32 $0xFFFFD800  }
0x6d: {  	[tilespmem:s25], [sflag:$0x9] =	stream.linear.gather [hbm4b:s28+s21], $0x2800, $0x38;
	[tilespmem:$0x15000] =	vst v63  }
0x6e: {  	_ =	swait.ge [sflag:s0], $0x2800  }
0x6f: {  	[sflag:s0] =	ssyncset.done $0x0  }
0x70: {  	[sflag:s0] =	ssyncadd.s32 $0xFFFFD800  }
0x71: {  	[bflag:$0x0] =	sbarrier.arrive $0xFFFF  }
0x72: {  	[tilespmem:s5], [sflag:$0x1] =	stream.indirect.gather [spmem:s2], $0x20, s21, s1, $0xb8;
	[tilespmem:$0x15000] =	vst v63  }
0x73: {  	_ = 	snop  }
0x74: {  	[tilespmem:s6], [sflag:$0x2] =	stream.indirect.gather [spmem:s2], $0x20, s1, s1, $0xb8;
	[tilespmem:$0x15000] =	vst v63  }
0x75: {  	s25 =	simm.s32 $0x100  }
0x76: {  	[tilespmem:s8], [sflag:$0x3] =	stream.indirect.gather [spmem:s2], $0x20, s25, s1, $0xb8;
	[tilespmem:$0x15000] =	vst v63  }
0x77: {  	s23 =	simm.s32 $0x180  }
0x78: {  	[tilespmem:s9], [sflag:$0x4] =	stream.indirect.gather [spmem:s2], $0x20, s23, s1, $0xb8;
	[tilespmem:$0x15000] =	vst v63  }
0x79: {  	_ =	swait.ge [sflag:s11], $0x1000  }
0x7a: {  	[sflag:s11] =	ssyncset.done $0x0  }
0x7b: {  	s25 =	simm.s32 $0x2800;
	[sflag:s11] =	ssyncadd.s32 $0xFFFFF000  }
0x7c: {  	[spmem:s3] =	stream.indirect.scatter.add.f32 [tilespmem:s5], [sflag:$0x5], $0x20, s25, s1, $0xb8;
	[tilespmem:$0x15000] =	vst v63  }
0x7d: {  	_ =	swait.ge [sflag:s12], $0x1000  }
0x7e: {  	[sflag:s12] =	ssyncset.done $0x0  }
0x7f: {  	s23 =	simm.s32 $0x200;
	[sflag:s12] =	ssyncadd.s32 $0xFFFFF000  }
0x80: {  	[tilespmem:s5], [sflag:$0x1] =	stream.indirect.gather [spmem:s2], $0x20, s23, s1, $0xb8;
	[tilespmem:$0x15000] =	vst v63  }
0x81: {  	_ =	swait.ge [sflag:s13], $0x1000  }
0x82: {  	[sflag:s13] =	ssyncset.done $0x0  }
0x83: {  	s25 =	simm.s32 $0x2880;
	[sflag:s13] =	ssyncadd.s32 $0xFFFFF000  }
0x84: {  	[spmem:s3] =	stream.indirect.scatter.add.f32 [tilespmem:s6], [sflag:$0x6], $0x20, s25, s1, $0xb8;
	[tilespmem:$0x15000] =	vst v63  }
0x85: {  	_ =	swait.ge [sflag:s14], $0x1000  }
0x86: {  	[sflag:s14] =	ssyncset.done $0x0  }
0x87: {  	s23 =	simm.s32 $0x280;
	[sflag:s14] =	ssyncadd.s32 $0xFFFFF000  }
0x88: {  	[tilespmem:s6], [sflag:$0x2] =	stream.indirect.gather [spmem:s2], $0x20, s23, s1, $0xb8;
	[tilespmem:$0x15000] =	vst v63  }
0x89: {  	_ =	swait.ge [sflag:s16], $0x1000  }
0x8a: {  	[sflag:s16] =	ssyncset.done $0x0  }
0x8b: {  	s25 =	simm.s32 $0x2900;
	[sflag:s16] =	ssyncadd.s32 $0xFFFFF000  }
0x8c: {  	[spmem:s3] =	stream.indirect.scatter.add.f32 [tilespmem:s8], [sflag:$0x7], $0x20, s25, s1, $0xb8;
	[tilespmem:$0x15000] =	vst v63  }
0x8d: {  	_ =	swait.ge [sflag:s17], $0x1000  }
0x8e: {  	[sflag:s17] =	ssyncset.done $0x0  }
0x8f: {  	s23 =	simm.s32 $0x300;
	[sflag:s17] =	ssyncadd.s32 $0xFFFFF000  }
0x90: {  	[tilespmem:s8], [sflag:$0x3] =	stream.indirect.gather [spmem:s2], $0x20, s23, s1, $0xb8;
	[tilespmem:$0x15000] =	vst v63  }
0x91: {  	_ =	swait.ge [sflag:s18], $0x1000  }
0x92: {  	[sflag:s18] =	ssyncset.done $0x0  }
0x93: {  	s25 =	simm.s32 $0x2980;
	[sflag:s18] =	ssyncadd.s32 $0xFFFFF000  }
0x94: {  	[spmem:s3] =	stream.indirect.scatter.add.f32 [tilespmem:s9], [sflag:$0x8], $0x20, s25, s1, $0xb8;
	[tilespmem:$0x15000] =	vst v63  }
0x95: {  	_ =	swait.ge [sflag:s19], $0x1000  }
0x96: {  	[sflag:s19] =	ssyncset.done $0x0  }
0x97: {  	s21 =	simm.s32 $0x800;
	s23 =	simm.s32 $0x380;
	[sflag:s19] =	ssyncadd.s32 $0xFFFFF000  }
.LBB2_4:
0x98: {  	[tilespmem:s9], [sflag:$0x4] =	stream.indirect.gather [spmem:s2], $0x20, s23, s1, $0xb8;
	[tilespmem:$0x15000] =	vst v63  }
0x99: {  	s23 =	smov.u32 s21  }
0x9a: {  	p0 =	sne.s32 s21, $0x9000;
	s21 =	sadd.s32 $0x800, s21;
	_ =	swait.ge [sflag:s11], $0x1000  }
0x9b: {  	s23 =	sshra.s32 s23, $0x2;
	[sflag:s11] =	ssyncset.done $0x0  }
0x9c: {  	s25 =	sadd.s32 $0x2800, s23;
	[sflag:s11] =	ssyncadd.s32 $0xFFFFF000  }
0x9d: {  	[spmem:s3] =	stream.indirect.scatter.add.f32 [tilespmem:s5], [sflag:$0x5], $0x20, s25, s1, $0xb8;
	[tilespmem:$0x15000] =	vst v63  }
0x9e: {  	_ =	swait.ge [sflag:s12], $0x1000  }
0x9f: {  	[sflag:s12] =	ssyncset.done $0x0  }
0xa0: {  	s25 =	sadd.s32 $0x200, s23;
	[sflag:s12] =	ssyncadd.s32 $0xFFFFF000  }
0xa1: {  	[tilespmem:s5], [sflag:$0x1] =	stream.indirect.gather [spmem:s2], $0x20, s25, s1, $0xb8;
	[tilespmem:$0x15000] =	vst v63  }
0xa2: {  	_ =	swait.ge [sflag:s13], $0x1000  }
0xa3: {  	[sflag:s13] =	ssyncset.done $0x0  }
0xa4: {  	s25 =	sadd.s32 $0x2880, s23;
	[sflag:s13] =	ssyncadd.s32 $0xFFFFF000  }
0xa5: {  	[spmem:s3] =	stream.indirect.scatter.add.f32 [tilespmem:s6], [sflag:$0x6], $0x20, s25, s1, $0xb8;
	[tilespmem:$0x15000] =	vst v63  }
0xa6: {  	_ =	swait.ge [sflag:s14], $0x1000  }
0xa7: {  	[sflag:s14] =	ssyncset.done $0x0  }
0xa8: {  	s25 =	sadd.s32 $0x280, s23;
	[sflag:s14] =	ssyncadd.s32 $0xFFFFF000  }
0xa9: {  	[tilespmem:s6], [sflag:$0x2] =	stream.indirect.gather [spmem:s2], $0x20, s25, s1, $0xb8;
	[tilespmem:$0x15000] =	vst v63  }
0xaa: {  	_ =	swait.ge [sflag:s16], $0x1000  }
0xab: {  	[sflag:s16] =	ssyncset.done $0x0  }
0xac: {  	s25 =	sadd.s32 $0x2900, s23;
	[sflag:s16] =	ssyncadd.s32 $0xFFFFF000  }
0xad: {  	[spmem:s3] =	stream.indirect.scatter.add.f32 [tilespmem:s8], [sflag:$0x7], $0x20, s25, s1, $0xb8;
	[tilespmem:$0x15000] =	vst v63  }
0xae: {  	_ =	swait.ge [sflag:s17], $0x1000  }
0xaf: {  	[sflag:s17] =	ssyncset.done $0x0  }
0xb0: {  	s25 =	sadd.s32 $0x300, s23;
	[sflag:s17] =	ssyncadd.s32 $0xFFFFF000  }
0xb1: {  	[tilespmem:s8], [sflag:$0x3] =	stream.indirect.gather [spmem:s2], $0x20, s25, s1, $0xb8;
	[tilespmem:$0x15000] =	vst v63  }
0xb2: {  	_ =	swait.ge [sflag:s18], $0x1000  }
0xb3: {  	[sflag:s18] =	ssyncset.done $0x0  }
.Ltmp1:
0xb4: {  	s25 =	sadd.s32 $0x2980, s23;
	[sflag:s18] =	ssyncadd.s32 $0xFFFFF000;
	(pc) =	sbr.rel @p0 .LBB2_4-.Ltmp1, $4  }
0xb5: {  	[spmem:s3] =	stream.indirect.scatter.add.f32 [tilespmem:s9], [sflag:$0x8], $0x20, s25, s1, $0xb8;
	[tilespmem:$0x15000] =	vst v63  }
0xb6: {  	_ =	swait.ge [sflag:s19], $0x1000  }
0xb7: {  	[sflag:s19] =	ssyncset.done $0x0  }
0xb8: {  	s23 =	sadd.s32 $0x380, s23;
	[sflag:s19] =	ssyncadd.s32 $0xFFFFF000  }
0xb9: {  	[tilespmem:s9], [sflag:$0x4] =	stream.indirect.gather [spmem:s2], $0x20, s23, s1, $0xb8;
	[tilespmem:$0x15000] =	vst v63  }
0xba: {  	_ =	swait.ge [sflag:s11], $0x1000  }
0xbb: {  	[sflag:s11] =	ssyncset.done $0x0  }
0xbc: {  	s21 =	simm.s32 $0x4E00;
	[sflag:s11] =	ssyncadd.s32 $0xFFFFF000  }
0xbd: {  	[spmem:s3] =	stream.indirect.scatter.add.f32 [tilespmem:s5], [sflag:$0x5], $0x20, s21, s1, $0xb8;
	[tilespmem:$0x15000] =	vst v63  }
0xbe: {  	_ =	swait.ge [sflag:s13], $0x1000  }
0xbf: {  	[sflag:s13] =	ssyncset.done $0x0  }
0xc0: {  	s23 =	simm.s32 $0x4E80;
	[sflag:s13] =	ssyncadd.s32 $0xFFFFF000  }
0xc1: {  	[spmem:s3] =	stream.indirect.scatter.add.f32 [tilespmem:s6], [sflag:$0x6], $0x20, s23, s1, $0xb8;
	[tilespmem:$0x15000] =	vst v63  }
0xc2: {  	_ =	swait.ge [sflag:s16], $0x1000  }
0xc3: {  	[sflag:s16] =	ssyncset.done $0x0  }
0xc4: {  	s25 =	simm.s32 $0x4F00;
	[sflag:s16] =	ssyncadd.s32 $0xFFFFF000  }
0xc5: {  	[spmem:s3] =	stream.indirect.scatter.add.f32 [tilespmem:s8], [sflag:$0x7], $0x20, s25, s1, $0xb8;
	[tilespmem:$0x15000] =	vst v63  }
0xc6: {  	_ =	swait.ge [sflag:s18], $0x1000  }
0xc7: {  	[sflag:s18] =	ssyncset.done $0x0  }
0xc8: {  	s23 =	simm.s32 $0x4F80;
	[sflag:s18] =	ssyncadd.s32 $0xFFFFF000  }
0xc9: {  	[spmem:s3] =	stream.indirect.scatter.add.f32 [tilespmem:s9], [sflag:$0x8], $0x20, s23, s1, $0xb8;
	[tilespmem:$0x15000] =	vst v63  }
0xca: {  	_ =	swait.ge [sflag:s12], $0x1000  }
0xcb: {  	[sflag:s12] =	ssyncset.done $0x0  }
0xcc: {  	[sflag:s12] =	ssyncadd.s32 $0xFFFFF000  }
0xcd: {  	_ =	swait.ge [sflag:s14], $0x1000  }
0xce: {  	[sflag:s14] =	ssyncset.done $0x0  }
0xcf: {  	[sflag:s14] =	ssyncadd.s32 $0xFFFFF000  }
0xd0: {  	_ =	swait.ge [sflag:s17], $0x1000  }
0xd1: {  	[sflag:s17] =	ssyncset.done $0x0  }
0xd2: {  	[sflag:s17] =	ssyncadd.s32 $0xFFFFF000  }
0xd3: {  	_ =	swait.ge [sflag:s19], $0x1000  }
0xd4: {  	[sflag:s19] =	ssyncset.done $0x0  }
0xd5: {  	s25 =	stileid.u32;
	[sflag:s19] =	ssyncadd.s32 $0xFFFFF000  }
0xd6: {  	s21 =	sshll.u32 s25, $0x6;
	[bflag:$0x0] =	sbarrier.arrive $0xFFFF  }
0xd7: {  	s21 =	sor.u32 $0x1C09, s21;
	s23 =	sshrl.u32 s7, $0x3;
	s25 =	rddreg [dreg:$0xc]  }
0xd8: {  	[hbm:s25@s20], [sflag:s21] =	dma.strided [spmem:s23@s18], $0x200, s11, $0x4   }
0xd9: {  	_ =	swait.ge [sflag:s0], $0x200  }
0xda: {  	[sflag:s0] =	ssyncset.done $0x0  }
0xdb: {  	s23 =	sshrl.u32 s10, $0x3;
	s25 =	rddreg [dreg:$0xd];
	[sflag:s0] =	ssyncadd.s32 $0xFFFFFE00  }
0xdc: {  	[hbm:s25@s20], [sflag:s21] =	dma.strided [spmem:s23@s18], $0x200, s11, $0x4   }
0xdd: {  	_ =	swait.ge [sflag:s0], $0x200  }
0xde: {  	[sflag:s0] =	ssyncset.done $0x0  }
0xdf: {  	s23 =	sshrl.u32 s15, $0x3;
	s25 =	rddreg [dreg:$0xe];
	[sflag:s0] =	ssyncadd.s32 $0xFFFFFE00  }
0xe0: {  	[hbm:s25@s20], [sflag:s21] =	dma.strided [spmem:s23@s18], $0x200, s11, $0x4   }
0xe1: {  	_ =	swait.ge [sflag:s0], $0x200  }
0xe2: {  	[sflag:s0] =	ssyncset.done $0x0  }
0xe3: {  	s23 =	sshrl.u32 s22, $0x3;
	s25 =	rddreg [dreg:$0xf];
	[sflag:s0] =	ssyncadd.s32 $0xFFFFFE00  }
0xe4: {  	[hbm:s25@s20], [sflag:s21] =	dma.strided [spmem:s23@s18], $0x200, s11, $0x4   }
0xe5: {  	s4 =	sadd.s32 $0x1, s4;
	_ =	swait.ge [sflag:s0], $0x200  }
0xe6: {  	p0 =	sne.s32 s4, s29;
	s23 =	sshrl.u32 s24, $0x3;
	[sflag:s0] =	ssyncset.done $0x0  }
.Ltmp2:
0xe7: {  	s25 =	rddreg [dreg:$0x10];
	[sflag:s0] =	ssyncadd.s32 $0xFFFFFE00;
	(pc) =	sbr.rel @p0 .LBB2_1-.Ltmp2, $4  }
0xe8: {  	[hbm:s25@s20], [sflag:s21] =	dma.strided [spmem:s23@s18], $0x200, s11, $0x4   }
0xe9: {  	_ =	swait.ge [sflag:s0], $0x200  }
0xea: {  	[sflag:s0] =	ssyncset.done $0x0  }
0xeb: {  	[sflag:s0] =	ssyncadd.s32 $0xFFFFFE00  }
0xec: {  	_ =	sfence.sel $0x180000  }
0xed: {  	[bflag:$0x0] =	sbarrier.arrive $0xFFFF  }
0xee: {  	_ =	strace $0x9000004D  }
0xef: {  	s0 =	stileid.u32;
	[bflag:$0x2] =	sbarrier.arrive $0xFFFF  }
0xf0: {  	p0 =	sne.s32 s0, $0x0;
	s0 =	rddreg [dreg:$0x3]  }
0xf1: {  	s0 =	sadd.s32 @!p0 $0x100000, s0  }
0xf2: {  	[sflag:s0] =	ssyncadd.tile.s32 @!p0 $0x1;
	_ =	shalt  }
.Lfunc_end2:
_tile_overlayer_lowered:
.L_overlay_start_2:
0xf3: {  	(tag) =	ssettag $0x2  }
0xf4: {  	s0 =	rddreg [dreg:$0x0];
	s2 =	stileid.u32  }
0xf5: {  	s1 =	rddreg [dreg:$0x1];
	p0 =	sne.s32 s2, $0x0  }
0xf6: {  	s3 =	rddreg [dreg:$0x2];
	[bflag:$0x3] =	sbarrier.arrive $0xFFFF;
	s2 =	simm.s32 @!p0 $0x1C09  }
0xf7: {  	[timem:s3], [sflag:s2] =	dma.local @!p0 [hbm:s0], s1  }
0xf8: {  	s0 =	simm.s32 @!p0 $0x9  }
0xf9: {  	_ =	swait.ge @!p0 [sflag:s0], s1  }
0xfa: {  	s1 =	ssub.s32 @!p0 $0x0, s1;
	[sflag:s0] =	ssyncset.done @!p0 $0x0  }
0xfb: {  	[sflag:s0] =	ssyncadd.s32 @!p0 s1  }
0xfc: {  	[bflag:$0x3] =	sbarrier.arrive $0xFFFF  }
0xfd: {  	_ =	shalt  }

// kernel: kernel.8.cloned.1.call-start
scs
__scs_entry_jumppad:
0x0: {  	(pc) =	sbr.rel $0x88, $3  }
0x1: {  	(tag) =	ssettag $0x0;
	lr =	simm.s32 $0x1  }
0x2: {  	[smem:$0x3F99] =	sst lr;
	_ =	strace $0xD0000000  }
0x3: {  	_ = 	snop  }
0x4: {  	_ = 	snop  }
0x5: {  	_ = 	snop  }
0x6: {  	_ = 	snop  }
0x7: {  	_ = 	snop  }
__scs_overlays_trampoline_lowered:
0x8: {  	[smem:$0x3FA8] =	sst s0  }
0x9: {  	[smem:$0x3FA9] =	sst s1  }
0xa: {  	[smem:$0x3FAA] =	sst s2  }
0xb: {  	[smem:$0x3FAB] =	sst s3  }
0xc: {  	[smem:$0x3FAC] =	sst s4  }
0xd: {  	[smem:$0x3FAD] =	sst s5  }
0xe: {  	[smem:$0x3FAE] =	sst s6  }
0xf: {  	[smem:$0x3FAF] =	sst s7  }
0x10: {  	[smem:$0x3FB0] =	sst s8  }
0x11: {  	[smem:$0x3FB1] =	sst s9;
	s0 =	simm.s32 @!p0 $0x0  }
0x12: {  	s1 =	sld [smem:$0x3F97];
	s0 =	simm.s32 @p0 $0x1  }
0x13: {  	[smem:$0x3FB2] =	sst s0;
	s0 =	simm.s32 @!p1 $0x0  }
0x14: {  	s2 =	sld [smem:$0x3F96];
	s0 =	simm.s32 @p1 $0x1  }
0x15: {  	[smem:$0x3FB3] =	sst s0;
	s0 =	simm.s32 @!p2 $0x0  }
0x16: {  	s3 =	sld [smem:$0x3FDB];
	s0 =	simm.s32 @p2 $0x1  }
0x17: {  	s4 =	simm.s32 $0x1BF5;
	[smem:$0x3FB5] =	sst s0  }
0x18: {  	s0 =	sld [smem:$0x3F98];
	_ =	swait.ge [sflag:s4], $0x0  }
0x19: {  	s7 =	sld [smem:$0x3F99]  }
0x1a: {  	s8 =	sadd.s32 $0xFFFFE003, lr  }
0x1b: {  	s9 =	sadd.s32 $0xFFFFFEF7, lr;
	s5 =	simm.s32 $0xFFFFFFFF;
	p2 =	slt.u32 s8, $0xFFFFF086  }
0x1c: {  	p1 =	slt.u32 s9, $0xF7A;
	s5 =	simm.s32 @!p2 $0x0  }
0x1d: {  	s5 =	simm.s32 @p1 $0x1;
	p0 =	seq.s32 s7, s2  }
0x1e: {  	s7 =	smul.u32 @!p0 $0xF7A, s2;
	p2 =	seq.s32 @!p0 s5, $0x0  }
0x1f: {  	s9 =	smul.u32 $0xF7A, s1;
	s8 =	simm.s32 @!p0 $0x1BF5;
	p2 =	por !p2, p0  }
0x20: {  	[sflag:s8] =	ssyncset.s32 @!p0 $0xFFFFF086;
	s6 =	sadd.s32 @!p0 s3, s7;
	s7 =	simm.s32 @!p0 $0x108  }
0x21: {  	s3 =	sadd.s32 s3, s9;
	s6 =	sadd.s32 @!p0 $0x88, s6;
	s7 =	simm.s32 @p2 $0x1082  }
0x22: {  	[simem:s7], [sflag:s8] =	dma.local @!p0 [hbm:s6], $0xF7A  }
0x23: {  	s9 =	sor.u32 $0xD0000000, s2;
	s6 =	simm.s32 $0x108;
	_ =	swait.ge @!p0 [sflag:s8], $0x0  }
0x24: {  	s3 =	sadd.s32 $0x88, s3;
	s6 =	simm.s32 @!p1 $0x1082;
	[sflag:s4] =	ssyncset.s32 $0xFFFFF086  }
0x25: {  	[simem:s6], [sflag:s4] =	dma.local [hbm:s3], $0xF7A  }
0x26: {  	[smem:$0x3F99] =	sst s1;
	(tag) =	ssettag s2;
	_ =	strace s9  }
0x27: {  	s1 =	sld [smem:$0x3FA9]  }
0x28: {  	s2 =	sld [smem:$0x3FAA]  }
0x29: {  	s4 =	sld [smem:$0x3FAC]  }
0x2a: {  	p0 =	seq.s32 s5, $0x0;
	s5 =	sld [smem:$0x3FAD]  }
0x2b: {  	s6 =	sld [smem:$0x3FAE]  }
0x2c: {  	s7 =	sld [smem:$0x3FAF]  }
0x2d: {  	s3 =	simm.s32 $0x108;
	s8 =	sld [smem:$0x3FB0]  }
0x2e: {  	s3 =	simm.s32 @!p0 $0x1082;
	s9 =	sld [smem:$0x3FB1]  }
0x2f: {  	lr =	sadd.s32 s0, s3;
	s0 =	sld [smem:$0x3FA8]  }
0x30: {  	s3 =	sld [smem:$0x3FAB]  }
0x31: {  	[smem:$0x3FB4] =	sst s10  }
0x32: {  	s10 =	sld [smem:$0x3FB2];
	_ =	sdelay $0x3  }
0x33: {  	p0 =	seq.s32 s10, $0x1;
	s10 =	sld [smem:$0x3FB4];
	_ =	sdelay $0x3  }
0x34: {  	[smem:$0x3FB4] =	sst s10  }
0x35: {  	s10 =	sld [smem:$0x3FB3];
	_ =	sdelay $0x3  }
0x36: {  	p1 =	seq.s32 s10, $0x1;
	s10 =	sld [smem:$0x3FB4];
	_ =	sdelay $0x3  }
0x37: {  	[smem:$0x3FB4] =	sst s10  }
0x38: {  	s10 =	sld [smem:$0x3FB5]  }
0x39: {  	_ = 	snop;
	(pc) =	sbr.ind lr, $3  }
0x3a: {  	_ = 	snop  }
0x3b: {  	_ = 	snop  }
0x3c: {  	p2 =	seq.s32 s10, $0x1;
	s10 =	sld [smem:$0x3FB4]  }
0x3d: {  	_ =	shalt  }
0x3e: {  	_ =	shalt  }
0x3f: {  	_ =	shalt  }
0x40: {  	_ =	shalt  }
0x41: {  	_ =	shalt  }
0x42: {  	_ =	shalt  }
0x43: {  	_ =	shalt  }
0x44: {  	_ =	shalt  }
0x45: {  	_ =	shalt  }
0x46: {  	_ =	shalt  }
0x47: {  	_ =	shalt  }
0x48: {  	_ =	shalt  }
0x49: {  	_ =	shalt  }
0x4a: {  	_ =	shalt  }
0x4b: {  	_ =	shalt  }
0x4c: {  	_ =	shalt  }
0x4d: {  	_ =	shalt  }
0x4e: {  	_ =	shalt  }
0x4f: {  	_ =	shalt  }
0x50: {  	_ =	shalt  }
0x51: {  	_ =	shalt  }
0x52: {  	_ =	shalt  }
0x53: {  	_ =	shalt  }
0x54: {  	_ =	shalt  }
0x55: {  	_ =	shalt  }
0x56: {  	_ =	shalt  }
0x57: {  	_ =	shalt  }
0x58: {  	_ =	shalt  }
0x59: {  	_ =	shalt  }
0x5a: {  	_ =	shalt  }
0x5b: {  	_ =	shalt  }
0x5c: {  	_ =	shalt  }
0x5d: {  	_ =	shalt  }
0x5e: {  	_ =	shalt  }
0x5f: {  	_ =	shalt  }
0x60: {  	_ =	shalt  }
0x61: {  	_ =	shalt  }
0x62: {  	_ =	shalt  }
0x63: {  	_ =	shalt  }
0x64: {  	_ =	shalt  }
0x65: {  	_ =	shalt  }
0x66: {  	_ =	shalt  }
0x67: {  	_ =	shalt  }
0x68: {  	_ =	shalt  }
0x69: {  	_ =	shalt  }
0x6a: {  	_ =	shalt  }
0x6b: {  	_ =	shalt  }
0x6c: {  	_ =	shalt  }
0x6d: {  	_ =	shalt  }
0x6e: {  	_ =	shalt  }
0x6f: {  	_ =	shalt  }
0x70: {  	_ =	shalt  }
0x71: {  	_ =	shalt  }
0x72: {  	_ =	shalt  }
0x73: {  	_ =	shalt  }
0x74: {  	_ =	shalt  }
0x75: {  	_ =	shalt  }
0x76: {  	_ =	shalt  }
0x77: {  	_ =	shalt  }
0x78: {  	_ =	shalt  }
0x79: {  	_ =	shalt  }
0x7a: {  	_ =	shalt  }
0x7b: {  	_ =	shalt  }
0x7c: {  	_ =	shalt  }
0x7d: {  	_ =	shalt  }
0x7e: {  	_ =	shalt  }
0x7f: {  	_ =	shalt  }
0x80: {  	_ =	shalt  }
0x81: {  	_ =	shalt  }
0x82: {  	_ =	shalt  }
0x83: {  	_ =	shalt  }
0x84: {  	_ =	shalt  }
0x85: {  	_ =	shalt  }
0x86: {  	_ =	shalt  }
0x87: {  	_ =	shalt  }
.Lfunc_end0:
.L_simem_size_0:
called_computation_lowered:
.L_overlay_start_0:
0x88: {  	s2 =	sld [smem:$0x3FD9]  }
0x89: {  	s3 =	sld [smem:$0x3FFE];
	_ =	sdelay $0x1  }
0x8a: {  	s1 =	srdreg.scid  }
0x8b: {  	s0 =	sand.u32 $0x1, s1  }
0x8c: {  	s17 =	sshll.u32 s0, $0xA;
	s2 =	sadd.s32 s3, s2  }
0x8d: {  	s2 =	sadd.s32 s2, s17  }
0x8e: {  	[smem:$0x3FC0] =	sst s2  }
0x8f: {  	_ = 	snop  }
0x90: {  	s2 =	sld [smem:$0x3FD0];
	(tm) =	ssettm $0x1  }
0x91: {  	s18 =	sld [smem:$0x3FFB];
	_ =	sdelay $0x3  }
0x92: {  	_ =	strace s18  }
0x93: {  	s3 =	sld [smem:$0x3FFC];
	_ =	sdelay $0x3  }
0x94: {  	_ =	strace s3  }
0x95: {  	s3 =	sld [smem:$0x3FFD];
	_ =	sdelay $0x3  }
0x96: {  	_ =	strace s3  }
0x97: {  	_ =	strace $0x8FFFFFFF  }
0x98: {  	s19 =	sld [smem:$0x3FDB];
	_ =	sdelay $0x1  }
0x99: {  	s4 =	simm.s32 $_scs_section_size  }
0x9a: {  	s5 =	simm.s32 $_size__tile_overlayer_lowered;
	s6 =	simm.s32 $_tile_overlayer_lowered  }
0x9b: {  	s22 =	simm.s32 $0x1BFF;
	s21 =	sshll.u32 s6, $0x1;
	s3 =	sadd.s32 s4, s19  }
0x9c: {  	s7 =	simm.s32 $0x0;
	s20 =	sshll.u32 s5, $0x1;
	s5 =	sadd.s32 s21, s3  }
0x9d: {  	[timem:s7], [sflag:s22] =	dma.local [hbm:s5], s20  }
0x9e: {  	_ =	swait.ge [sflag:s22], s20  }
0x9f: {  	s4 =	ssub.s32 $0x0, s20;
	[sflag:s22] =	ssyncset.done $0x0  }
0xa0: {  	[sflag:s22] =	ssyncadd.s32 s4;
	_ =	sdelay $0x1  }
0xa1: {  	s23 =	simm.s32 $0x1B8B  }
0xa2: {  	_ =	swait.ge [sflag:s23], $0x1  }
0xa3: {  	[sflag:s23] =	ssyncset.done $0x0  }
0xa4: {  	s25 =	simm.s32 $0x1B8E;
	s24 =	sld [smem:$0x3FFE];
	[sflag:s23] =	ssyncadd.s32 $0xFFFFFFFF  }
0xa5: {  	s26 =	simm.s32 $execute0_lowered;
	[smem:$0x3FD2] =	sst s25  }
0xa6: {  	s5 =	sshll.u32 s26, $0x1;
	_ =	strace $0x80000046;
	[dreg:$0x1] =	wrdreg $0xFFFFFFFF  }
0xa7: {  	s28 =	simm.s32 $_size_execute0_lowered;
	s3 =	sadd.s32 s3, s5;
	[dreg:$0x0] =	wrdreg $0x0  }
0xa8: {  	s5 =	sshll.u32 s28, $0x1;
	[dreg:$0x2] =	wrdreg s3  }
0xa9: {  	[dreg:$0x3] =	wrdreg s5  }
0xaa: {  	[dreg:$0x4] =	wrdreg $0xC0  }
0xab: {  	_ =	task [dreg:s7], $0x5FFFF  }
0xac: {  	[dreg:$0x1] =	wrdreg $0xFFFFFFFF  }
0xad: {  	[dreg:$0x0] =	wrdreg $0x60  }
0xae: {  	[dreg:$0x2] =	wrdreg s24  }
0xaf: {  	[dreg:$0x3] =	wrdreg s2  }
0xb0: {  	[dreg:$0x4] =	wrdreg $0x2C000  }
0xb1: {  	[dreg:$0x5] =	wrdreg $0x9  }
0xb2: {  	_ =	task.clear_ibuf [dreg:s7], $0x6FFFF;
	_ =	strace $0x90000046  }
0xb3: {  	s29 =	simm.s32 $0x9;
	_ =	strace $0x80000048  }
0xb4: {  	_ =	swait.ge [sflag:s29], $0x1  }
0xb5: {  	[sflag:s29] =	ssyncadd.s32 $0xFFFFFFFF  }
0xb6: {  	_ =	strace $0x90000048  }
0xb7: {  	_ =	sfence  }
0xb8: {  	s30 =	sld [smem:$0x0];
	_ =	sdelay $0x2  }
0xb9: {  	s31 =	sshll.u32 s1, $0xD;
	s1 =	sshrl.u32 s1, $0x2  }
0xba: {  	s3 =	sand.u32 $0x4000, s31;
	s1 =	sadd.s32 s1, s30  }
0xbb: {  	s0 =	sor.u32 s3, s0;
	s1 =	sshll.u32 s1, $0x11  }
0xbc: {  	s0 =	sor.u32 s1, s0  }
0xbd: {  	s0 =	sadd.s32 $0x8F2B, s0  }
0xbe: {  	[sflag:s0] =	ssyncadd.remote.s32 $0x1  }
0xbf: {  	_ =	sfence.sel $0xFFFF  }
0xc0: {  	[dreg:$0x0] =	wrdreg $0xFFFFFFFF;
	(pc) =	sbr.abs _section_cstart, $3  }
0xc1: {  	[dreg:$0x1] =	wrdreg $0xFFFFFFFF  }
0xc2: {  	_ =	task.clear_ibuf [dreg:s7], $0x2FFFF;
	_ =	strace $0x9FFFFFFF  }
0xc3: {  	(tm) =	ssettm $0x7FFFFFFF  }
tec
execute0_lowered:
.L_overlay_start_1:
0x0: {  	(tag) =	ssettag $0x1  }
0x1: {  	s11 =	rddreg [dreg:$0x0]  }
0x2: {  	s1 =	rddreg [dreg:$0x1]  }
0x3: {  	s2 =	rddreg [dreg:$0x2]  }
0x4: {  	s0 =	rddreg [dreg:$0x3];
	s4 =	simm.s32 $0x0;
	s5 =	srdreg.scid  }
0x5: {  	s3 =	stileid.u32;
	[smem:$0x7FF] =	sst s4  }
0x6: {  	s8 =	sand.u32 $0x1, s5;
	s6 =	smul.u32 $0x5000, s3;
	s5 =	sadd.s32 $0x16A00, s11  }
0x7: {  	s16 =	sadd.s32 $0x16C00, s11;
	s10 =	smul.u32 $0x280, s3;
	s22 =	sshll.u32 s3, $0x6  }
0x8: {  	s23 =	sshll.u32 s3, $0x1;
	_ =	strace $0x80000047;
	s7 =	ssub.s32 $0x2, s8  }
0x9: {  	s13 =	sor.u32 s8, s23;
	s20 =	smul.u32 $0x140000, s8;
	s23 =	simm.s32 $0x10  }
0xa: {  	s9 =	sshrl.u32 s7, $0x1;
	s6 =	sshrl.u32 s6, $0x2;
	s12 =	sadd.s32 $0x80, s10  }
0xb: {  	s14 =	sadd.s32 $0x100, s10;
	s13 =	smul.u32 $0x2800, s13;
	s15 =	sadd.s32 $0x180, s10  }
0xc: {  	s19 =	sadd.s32 $0x200, s10;
	s17 =	ssub.s32 s7, s9;
	s18 =	sadd.s32 s6, s2  }
0xd: {  	s6 =	sor.u32 $0x1C02, s22;
	s24 =	sshll.u32 s12, $0x3;
	s25 =	sshll.u32 s14, $0x3  }
0xe: {  	s26 =	sshll.u32 s15, $0x3;
	s21 =	sshll.u32 s19, $0x3;
	s22 =	smul.u32 $0x14000, s3  }
0xf: {  	s12 =	sshll.u32 s12, $0x7;
	s14 =	sshll.u32 s14, $0x7;
	s15 =	sshll.u32 s15, $0x7  }
0x10: {  	s19 =	sshll.u32 s19, $0x7;
	s7 =	sadd.s32 s24, s2;
	s8 =	sadd.s32 s25, s2  }
0x11: {  	s9 =	sadd.s32 s26, s2;
	s10 =	sadd.s32 s21, s2;
	s13 =	sshrl.u32 s13, $0x3  }
0x12: {  	s30 =	sadd.s32 s20, s12;
	s14 =	sadd.s32 s20, s14;
	s15 =	sadd.s32 s20, s15  }
0x13: {  	s19 =	sadd.s32 s20, s19;
	s17 =	smax.u32 s17, $0x1;
	s18 =	sshrl.u32 s18, $0x3  }
0x14: {  	s21 =	simm.s32 $0x80;
	s24 =	simm.s32 $0x0;
	s28 =	sadd.s32 s22, s20  }
0x15: {  	s11 =	sadd.s32 s11, s13;
	s31 =	sshrl.u32 s30, $0x3;
	s14 =	sshrl.u32 s14, $0x3  }
0x16: {  	s15 =	sshrl.u32 s15, $0x3;
	s19 =	sshrl.u32 s19, $0x3;
	s20 =	simm.s32 $0x2800  }
0x17: {  	s22 =	simm.s32 $0x1;
	s29 =	sshrl.u32 s28, $0x3;
	s11 =	sadd.s32 $0xCA00, s11  }
0x18: {  	s13 =	sadd.s32 s16, s31;
	s14 =	sadd.s32 s16, s14;
	s15 =	sadd.s32 s16, s15  }
0x19: {  	s12 =	sadd.s32 s16, s29;
	s16 =	sadd.s32 s16, s19;
	s19 =	simm.s32 $0x2  }
.LBB2_1:
0x1a: {  	[spmem:s18], [sflag:s6] =	dma.local [hbm:s5], $0x80  }
0x1b: {  	_ =	swait.ge [sflag:s19], $0x80  }
0x1c: {  	[sflag:s19] =	ssyncset.done $0x0  }
0x1d: {  	s25 =	sshrl.u32 s7, $0x3;
	[sflag:s19] =	ssyncadd.s32 $0xFFFFFF80  }
0x1e: {  	[spmem:s25], [sflag:s6] =	dma.local [hbm:s5], $0x80  }
0x1f: {  	_ =	swait.ge [sflag:s19], $0x80  }
0x20: {  	[sflag:s19] =	ssyncset.done $0x0  }
0x21: {  	s26 =	sshrl.u32 s8, $0x3;
	[sflag:s19] =	ssyncadd.s32 $0xFFFFFF80  }
0x22: {  	[spmem:s26], [sflag:s6] =	dma.local [hbm:s5], $0x80  }
0x23: {  	_ =	swait.ge [sflag:s19], $0x80  }
0x24: {  	[sflag:s19] =	ssyncset.done $0x0  }
0x25: {  	s28 =	sshrl.u32 s9, $0x3;
	[sflag:s19] =	ssyncadd.s32 $0xFFFFFF80  }
0x26: {  	[spmem:s28], [sflag:s6] =	dma.local [hbm:s5], $0x80  }
0x27: {  	_ =	swait.ge [sflag:s19], $0x80  }
0x28: {  	[sflag:s19] =	ssyncset.done $0x0  }
0x29: {  	s29 =	sshrl.u32 s10, $0x3;
	[sflag:s19] =	ssyncadd.s32 $0xFFFFFF80  }
0x2a: {  	[spmem:s29], [sflag:s6] =	dma.local [hbm:s5], $0x80  }
0x2b: {  	_ =	swait.ge [sflag:s19], $0x80  }
0x2c: {  	[sflag:s19] =	ssyncset.done $0x0  }
0x2d: {  	[sflag:s19] =	ssyncadd.s32 $0xFFFFFF80  }
0x2e: {  	[tilespmem:s20], [sflag:$0x2] =	stream.linear.gather [hbm4b:s1+s4], $0x400, $0x38;
	[tilespmem:$0x4000] =	vst v63  }
0x2f: {  	_ =	swait.ge [sflag:s19], $0x400  }
0x30: {  	[sflag:s19] =	ssyncset.done $0x0  }
0x31: {  	[sflag:s19] =	ssyncadd.s32 $0xFFFFFC00  }
0x32: {  	[tilespmem:s4], [sflag:$0x2] =	stream.linear.gather [hbm4b:s11+s4], $0x2800, $0x38;
	[tilespmem:$0x4000] =	vst v63  }
0x33: {  	_ =	swait.ge [sflag:s19], $0x2800  }
0x34: {  	[sflag:s19] =	ssyncset.done $0x0  }
0x35: {  	[sflag:s19] =	ssyncadd.s32 $0xFFFFD800  }
0x36: {  	s30 =	simm.s32 $0x0;
	[bflag:$0x0] =	sbarrier.arrive $0xFFFF  }
.LBB2_2:
0x37: {  	p0 =	sne.s32 s30, $0x9E00  }
.Ltmp0:
0x38: {  	_ = 	snop;
	(pc) =	sbr.rel @p0 .LBB2_2-.Ltmp0, $3  }
0x39: {  	_ =	sdelay $0x1  }
0x3a: {  	s31 =	sshra.s32 s30, $0x2;
	s30 =	sadd.s32 $0x200, s30  }
0x3b: {  	[spmem:s2] =	stream.indirect.scatter.add.f32 [tilespmem:s20], [sflag:$0x1], $0x8, s31, s21, $0xb8;
	[tilespmem:$0x4000] =	vst v63  }
0x3c: {  	_ =	swait.ge [sflag:s22], $0x400  }
0x3d: {  	s30 =	simm.s32 $0x4F;
	[sflag:s22] =	ssyncset.done $0x0  }
.LBB2_4:
0x3e: {  	p0 =	sne.s32 s30, $0x1;
	s30 =	sadd.s32 $0xFFFFFFFF, s30;
	[sflag:s22] =	ssyncadd.s32 $0xFFFFFC00  }
.Ltmp1:
0x3f: {  	(pc) =	sbr.rel @p0 .LBB2_4-.Ltmp1, $3  }
0x40: {  	_ =	sdelay $0x1  }
0x41: {  	_ =	swait.ge [sflag:s22], $0x400  }
0x42: {  	[sflag:s22] =	ssyncset.done $0x0  }
0x43: {  	[sflag:s22] =	ssyncadd.s32 $0xFFFFFC00  }
0x44: {  	[bflag:$0x0] =	sbarrier.arrive $0xFFFF  }
0x45: {  	[hbm:s12@s23], [sflag:s6] =	dma.strided [spmem:s18@s22], $0x80, s22, $0x1   }
0x46: {  	_ =	swait.ge [sflag:s19], $0x80  }
0x47: {  	[sflag:s19] =	ssyncset.done $0x0  }
0x48: {  	[sflag:s19] =	ssyncadd.s32 $0xFFFFFF80  }
0x49: {  	[hbm:s13@s23], [sflag:s6] =	dma.strided [spmem:s25@s22], $0x80, s22, $0x1   }
0x4a: {  	_ =	swait.ge [sflag:s19], $0x80  }
0x4b: {  	[sflag:s19] =	ssyncset.done $0x0  }
0x4c: {  	[sflag:s19] =	ssyncadd.s32 $0xFFFFFF80  }
0x4d: {  	[hbm:s14@s23], [sflag:s6] =	dma.strided [spmem:s26@s22], $0x80, s22, $0x1   }
0x4e: {  	_ =	swait.ge [sflag:s19], $0x80  }
0x4f: {  	[sflag:s19] =	ssyncset.done $0x0  }
0x50: {  	[sflag:s19] =	ssyncadd.s32 $0xFFFFFF80  }
0x51: {  	[hbm:s15@s23], [sflag:s6] =	dma.strided [spmem:s28@s22], $0x80, s22, $0x1   }
0x52: {  	s24 =	sadd.s32 $0x1, s24;
	_ =	swait.ge [sflag:s19], $0x80  }
0x53: {  	p0 =	sne.s32 s24, s17;
	[sflag:s19] =	ssyncset.done $0x0  }
.Ltmp2:
0x54: {  	[sflag:s19] =	ssyncadd.s32 $0xFFFFFF80;
	(pc) =	sbr.rel @p0 .LBB2_1-.Ltmp2, $4  }
0x55: {  	[hbm:s16@s23], [sflag:s6] =	dma.strided [spmem:s29@s22], $0x80, s22, $0x1   }
0x56: {  	_ =	swait.ge [sflag:s19], $0x80  }
0x57: {  	[sflag:s19] =	ssyncset.done $0x0  }
0x58: {  	[sflag:s19] =	ssyncadd.s32 $0xFFFFFF80  }
0x59: {  	_ =	sfence.sel $0x180000  }
0x5a: {  	[bflag:$0x0] =	sbarrier.arrive $0xFFFF  }
0x5b: {  	p0 =	sne.s32 s3, $0x0;
	_ =	strace $0x90000047  }
0x5c: {  	s0 =	sadd.s32 @!p0 $0x100000, s0;
	[bflag:$0x2] =	sbarrier.arrive $0xFFFF  }
0x5d: {  	[sflag:s0] =	ssyncadd.tile.s32 @!p0 $0x1;
	_ =	shalt  }
.Lfunc_end2:
_tile_overlayer_lowered:
.L_overlay_start_2:
0x5e: {  	(tag) =	ssettag $0x2  }
0x5f: {  	s0 =	rddreg [dreg:$0x0];
	s2 =	stileid.u32  }
0x60: {  	s1 =	rddreg [dreg:$0x1];
	p0 =	sne.s32 s2, $0x0  }
0x61: {  	s3 =	rddreg [dreg:$0x2];
	[bflag:$0x3] =	sbarrier.arrive $0xFFFF;
	s2 =	simm.s32 @!p0 $0x1C02  }
0x62: {  	[timem:s3], [sflag:s2] =	dma.local @!p0 [hbm:s0], s1  }
0x63: {  	s0 =	simm.s32 @!p0 $0x2  }
0x64: {  	_ =	swait.ge @!p0 [sflag:s0], s1  }
0x65: {  	s1 =	ssub.s32 @!p0 $0x0, s1;
	[sflag:s0] =	ssyncset.done @!p0 $0x0  }
0x66: {  	[sflag:s0] =	ssyncadd.s32 @!p0 s1  }
0x67: {  	[bflag:$0x3] =	sbarrier.arrive $0xFFFF  }
0x68: {  	_ =	shalt  }

</sc_bundles>
